<compile_context>
chip_gen: v7x
topology: tpu7x:2x2x1
jax: 0.10.2.dev20260603
libtpu: 0.0.44.dev20260713+nightly
codegen_flags: <defaults>
</compile_context>

<pallas_src>
import functools

import jax
import jax.numpy as jnp
from jax import lax
from jax.experimental import pallas as pl
from jax.experimental.pallas import tpu as pltpu
from jax.experimental.pallas import tpu_sc as plsc

_N = 10000
_E = 320000
_HID = 600
_NCLS = 10
_NGR = 64
_PS = 320
_PW = 80
_BN = 1000
_NBLK = _N // _BN

_f32 = jnp.float32



def _ps_cols(a):
    z = jnp.zeros(a.shape[:-1] + (5,), a.dtype)
    parts = []
    for p in range(4):
        parts += [a[..., 75 * p:75 * (p + 1)], z]
    return jnp.concatenate(parts, axis=-1)


def _ps_rows(w):
    z = jnp.zeros(w.shape[:-2] + (5,) + w.shape[-1:], w.dtype)
    parts = []
    for p in range(4):
        parts += [w[..., 75 * p:75 * (p + 1), :], z]
    return jnp.concatenate(parts, axis=-2)



_NPAD = 10240
_NS = 16
_RPT = _NPAD // _NS
_CH = 80
_NCH = (_E // _NS) // _CH
_G = 5
_NGRP = _NCH // _G


def _make_agg():
    mesh = plsc.VectorSubcoreMesh(core_axis_name="c", subcore_axis_name="s",
                                  num_cores=2, num_subcores=16)

    def body(h0, h1, h2, h3, s3d, d3d, a0, a1, a2, a3,
             sidx, didx, stag, zbuf, spm, m0, m1, m2, m3, m4):
        c = lax.axis_index("c")
        s = lax.axis_index("s")
        sems = (m0, m1, m2, m3, m4)

        def run(h_hbm, out_hbm):
            rbase = s * _RPT

            def zr(i, carry):
                pltpu.sync_copy(zbuf, spm.at[pl.ds(rbase + i * 8, 8)])
                return carry
            lax.fori_loop(0, _RPT // 8, zr, 0)
            plsc.subcore_barrier()

            def grp(g, carry):
                base = g * _G
                descs = []
                for b in range(_G):
                    descs.append(pltpu.async_copy(
                        h_hbm.at[sidx.at[base + b]],
                        stag.at[pl.ds(b * _CH, _CH)], sems[b]))
                for b in range(_G):
                    descs[b].wait()
                    pltpu.sync_copy(stag.at[pl.ds(b * _CH, _CH)],
                                    spm.at[didx.at[base + b]], add=True)
                return carry
            lax.fori_loop(0, _NGRP, grp, 0)
            plsc.subcore_barrier()

            pltpu.sync_copy(spm.at[pl.ds(rbase, _RPT)], out_hbm.at[s])

        for r in range(8):
            for j in range(_PW // 16):
                zbuf[r, pl.ds(j * 16, 16)] = jnp.zeros((16,), _f32)
        pltpu.sync_copy(s3d.at[s], sidx)
        pltpu.sync_copy(d3d.at[s], didx)

        @pl.when(c == 0)
        def _():
            run(h0, a0)
            run(h1, a1)

        @pl.when(c == 1)
        def _():
            run(h2, a2)
            run(h3, a3)

    out = jax.ShapeDtypeStruct((_NS, _RPT, _PW), _f32)
    return pl.kernel(
        body,
        out_type=[out, out, out, out],
        mesh=mesh,
        compiler_params=pltpu.CompilerParams(use_tc_tiling_on_sc=False),
        scratch_types=[
            pltpu.VMEM((_NCH, _CH), jnp.int32),
            pltpu.VMEM((_NCH, _CH), jnp.int32),
            pltpu.VMEM((_G * _CH, _PW), _f32),
            pltpu.VMEM((8, _PW), _f32),
            pltpu.VMEM_SHARED((_NPAD, _PW), _f32),
            pltpu.SemaphoreType.DMA,
            pltpu.SemaphoreType.DMA,
            pltpu.SemaphoreType.DMA,
            pltpu.SemaphoreType.DMA,
            pltpu.SemaphoreType.DMA,
        ],
    )


@functools.lru_cache(maxsize=None)
def _get_agg():
    return _make_agg()


def _agg(h0, h1, h2, h3, s3d, d3d):
    outs = _get_agg()(h0, h1, h2, h3, s3d, d3d)
    return [o.reshape(-1, _PW)[:_N] for o in outs]



def _lin1_body(h0, h1, h2, h3, a0, a1, a2, a3, w, wf, ff, b, t_out, st_out):
    i = pl.program_id(0)
    hp = [h0[...] + a0[...], h1[...] + a1[...],
          h2[...] + a2[...], h3[...] + a3[...]]
    lhs = jnp.concatenate(hp, axis=1)
    t320 = jnp.dot(lhs, w[...], preferred_element_type=_f32)
    lhs128 = jnp.concatenate([p[:, :32] for p in hp], axis=1)
    t128 = jnp.dot(lhs128, wf[...], preferred_element_type=_f32,
                   precision=lax.Precision.HIGHEST)
    t = jnp.where(ff[...] > 0.0, t128, t320) + b[...]
    t_out[...] = t

    @pl.when(i == 0)
    def _():
        st_out[...] = jnp.zeros((2, _HID), _f32)

    st_out[...] += jnp.stack([jnp.sum(t, axis=0), jnp.sum(t * t, axis=0)])


def _lin1(h0, h1, h2, h3, a0, a1, a2, a3, w, wf, ff, b):
    hspec = pl.BlockSpec((_BN, _PW), lambda i: (i, 0))
    return pl.pallas_call(
        _lin1_body,
        grid=(_NBLK,),
        in_specs=[hspec] * 8 + [
            pl.BlockSpec((_PS, _HID), lambda i: (0, 0)),
            pl.BlockSpec((128, _HID), lambda i: (0, 0)),
            pl.BlockSpec((1, 1), lambda i: (0, 0)),
            pl.BlockSpec((1, _HID), lambda i: (0, 0)),
        ],
        out_specs=[
            pl.BlockSpec((_BN, _HID), lambda i: (i, 0)),
            pl.BlockSpec((2, _HID), lambda i: (0, 0)),
        ],
        out_shape=[jax.ShapeDtypeStruct((_N, _HID), _f32),
                   jax.ShapeDtypeStruct((2, _HID), _f32)],
    )(h0, h1, h2, h3, a0, a1, a2, a3, w, wf, ff, b)




def _var_body(nc, x, st, v_out):
    i = pl.program_id(0)
    m = st[...][0:1, :] / _N
    dx = x[...] - m

    @pl.when(i == 0)
    def _():
        v_out[...] = jnp.zeros((1, nc), _f32)

    v_out[...] += jnp.sum(dx * dx, axis=0, keepdims=True)


def _var(x, st, nc):
    return pl.pallas_call(
        functools.partial(_var_body, nc),
        grid=(_NBLK,),
        in_specs=[
            pl.BlockSpec((_BN, nc), lambda i: (i, 0)),
            pl.BlockSpec((2, nc), lambda i: (0, 0)),
        ],
        out_specs=pl.BlockSpec((1, nc), lambda i: (0, 0)),
        out_shape=jax.ShapeDtypeStruct((1, nc), _f32),
    )(x, st)

def _lin2_body(t, st, vs, g, bb, w2, b2, u_out, su_out):
    i = pl.program_id(0)
    m = st[...][0:1, :] / _N
    v = vs[...] / _N
    tn = (t[...] - m) * lax.rsqrt(v + 1e-5) * g[...] + bb[...]
    r = jnp.maximum(tn, 0.0)
    u = jnp.dot(r, w2[...], preferred_element_type=_f32) + b2[...]
    u_out[...] = u

    @pl.when(i == 0)
    def _():
        su_out[...] = jnp.zeros((2, _PS), _f32)

    su_out[...] += jnp.stack([jnp.sum(u, axis=0), jnp.sum(u * u, axis=0)])


def _lin2(t, st, vs, g, bb, w2, b2):
    return pl.pallas_call(
        _lin2_body,
        grid=(_NBLK,),
        in_specs=[
            pl.BlockSpec((_BN, _HID), lambda i: (i, 0)),
            pl.BlockSpec((2, _HID), lambda i: (0, 0)),
            pl.BlockSpec((1, _HID), lambda i: (0, 0)),
            pl.BlockSpec((1, _HID), lambda i: (0, 0)),
            pl.BlockSpec((1, _HID), lambda i: (0, 0)),
            pl.BlockSpec((_HID, _PS), lambda i: (0, 0)),
            pl.BlockSpec((1, _PS), lambda i: (0, 0)),
        ],
        out_specs=[
            pl.BlockSpec((_BN, _PS), lambda i: (i, 0)),
            pl.BlockSpec((2, _PS), lambda i: (0, 0)),
        ],
        out_shape=[jax.ShapeDtypeStruct((_N, _PS), _f32),
                   jax.ShapeDtypeStruct((2, _PS), _f32)],
    )(t, st, vs, g, bb, w2, b2)


def _post_body(u, su, vs, g, bb, bt, rf, post_out, pool_out):
    i = pl.program_id(0)
    m = su[...][0:1, :] / _N
    v = vs[...] / _N
    p = (u[...] - m) * lax.rsqrt(v + 1e-5) * g[...] + bb[...]
    p = jnp.where(rf[...] > 0.0, jnp.maximum(p, 0.0), p)
    post_out[...] = p
    bblk = bt[...].reshape(1, _BN)
    oh = (lax.broadcasted_iota(jnp.int32, (_NGR, _BN), 0) == bblk
          ).astype(_f32)
    pp = jnp.dot(oh, p, preferred_element_type=_f32,
                 precision=lax.Precision.HIGHEST)

    @pl.when(i == 0)
    def _():
        pool_out[...] = jnp.zeros((_NGR, _PS), _f32)

    pool_out[...] += pp


def _post(u, su, vs, g, bb, bt, rf):
    return pl.pallas_call(
        _post_body,
        grid=(_NBLK,),
        in_specs=[
            pl.BlockSpec((_BN, _PS), lambda i: (i, 0)),
            pl.BlockSpec((2, _PS), lambda i: (0, 0)),
            pl.BlockSpec((1, _PS), lambda i: (0, 0)),
            pl.BlockSpec((1, _PS), lambda i: (0, 0)),
            pl.BlockSpec((1, _PS), lambda i: (0, 0)),
            pl.BlockSpec((1, 1, _BN), lambda i: (i, 0, 0)),
            pl.BlockSpec((1, 1), lambda i: (0, 0)),
        ],
        out_specs=[
            pl.BlockSpec((_BN, _PS), lambda i: (i, 0)),
            pl.BlockSpec((_NGR, _PS), lambda i: (0, 0)),
        ],
        out_shape=[jax.ShapeDtypeStruct((_N, _PS), _f32),
                   jax.ShapeDtypeStruct((_NGR, _PS), _f32)],
    )(u, su, vs, g, bb, bt, rf)


def _vnadd_body(post, bt, vn, h0_out, h1_out, h2_out, h3_out):
    bblk = bt[...].reshape(_BN, 1)
    oht = (bblk == lax.broadcasted_iota(jnp.int32, (_BN, _NGR), 1)
           ).astype(_f32)
    h = post[...] + jnp.dot(oht, vn[...], preferred_element_type=_f32,
                            precision=lax.Precision.HIGHEST)
    h0_out[...] = h[:, 0 * _PW:1 * _PW]
    h1_out[...] = h[:, 1 * _PW:2 * _PW]
    h2_out[...] = h[:, 2 * _PW:3 * _PW]
    h3_out[...] = h[:, 3 * _PW:4 * _PW]


def _vnadd(post, bt, vn):
    hs = jax.ShapeDtypeStruct((_N, _PW), _f32)
    hspec = pl.BlockSpec((_BN, _PW), lambda i: (i, 0))
    return pl.pallas_call(
        _vnadd_body,
        grid=(_NBLK,),
        in_specs=[
            pl.BlockSpec((_BN, _PS), lambda i: (i, 0)),
            pl.BlockSpec((1, 1, _BN), lambda i: (i, 0, 0)),
            pl.BlockSpec((_NGR, _PS), lambda i: (0, 0)),
        ],
        out_specs=[hspec] * 4,
        out_shape=[hs] * 4,
    )(post, bt, vn)


def _vmlp_body(pool, vn, vn0, ff, uf, w1, b1, g1, bb1, w2, b2, g2, bb2, out):
    v = pool[...] + vn[...]
    z = jnp.dot(v, w1[...], preferred_element_type=_f32) + b1[...]
    m = jnp.mean(z, axis=0, keepdims=True)
    var = jnp.mean((z - m) * (z - m), axis=0, keepdims=True)
    z = jnp.maximum((z - m) * lax.rsqrt(var + 1e-5) * g1[...] + bb1[...], 0.0)
    z2 = jnp.dot(z, w2[...], preferred_element_type=_f32) + b2[...]
    m2 = jnp.mean(z2, axis=0, keepdims=True)
    var2 = jnp.mean((z2 - m2) * (z2 - m2), axis=0, keepdims=True)
    z3 = jnp.maximum(
        (z2 - m2) * lax.rsqrt(var2 + 1e-5) * g2[...] + bb2[...], 0.0)
    keep = jnp.where(uf[...] > 0.0, z3, vn[...])
    out[...] = jnp.where(ff[...] > 0.0, vn0[...], keep)


def _vmlp(pool, vn, vn0, ff, uf, w1, b1, g1, bb1, w2, b2, g2, bb2):
    return pl.pallas_call(
        _vmlp_body,
        out_shape=jax.ShapeDtypeStruct((_NGR, _PS), _f32),
    )(pool, vn, vn0, ff, uf, w1, b1, g1, bb1, w2, b2, g2, bb2)


def _pred_body(pool, ball, w, b, out):
    ba = ball[...].reshape(1, _N)
    cnt = jnp.sum(
        (lax.broadcasted_iota(jnp.int32, (_NGR, _N), 0) == ba).astype(_f32),
        axis=1)
    mean = pool[...] / jnp.maximum(cnt, 1.0)[:, None]
    out[...] = jnp.dot(mean, w[...], preferred_element_type=_f32) + b[...]


def _pred(pool, ball, w, b):
    return pl.pallas_call(
        _pred_body,
        out_shape=jax.ShapeDtypeStruct((_NGR, _NCLS), _f32),
    )(pool, ball, w, b)



def kernel(x, edge_index, batch, vn_emb, conv1_w1, conv1_b1, conv1_bng,
           conv1_bnb, conv1_w2, conv1_b2, bn1_g, bn1_b, convs_w1, convs_b1,
           convs_bng, convs_bnb, convs_w2, convs_b2, bns_g, bns_b, vmlp_w1,
           vmlp_b1, vmlp_bn1g, vmlp_bn1b, vmlp_w2, vmlp_b2, vmlp_bn2g,
           vmlp_bn2b, pred_w, pred_b):
    src3d = edge_index[0].reshape(_NS, _NCH, _CH)
    dst3d = edge_index[1].reshape(_NS, _NCH, _CH)
    bt = batch.reshape(_NBLK, 1, _BN)
    L = convs_w1.shape[0]

    zx = jnp.zeros((_N, 48), _f32)
    x_ps = jnp.concatenate(
        sum([[x[:, 32 * p:32 * (p + 1)], zx] for p in range(4)], []), axis=1)
    zw = jnp.zeros((48, _HID), _f32)
    w1_l1 = jnp.concatenate(
        sum([[conv1_w1[32 * p:32 * (p + 1)], zw] for p in range(4)], []),
        axis=0)

    W1s = jnp.concatenate([w1_l1[None], _ps_rows(convs_w1)], axis=0)
    W1f = jnp.concatenate([conv1_w1[None],
                           jnp.zeros((L, 128, _HID), _f32)], axis=0)
    B1s = jnp.concatenate([conv1_b1[None], convs_b1], axis=0)[:, None, :]
    G1s = jnp.concatenate([conv1_bng[None], convs_bng], axis=0)[:, None, :]
    BB1s = jnp.concatenate([conv1_bnb[None], convs_bnb], axis=0)[:, None, :]
    W2s = jnp.concatenate([_ps_cols(conv1_w2)[None], _ps_cols(convs_w2)],
                          axis=0)
    B2s = jnp.concatenate([_ps_cols(conv1_b2)[None], _ps_cols(convs_b2)],
                          axis=0)[:, None, :]
    G2s = jnp.concatenate([_ps_cols(bn1_g)[None], _ps_cols(bns_g)],
                          axis=0)[:, None, :]
    BB2s = jnp.concatenate([_ps_cols(bn1_b)[None], _ps_cols(bns_b)],
                           axis=0)[:, None, :]
    nlay = L + 1
    relu_fs = jnp.array([[[1.0]]] * (nlay - 1) + [[[0.0]]], _f32)
    first_fs = jnp.array([[[1.0]]] + [[[0.0]]] * (nlay - 1), _f32)
    vnup_fs = jnp.array([[[0.0]]] + [[[1.0]]] * (nlay - 2) + [[[0.0]]], _f32)

    r1 = lambda a: a.reshape(1, -1)
    vw1 = _ps_rows(vmlp_w1)
    vw2 = _ps_cols(vmlp_w2)
    vb1 = r1(vmlp_b1)
    vg1 = r1(vmlp_bn1g)
    vbb1 = r1(vmlp_bn1b)
    vb2 = r1(_ps_cols(vmlp_b2))
    vg2 = r1(_ps_cols(vmlp_bn2g))
    vbb2 = r1(_ps_cols(vmlp_bn2b))
    predw = _ps_rows(pred_w)
    vn0 = jnp.broadcast_to(_ps_cols(vn_emb[0]), (_NGR, _PS))

    def layer(carry, xs):
        post, vn = carry
        w1, w1f, b1, g1, bb1, w2, b2, g2, bb2, rf, ff, uf = xs
        h0, h1, h2, h3 = _vnadd(post, bt, vn)
        a0, a1, a2, a3 = _agg(h0, h1, h2, h3, src3d, dst3d)
        t, st = _lin1(h0, h1, h2, h3, a0, a1, a2, a3, w1, w1f, ff, b1)
        tv = _var(t, st, _HID)
        u, su = _lin2(t, st, tv, g1, bb1, w2, b2)
        uv = _var(u, su, _PS)
        post2, pool = _post(u, su, uv, g2, bb2, bt, rf)
        vn2 = _vmlp(pool, vn, vn0, ff, uf, vw1, vb1, vg1, vbb1,
                    vw2, vb2, vg2, vbb2)
        return (post2, vn2), pool

    init = (x_ps, jnp.zeros((_NGR, _PS), _f32))
    xs = (W1s, W1f, B1s, G1s, BB1s, W2s, B2s, G2s, BB2s,
          relu_fs, first_fs, vnup_fs)
    (_, _), pools = lax.scan(layer, init, xs)

    return _pred(pools[nlay - 1], batch.reshape(1, _N), predw, r1(pred_b))

# --- scband reference (transcript-rebuilt; emitter-appended) ---
"""Pipeline reference for scband-ginnet-9251359555630 (READ-ONLY COPY).

The authoritative reference and input builder live on the scoring server;
editing this copy changes nothing except your own understanding.
"""

import jax, jax.numpy as jnp
import numpy as np

N = 10000
E = 320000
FIRST_DIM = 128
EMB = 300
HID = 600
NUM_CLASSES = 10
NUM_GRAPHS = 64
NUM_LAYER = 5

def _bn(h, g, b):
    m = jnp.mean(h, axis=0)
    v = jnp.var(h, axis=0)
    return (h - m) / jnp.sqrt(v + 1e-5) * g + b

def setup_inputs(seed: int = 0):
    key = jax.random.key(seed)
    ks = iter(jax.random.split(key, 16))
    def nrm(shape, s=0.05):
        return jax.random.normal(next(ks), shape, dtype=jnp.float32) * s
    inp = {}
    inp['x'] = jax.random.normal(next(ks), (N, FIRST_DIM), dtype=jnp.float32)
    inp['edge_index'] = jax.random.randint(next(ks), (2, E), 0, N, dtype=jnp.int32)
    b = jnp.sort(jax.random.randint(next(ks), (N,), 0, NUM_GRAPHS, dtype=jnp.int32))
    inp['batch'] = b.at[-1].set(NUM_GRAPHS - 1)
    L = NUM_LAYER - 1
    inp['vn_emb'] = nrm((1, EMB))
    inp['conv1_w1'] = nrm((FIRST_DIM, HID)); inp['conv1_b1'] = jnp.zeros((HID,), jnp.float32)
    inp['conv1_bng'] = jnp.ones((HID,), jnp.float32); inp['conv1_bnb'] = jnp.zeros((HID,), jnp.float32)
    inp['conv1_w2'] = nrm((HID, EMB)); inp['conv1_b2'] = jnp.zeros((EMB,), jnp.float32)
    inp['bn1_g'] = jnp.ones((EMB,), jnp.float32); inp['bn1_b'] = jnp.zeros((EMB,), jnp.float32)
    inp['convs_w1'] = nrm((L, EMB, HID)); inp['convs_b1'] = jnp.zeros((L, HID), jnp.float32)
    inp['convs_bng'] = jnp.ones((L, HID), jnp.float32); inp['convs_bnb'] = jnp.zeros((L, HID), jnp.float32)
    inp['convs_w2'] = nrm((L, HID, EMB)); inp['convs_b2'] = jnp.zeros((L, EMB), jnp.float32)
    inp['bns_g'] = jnp.ones((L, EMB), jnp.float32); inp['bns_b'] = jnp.zeros((L, EMB), jnp.float32)
    inp['vmlp_w1'] = nrm((EMB, HID)); inp['vmlp_b1'] = jnp.zeros((HID,), jnp.float32)
    inp['vmlp_bn1g'] = jnp.ones((HID,), jnp.float32); inp['vmlp_bn1b'] = jnp.zeros((HID,), jnp.float32)
    inp['vmlp_w2'] = nrm((HID, EMB)); inp['vmlp_b2'] = jnp.zeros((EMB,), jnp.float32)
    inp['vmlp_bn2g'] = jnp.ones((EMB,), jnp.float32); inp['vmlp_bn2b'] = jnp.zeros((EMB,), jnp.float32)
    inp['pred_w'] = nrm((EMB, NUM_CLASSES)); inp['pred_b'] = jnp.zeros((NUM_CLASSES,), jnp.float32)
    return inp

def reference(x, edge_index, batch, vn_emb, conv1_w1, conv1_b1, conv1_bng, conv1_bnb, conv1_w2, conv1_b2, bn1_g, bn1_b, convs_w1, convs_b1, convs_bng, convs_bnb, convs_w2, convs_b2, bns_g, bns_b, vmlp_w1, vmlp_b1, vmlp_bn1g, vmlp_bn1b, vmlp_w2, vmlp_b2, vmlp_bn2g, vmlp_bn2b, pred_w, pred_b):
    src, dst = edge_index[0], edge_index[1]
    num_graphs = NUM_GRAPHS
    def gin(h, w1, b1, g1, bb1, w2, b2):
        agg = jnp.zeros_like(h).at[dst].add(h[src])
        t = (h + agg) @ w1 + b1
        t = jax.nn.relu(_bn(t, g1, bb1))
        return t @ w2 + b2
    vn = jnp.broadcast_to(vn_emb[0], (num_graphs, EMB))
    post = jax.nn.relu(_bn(gin(x, conv1_w1, conv1_b1, conv1_bng, conv1_bnb, conv1_w2, conv1_b2), bn1_g, bn1_b))
    L = convs_w1.shape[0]
    for i in range(L):
        post = post + vn[batch]
        post = _bn(gin(post, convs_w1[i], convs_b1[i], convs_bng[i], convs_bnb[i], convs_w2[i], convs_b2[i]), bns_g[i], bns_b[i])
        if i < L - 1:
            post = jax.nn.relu(post)
            pooled = jax.ops.segment_sum(post, batch, num_segments=num_graphs)
            v = pooled + vn
            v = jax.nn.relu(_bn(v @ vmlp_w1 + vmlp_b1, vmlp_bn1g, vmlp_bn1b))
            vn = jax.nn.relu(_bn(v @ vmlp_w2 + vmlp_b2, vmlp_bn2g, vmlp_bn2b))
    counts = jax.ops.segment_sum(jnp.ones((post.shape[0],), jnp.float32), batch, num_segments=num_graphs)
    mean_pool = jax.ops.segment_sum(post, batch, num_segments=num_graphs) / jnp.maximum(counts, 1.0)[:, None]
    return mean_pool @ pred_w + pred_b

if __name__ == "__main__":
    import jax
    _d = setup_inputs()
    print(jax.jit(kernel)(*tuple(_d.values())))

</pallas_src>

<mosaic_0001>
#map = affine_map<(d0, d1) -> (0, 0)>
#map1 = affine_map<(d0, d1) -> (0, 0, 0)>
module attributes {stable_mosaic.version = 14 : i64} {
  func.func @body(%arg0: i32, %arg1: i32, %arg2: memref<10000x80xf32, #tpu.memory_space<hbm>>, %arg3: memref<10000x80xf32, #tpu.memory_space<hbm>>, %arg4: memref<10000x80xf32, #tpu.memory_space<hbm>>, %arg5: memref<10000x80xf32, #tpu.memory_space<hbm>>, %arg6: memref<16x250x80xi32, #tpu.memory_space<hbm>>, %arg7: memref<16x250x80xi32, #tpu.memory_space<hbm>>, %arg8: memref<16x640x80xf32, #tpu.memory_space<hbm>>, %arg9: memref<16x640x80xf32, #tpu.memory_space<hbm>>, %arg10: memref<16x640x80xf32, #tpu.memory_space<hbm>>, %arg11: memref<16x640x80xf32, #tpu.memory_space<hbm>>, %arg12: memref<250x80xi32, #tpu.memory_space<vmem>>, %arg13: memref<250x80xi32, #tpu.memory_space<vmem>>, %arg14: memref<400x80xf32, #tpu.memory_space<vmem>>, %arg15: memref<8x80xf32, #tpu.memory_space<vmem>>, %arg16: memref<10240x80xf32, #tpu.memory_space<vmem_shared>>, %arg17: memref<!tpu.dma_semaphore, #tpu.memory_space<semaphore_mem>>, %arg18: memref<!tpu.dma_semaphore, #tpu.memory_space<semaphore_mem>>, %arg19: memref<!tpu.dma_semaphore, #tpu.memory_space<semaphore_mem>>, %arg20: memref<!tpu.dma_semaphore, #tpu.memory_space<semaphore_mem>>, %arg21: memref<!tpu.dma_semaphore, #tpu.memory_space<semaphore_mem>>) attributes {dimension_semantics = [#tpu.dimension_semantics<core_parallel>, #tpu.dimension_semantics<subcore_parallel>], iteration_bounds = array<i64: 2, 16>, scalar_prefetch = 0 : i64, scratch_operands = 10 : i64, tpu.core_type = #tpu.core_type<sc_vector_subcore>, window_params = [{transform_indices = #map}, {transform_indices = #map}, {transform_indices = #map}, {transform_indices = #map}, {transform_indices = #map1}, {transform_indices = #map1}, {transform_indices = #map1}, {transform_indices = #map1}, {transform_indices = #map1}, {transform_indices = #map1}]} {
    %broadcast_in_dim3A = arith.constant 0.000000e+00 : f32
    %broadcast_in_dim3A_0 = vector.broadcast %broadcast_in_dim3A : f32 to vector<16xf32>
    %swap3A = arith.constant 0 : i32
    %swap3A_1 = arith.index_cast %swap3A : i32 to index
    %swap3A_2 = arith.constant 0 : index
    %swap3A_3 = tpu.vector_load %arg15[%swap3A_1, %swap3A_2] {strides = array<i32>} : memref<8x80xf32, #tpu.memory_space<vmem>>, vector<1x16xf32>,
    %swap3A_4 = vector.shape_cast %swap3A_3 : vector<1x16xf32> to vector<16xf32>
    %swap3A_5 = vector.shape_cast %broadcast_in_dim3A_0 : vector<16xf32> to vector<1x16xf32>
    tpu.vector_store %arg15[%swap3A_1, %swap3A_2], %swap3A_5 {strides = array<i32>} : memref<8x80xf32, #tpu.memory_space<vmem>>, vector<1x16xf32>,
    %broadcast_in_dim3A_6 = arith.constant 0.000000e+00 : f32
    %broadcast_in_dim3A_7 = vector.broadcast %broadcast_in_dim3A_6 : f32 to vector<16xf32>
    %swap3A_8 = arith.constant 0 : i32
    %swap3A_9 = arith.index_cast %swap3A_8 : i32 to index
    %swap3A_10 = arith.constant 16 : index
    %swap3A_11 = tpu.vector_load %arg15[%swap3A_9, %swap3A_10] {strides = array<i32>} : memref<8x80xf32, #tpu.memory_space<vmem>>, vector<1x16xf32>,
    %swap3A_12 = vector.shape_cast %swap3A_11 : vector<1x16xf32> to vector<16xf32>
    %swap3A_13 = vector.shape_cast %broadcast_in_dim3A_7 : vector<16xf32> to vector<1x16xf32>
    tpu.vector_store %arg15[%swap3A_9, %swap3A_10], %swap3A_13 {strides = array<i32>} : memref<8x80xf32, #tpu.memory_space<vmem>>, vector<1x16xf32>,
    %broadcast_in_dim3A_14 = arith.constant 0.000000e+00 : f32
    %broadcast_in_dim3A_15 = vector.broadcast %broadcast_in_dim3A_14 : f32 to vector<16xf32>
    %swap3A_16 = arith.constant 0 : i32
    %swap3A_17 = arith.index_cast %swap3A_16 : i32 to index
    %swap3A_18 = arith.constant 32 : index
    %swap3A_19 = tpu.vector_load %arg15[%swap3A_17, %swap3A_18] {strides = array<i32>} : memref<8x80xf32, #tpu.memory_space<vmem>>, vector<1x16xf32>,
    %swap3A_20 = vector.shape_cast %swap3A_19 : vector<1x16xf32> to vector<16xf32>
    %swap3A_21 = vector.shape_cast %broadcast_in_dim3A_15 : vector<16xf32> to vector<1x16xf32>
    tpu.vector_store %arg15[%swap3A_17, %swap3A_18], %swap3A_21 {strides = array<i32>} : memref<8x80xf32, #tpu.memory_space<vmem>>, vector<1x16xf32>,
    %broadcast_in_dim3A_22 = arith.constant 0.000000e+00 : f32
    %broadcast_in_dim3A_23 = vector.broadcast %broadcast_in_dim3A_22 : f32 to vector<16xf32>
    %swap3A_24 = arith.constant 0 : i32
    %swap3A_25 = arith.index_cast %swap3A_24 : i32 to index
    %swap3A_26 = arith.constant 48 : index
    %swap3A_27 = tpu.vector_load %arg15[%swap3A_25, %swap3A_26] {strides = array<i32>} : memref<8x80xf32, #tpu.memory_space<vmem>>, vector<1x16xf32>,
    %swap3A_28 = vector.shape_cast %swap3A_27 : vector<1x16xf32> to vector<16xf32>
    %swap3A_29 = vector.shape_cast %broadcast_in_dim3A_23 : vector<16xf32> to vector<1x16xf32>
    tpu.vector_store %arg15[%swap3A_25, %swap3A_26], %swap3A_29 {strides = array<i32>} : memref<8x80xf32, #tpu.memory_space<vmem>>, vector<1x16xf32>,
    %broadcast_in_dim3A_30 = arith.constant 0.000000e+00 : f32
    %broadcast_in_dim3A_31 = vector.broadcast %broadcast_in_dim3A_30 : f32 to vector<16xf32>
    %swap3A_32 = arith.constant 0 : i32
    %swap3A_33 = arith.index_cast %swap3A_32 : i32 to index
    %swap3A_34 = arith.constant 64 : index
    %swap3A_35 = tpu.vector_load %arg15[%swap3A_33, %swap3A_34] {strides = array<i32>} : memref<8x80xf32, #tpu.memory_space<vmem>>, vector<1x16xf32>,
    %swap3A_36 = vector.shape_cast %swap3A_35 : vector<1x16xf32> to vector<16xf32>
    %swap3A_37 = vector.shape_cast %broadcast_in_dim3A_31 : vector<16xf32> to vector<1x16xf32>
    tpu.vector_store %arg15[%swap3A_33, %swap3A_34], %swap3A_37 {strides = array<i32>} : memref<8x80xf32, #tpu.memory_space<vmem>>, vector<1x16xf32>,
    %broadcast_in_dim3A_38 = arith.constant 0.000000e+00 : f32
    %broadcast_in_dim3A_39 = vector.broadcast %broadcast_in_dim3A_38 : f32 to vector<16xf32>
    %swap3A_40 = arith.constant 1 : i32
    %swap3A_41 = arith.index_cast %swap3A_40 : i32 to index
    %swap3A_42 = arith.constant 0 : index
    %swap3A_43 = tpu.vector_load %arg15[%swap3A_41, %swap3A_42] {strides = array<i32>} : memref<8x80xf32, #tpu.memory_space<vmem>>, vector<1x16xf32>,
    %swap3A_44 = vector.shape_cast %swap3A_43 : vector<1x16xf32> to vector<16xf32>
    %swap3A_45 = vector.shape_cast %broadcast_in_dim3A_39 : vector<16xf32> to vector<1x16xf32>
    tpu.vector_store %arg15[%swap3A_41, %swap3A_42], %swap3A_45 {strides = array<i32>} : memref<8x80xf32, #tpu.memory_space<vmem>>, vector<1x16xf32>,
    %broadcast_in_dim3A_46 = arith.constant 0.000000e+00 : f32
    %broadcast_in_dim3A_47 = vector.broadcast %broadcast_in_dim3A_46 : f32 to vector<16xf32>
    %swap3A_48 = arith.constant 1 : i32
    %swap3A_49 = arith.index_cast %swap3A_48 : i32 to index
    %swap3A_50 = arith.constant 16 : index
    %swap3A_51 = tpu.vector_load %arg15[%swap3A_49, %swap3A_50] {strides = array<i32>} : memref<8x80xf32, #tpu.memory_space<vmem>>, vector<1x16xf32>,
    %swap3A_52 = vector.shape_cast %swap3A_51 : vector<1x16xf32> to vector<16xf32>
    %swap3A_53 = vector.shape_cast %broadcast_in_dim3A_47 : vector<16xf32> to vector<1x16xf32>
    tpu.vector_store %arg15[%swap3A_49, %swap3A_50], %swap3A_53 {strides = array<i32>} : memref<8x80xf32, #tpu.memory_space<vmem>>, vector<1x16xf32>,
    %broadcast_in_dim3A_54 = arith.constant 0.000000e+00 : f32
    %broadcast_in_dim3A_55 = vector.broadcast %broadcast_in_dim3A_54 : f32 to vector<16xf32>
    %swap3A_56 = arith.constant 1 : i32
    %swap3A_57 = arith.index_cast %swap3A_56 : i32 to index
    %swap3A_58 = arith.constant 32 : index
    %swap3A_59 = tpu.vector_load %arg15[%swap3A_57, %swap3A_58] {strides = array<i32>} : memref<8x80xf32, #tpu.memory_space<vmem>>, vector<1x16xf32>,
    %swap3A_60 = vector.shape_cast %swap3A_59 : vector<1x16xf32> to vector<16xf32>
    %swap3A_61 = vector.shape_cast %broadcast_in_dim3A_55 : vector<16xf32> to vector<1x16xf32>
    tpu.vector_store %arg15[%swap3A_57, %swap3A_58], %swap3A_61 {strides = array<i32>} : memref<8x80xf32, #tpu.memory_space<vmem>>, vector<1x16xf32>,
    %broadcast_in_dim3A_62 = arith.constant 0.000000e+00 : f32
    %broadcast_in_dim3A_63 = vector.broadcast %broadcast_in_dim3A_62 : f32 to vector<16xf32>
    %swap3A_64 = arith.constant 1 : i32
    %swap3A_65 = arith.index_cast %swap3A_64 : i32 to index
    %swap3A_66 = arith.constant 48 : index
    %swap3A_67 = tpu.vector_load %arg15[%swap3A_65, %swap3A_66] {strides = array<i32>} : memref<8x80xf32, #tpu.memory_space<vmem>>, vector<1x16xf32>,
    %swap3A_68 = vector.shape_cast %swap3A_67 : vector<1x16xf32> to vector<16xf32>
    %swap3A_69 = vector.shape_cast %broadcast_in_dim3A_63 : vector<16xf32> to vector<1x16xf32>
    tpu.vector_store %arg15[%swap3A_65, %swap3A_66], %swap3A_69 {strides = array<i32>} : memref<8x80xf32, #tpu.memory_space<vmem>>, vector<1x16xf32>,
    %broadcast_in_dim3A_70 = arith.constant 0.000000e+00 : f32
    %broadcast_in_dim3A_71 = vector.broadcast %broadcast_in_dim3A_70 : f32 to vector<16xf32>
    %swap3A_72 = arith.constant 1 : i32
    %swap3A_73 = arith.index_cast %swap3A_72 : i32 to index
    %swap3A_74 = arith.constant 64 : index
    %swap3A_75 = tpu.vector_load %arg15[%swap3A_73, %swap3A_74] {strides = array<i32>} : memref<8x80xf32, #tpu.memory_space<vmem>>, vector<1x16xf32>,
    %swap3A_76 = vector.shape_cast %swap3A_75 : vector<1x16xf32> to vector<16xf32>
    %swap3A_77 = vector.shape_cast %broadcast_in_dim3A_71 : vector<16xf32> to vector<1x16xf32>
    tpu.vector_store %arg15[%swap3A_73, %swap3A_74], %swap3A_77 {strides = array<i32>} : memref<8x80xf32, #tpu.memory_space<vmem>>, vector<1x16xf32>,
    %broadcast_in_dim3A_78 = arith.constant 0.000000e+00 : f32
    %broadcast_in_dim3A_79 = vector.broadcast %broadcast_in_dim3A_78 : f32 to vector<16xf32>
    %swap3A_80 = arith.constant 2 : i32
    %swap3A_81 = arith.index_cast %swap3A_80 : i32 to index
    %swap3A_82 = arith.constant 0 : index
    %swap3A_83 = tpu.vector_load %arg15[%swap3A_81, %swap3A_82] {strides = array<i32>} : memref<8x80xf32, #tpu.memory_space<vmem>>, vector<1x16xf32>,
    %swap3A_84 = vector.shape_cast %swap3A_83 : vector<1x16xf32> to vector<16xf32>
    %swap3A_85 = vector.shape_cast %broadcast_in_dim3A_79 : vector<16xf32> to vector<1x16xf32>
    tpu.vector_store %arg15[%swap3A_81, %swap3A_82], %swap3A_85 {strides = array<i32>} : memref<8x80xf32, #tpu.memory_space<vmem>>, vector<1x16xf32>,
    %broadcast_in_dim3A_86 = arith.constant 0.000000e+00 : f32
    %broadcast_in_dim3A_87 = vector.broadcast %broadcast_in_dim3A_86 : f32 to vector<16xf32>
    %swap3A_88 = arith.constant 2 : i32
    %swap3A_89 = arith.index_cast %swap3A_88 : i32 to index
    %swap3A_90 = arith.constant 16 : index
    %swap3A_91 = tpu.vector_load %arg15[%swap3A_89, %swap3A_90] {strides = array<i32>} : memref<8x80xf32, #tpu.memory_space<vmem>>, vector<1x16xf32>,
    %swap3A_92 = vector.shape_cast %swap3A_91 : vector<1x16xf32> to vector<16xf32>
    %swap3A_93 = vector.shape_cast %broadcast_in_dim3A_87 : vector<16xf32> to vector<1x16xf32>
    tpu.vector_store %arg15[%swap3A_89, %swap3A_90], %swap3A_93 {strides = array<i32>} : memref<8x80xf32, #tpu.memory_space<vmem>>, vector<1x16xf32>,
    %broadcast_in_dim3A_94 = arith.constant 0.000000e+00 : f32
    %broadcast_in_dim3A_95 = vector.broadcast %broadcast_in_dim3A_94 : f32 to vector<16xf32>
    %swap3A_96 = arith.constant 2 : i32
    %swap3A_97 = arith.index_cast %swap3A_96 : i32 to index
    %swap3A_98 = arith.constant 32 : index
    %swap3A_99 = tpu.vector_load %arg15[%swap3A_97, %swap3A_98] {strides = array<i32>} : memref<8x80xf32, #tpu.memory_space<vmem>>, vector<1x16xf32>,
    %swap3A_100 = vector.shape_cast %swap3A_99 : vector<1x16xf32> to vector<16xf32>
    %swap3A_101 = vector.shape_cast %broadcast_in_dim3A_95 : vector<16xf32> to vector<1x16xf32>
    tpu.vector_store %arg15[%swap3A_97, %swap3A_98], %swap3A_101 {strides = array<i32>} : memref<8x80xf32, #tpu.memory_space<vmem>>, vector<1x16xf32>,
    %broadcast_in_dim3A_102 = arith.constant 0.000000e+00 : f32
    %broadcast_in_dim3A_103 = vector.broadcast %broadcast_in_dim3A_102 : f32 to vector<16xf32>
    %swap3A_104 = arith.constant 2 : i32
    %swap3A_105 = arith.index_cast %swap3A_104 : i32 to index
    %swap3A_106 = arith.constant 48 : index
    %swap3A_107 = tpu.vector_load %arg15[%swap3A_105, %swap3A_106] {strides = array<i32>} : memref<8x80xf32, #tpu.memory_space<vmem>>, vector<1x16xf32>,
    %swap3A_108 = vector.shape_cast %swap3A_107 : vector<1x16xf32> to vector<16xf32>
    %swap3A_109 = vector.shape_cast %broadcast_in_dim3A_103 : vector<16xf32> to vector<1x16xf32>
    tpu.vector_store %arg15[%swap3A_105, %swap3A_106], %swap3A_109 {strides = array<i32>} : memref<8x80xf32, #tpu.memory_space<vmem>>, vector<1x16xf32>,
    %broadcast_in_dim3A_110 = arith.constant 0.000000e+00 : f32
    %broadcast_in_dim3A_111 = vector.broadcast %broadcast_in_dim3A_110 : f32 to vector<16xf32>
    %swap3A_112 = arith.constant 2 : i32
    %swap3A_113 = arith.index_cast %swap3A_112 : i32 to index
    %swap3A_114 = arith.constant 64 : index
    %swap3A_115 = tpu.vector_load %arg15[%swap3A_113, %swap3A_114] {strides = array<i32>} : memref<8x80xf32, #tpu.memory_space<vmem>>, vector<1x16xf32>,
    %swap3A_116 = vector.shape_cast %swap3A_115 : vector<1x16xf32> to vector<16xf32>
    %swap3A_117 = vector.shape_cast %broadcast_in_dim3A_111 : vector<16xf32> to vector<1x16xf32>
    tpu.vector_store %arg15[%swap3A_113, %swap3A_114], %swap3A_117 {strides = array<i32>} : memref<8x80xf32, #tpu.memory_space<vmem>>, vector<1x16xf32>,
    %broadcast_in_dim3A_118 = arith.constant 0.000000e+00 : f32
    %broadcast_in_dim3A_119 = vector.broadcast %broadcast_in_dim3A_118 : f32 to vector<16xf32>
    %swap3A_120 = arith.constant 3 : i32
    %swap3A_121 = arith.index_cast %swap3A_120 : i32 to index
    %swap3A_122 = arith.constant 0 : index
    %swap3A_123 = tpu.vector_load %arg15[%swap3A_121, %swap3A_122] {strides = array<i32>} : memref<8x80xf32, #tpu.memory_space<vmem>>, vector<1x16xf32>,
    %swap3A_124 = vector.shape_cast %swap3A_123 : vector<1x16xf32> to vector<16xf32>
    %swap3A_125 = vector.shape_cast %broadcast_in_dim3A_119 : vector<16xf32> to vector<1x16xf32>
    tpu.vector_store %arg15[%swap3A_121, %swap3A_122], %swap3A_125 {strides = array<i32>} : memref<8x80xf32, #tpu.memory_space<vmem>>, vector<1x16xf32>,
    %broadcast_in_dim3A_126 = arith.constant 0.000000e+00 : f32
    %broadcast_in_dim3A_127 = vector.broadcast %broadcast_in_dim3A_126 : f32 to vector<16xf32>
    %swap3A_128 = arith.constant 3 : i32
    %swap3A_129 = arith.index_cast %swap3A_128 : i32 to index
    %swap3A_130 = arith.constant 16 : index
    %swap3A_131 = tpu.vector_load %arg15[%swap3A_129, %swap3A_130] {strides = array<i32>} : memref<8x80xf32, #tpu.memory_space<vmem>>, vector<1x16xf32>,
    %swap3A_132 = vector.shape_cast %swap3A_131 : vector<1x16xf32> to vector<16xf32>
    %swap3A_133 = vector.shape_cast %broadcast_in_dim3A_127 : vector<16xf32> to vector<1x16xf32>
    tpu.vector_store %arg15[%swap3A_129, %swap3A_130], %swap3A_133 {strides = array<i32>} : memref<8x80xf32, #tpu.memory_space<vmem>>, vector<1x16xf32>,
    %broadcast_in_dim3A_134 = arith.constant 0.000000e+00 : f32
    %broadcast_in_dim3A_135 = vector.broadcast %broadcast_in_dim3A_134 : f32 to vector<16xf32>
    %swap3A_136 = arith.constant 3 : i32
    %swap3A_137 = arith.index_cast %swap3A_136 : i32 to index
    %swap3A_138 = arith.constant 32 : index
    %swap3A_139 = tpu.vector_load %arg15[%swap3A_137, %swap3A_138] {strides = array<i32>} : memref<8x80xf32, #tpu.memory_space<vmem>>, vector<1x16xf32>,
    %swap3A_140 = vector.shape_cast %swap3A_139 : vector<1x16xf32> to vector<16xf32>
    %swap3A_141 = vector.shape_cast %broadcast_in_dim3A_135 : vector<16xf32> to vector<1x16xf32>
    tpu.vector_store %arg15[%swap3A_137, %swap3A_138], %swap3A_141 {strides = array<i32>} : memref<8x80xf32, #tpu.memory_space<vmem>>, vector<1x16xf32>,
    %broadcast_in_dim3A_142 = arith.constant 0.000000e+00 : f32
    %broadcast_in_dim3A_143 = vector.broadcast %broadcast_in_dim3A_142 : f32 to vector<16xf32>
    %swap3A_144 = arith.constant 3 : i32
    %swap3A_145 = arith.index_cast %swap3A_144 : i32 to index
    %swap3A_146 = arith.constant 48 : index
    %swap3A_147 = tpu.vector_load %arg15[%swap3A_145, %swap3A_146] {strides = array<i32>} : memref<8x80xf32, #tpu.memory_space<vmem>>, vector<1x16xf32>,
    %swap3A_148 = vector.shape_cast %swap3A_147 : vector<1x16xf32> to vector<16xf32>
    %swap3A_149 = vector.shape_cast %broadcast_in_dim3A_143 : vector<16xf32> to vector<1x16xf32>
    tpu.vector_store %arg15[%swap3A_145, %swap3A_146], %swap3A_149 {strides = array<i32>} : memref<8x80xf32, #tpu.memory_space<vmem>>, vector<1x16xf32>,
    %broadcast_in_dim3A_150 = arith.constant 0.000000e+00 : f32
    %broadcast_in_dim3A_151 = vector.broadcast %broadcast_in_dim3A_150 : f32 to vector<16xf32>
    %swap3A_152 = arith.constant 3 : i32
    %swap3A_153 = arith.index_cast %swap3A_152 : i32 to index
    %swap3A_154 = arith.constant 64 : index
    %swap3A_155 = tpu.vector_load %arg15[%swap3A_153, %swap3A_154] {strides = array<i32>} : memref<8x80xf32, #tpu.memory_space<vmem>>, vector<1x16xf32>,
    %swap3A_156 = vector.shape_cast %swap3A_155 : vector<1x16xf32> to vector<16xf32>
    %swap3A_157 = vector.shape_cast %broadcast_in_dim3A_151 : vector<16xf32> to vector<1x16xf32>
    tpu.vector_store %arg15[%swap3A_153, %swap3A_154], %swap3A_157 {strides = array<i32>} : memref<8x80xf32, #tpu.memory_space<vmem>>, vector<1x16xf32>,
    %broadcast_in_dim3A_158 = arith.constant 0.000000e+00 : f32
    %broadcast_in_dim3A_159 = vector.broadcast %broadcast_in_dim3A_158 : f32 to vector<16xf32>
    %swap3A_160 = arith.constant 4 : i32
    %swap3A_161 = arith.index_cast %swap3A_160 : i32 to index
    %swap3A_162 = arith.constant 0 : index
    %swap3A_163 = tpu.vector_load %arg15[%swap3A_161, %swap3A_162] {strides = array<i32>} : memref<8x80xf32, #tpu.memory_space<vmem>>, vector<1x16xf32>,
    %swap3A_164 = vector.shape_cast %swap3A_163 : vector<1x16xf32> to vector<16xf32>
    %swap3A_165 = vector.shape_cast %broadcast_in_dim3A_159 : vector<16xf32> to vector<1x16xf32>
    tpu.vector_store %arg15[%swap3A_161, %swap3A_162], %swap3A_165 {strides = array<i32>} : memref<8x80xf32, #tpu.memory_space<vmem>>, vector<1x16xf32>,
    %broadcast_in_dim3A_166 = arith.constant 0.000000e+00 : f32
    %broadcast_in_dim3A_167 = vector.broadcast %broadcast_in_dim3A_166 : f32 to vector<16xf32>
    %swap3A_168 = arith.constant 4 : i32
    %swap3A_169 = arith.index_cast %swap3A_168 : i32 to index
    %swap3A_170 = arith.constant 16 : index
    %swap3A_171 = tpu.vector_load %arg15[%swap3A_169, %swap3A_170] {strides = array<i32>} : memref<8x80xf32, #tpu.memory_space<vmem>>, vector<1x16xf32>,
    %swap3A_172 = vector.shape_cast %swap3A_171 : vector<1x16xf32> to vector<16xf32>
    %swap3A_173 = vector.shape_cast %broadcast_in_dim3A_167 : vector<16xf32> to vector<1x16xf32>
    tpu.vector_store %arg15[%swap3A_169, %swap3A_170], %swap3A_173 {strides = array<i32>} : memref<8x80xf32, #tpu.memory_space<vmem>>, vector<1x16xf32>,
    %broadcast_in_dim3A_174 = arith.constant 0.000000e+00 : f32
    %broadcast_in_dim3A_175 = vector.broadcast %broadcast_in_dim3A_174 : f32 to vector<16xf32>
    %swap3A_176 = arith.constant 4 : i32
    %swap3A_177 = arith.index_cast %swap3A_176 : i32 to index
    %swap3A_178 = arith.constant 32 : index
    %swap3A_179 = tpu.vector_load %arg15[%swap3A_177, %swap3A_178] {strides = array<i32>} : memref<8x80xf32, #tpu.memory_space<vmem>>, vector<1x16xf32>,
    %swap3A_180 = vector.shape_cast %swap3A_179 : vector<1x16xf32> to vector<16xf32>
    %swap3A_181 = vector.shape_cast %broadcast_in_dim3A_175 : vector<16xf32> to vector<1x16xf32>
    tpu.vector_store %arg15[%swap3A_177, %swap3A_178], %swap3A_181 {strides = array<i32>} : memref<8x80xf32, #tpu.memory_space<vmem>>, vector<1x16xf32>,
    %broadcast_in_dim3A_182 = arith.constant 0.000000e+00 : f32
    %broadcast_in_dim3A_183 = vector.broadcast %broadcast_in_dim3A_182 : f32 to vector<16xf32>
    %swap3A_184 = arith.constant 4 : i32
    %swap3A_185 = arith.index_cast %swap3A_184 : i32 to index
    %swap3A_186 = arith.constant 48 : index
    %swap3A_187 = tpu.vector_load %arg15[%swap3A_185, %swap3A_186] {strides = array<i32>} : memref<8x80xf32, #tpu.memory_space<vmem>>, vector<1x16xf32>,
    %swap3A_188 = vector.shape_cast %swap3A_187 : vector<1x16xf32> to vector<16xf32>
    %swap3A_189 = vector.shape_cast %broadcast_in_dim3A_183 : vector<16xf32> to vector<1x16xf32>
    tpu.vector_store %arg15[%swap3A_185, %swap3A_186], %swap3A_189 {strides = array<i32>} : memref<8x80xf32, #tpu.memory_space<vmem>>, vector<1x16xf32>,
    %broadcast_in_dim3A_190 = arith.constant 0.000000e+00 : f32
    %broadcast_in_dim3A_191 = vector.broadcast %broadcast_in_dim3A_190 : f32 to vector<16xf32>
    %swap3A_192 = arith.constant 4 : i32
    %swap3A_193 = arith.index_cast %swap3A_192 : i32 to index
    %swap3A_194 = arith.constant 64 : index
    %swap3A_195 = tpu.vector_load %arg15[%swap3A_193, %swap3A_194] {strides = array<i32>} : memref<8x80xf32, #tpu.memory_space<vmem>>, vector<1x16xf32>,
    %swap3A_196 = vector.shape_cast %swap3A_195 : vector<1x16xf32> to vector<16xf32>
    %swap3A_197 = vector.shape_cast %broadcast_in_dim3A_191 : vector<16xf32> to vector<1x16xf32>
    tpu.vector_store %arg15[%swap3A_193, %swap3A_194], %swap3A_197 {strides = array<i32>} : memref<8x80xf32, #tpu.memory_space<vmem>>, vector<1x16xf32>,
    %broadcast_in_dim3A_198 = arith.constant 0.000000e+00 : f32
    %broadcast_in_dim3A_199 = vector.broadcast %broadcast_in_dim3A_198 : f32 to vector<16xf32>
    %swap3A_200 = arith.constant 5 : i32
    %swap3A_201 = arith.index_cast %swap3A_200 : i32 to index
    %swap3A_202 = arith.constant 0 : index
    %swap3A_203 = tpu.vector_load %arg15[%swap3A_201, %swap3A_202] {strides = array<i32>} : memref<8x80xf32, #tpu.memory_space<vmem>>, vector<1x16xf32>,
    %swap3A_204 = vector.shape_cast %swap3A_203 : vector<1x16xf32> to vector<16xf32>
    %swap3A_205 = vector.shape_cast %broadcast_in_dim3A_199 : vector<16xf32> to vector<1x16xf32>
    tpu.vector_store %arg15[%swap3A_201, %swap3A_202], %swap3A_205 {strides = array<i32>} : memref<8x80xf32, #tpu.memory_space<vmem>>, vector<1x16xf32>,
    %broadcast_in_dim3A_206 = arith.constant 0.000000e+00 : f32
    %broadcast_in_dim3A_207 = vector.broadcast %broadcast_in_dim3A_206 : f32 to vector<16xf32>
    %swap3A_208 = arith.constant 5 : i32
    %swap3A_209 = arith.index_cast %swap3A_208 : i32 to index
    %swap3A_210 = arith.constant 16 : index
    %swap3A_211 = tpu.vector_load %arg15[%swap3A_209, %swap3A_210] {strides = array<i32>} : memref<8x80xf32, #tpu.memory_space<vmem>>, vector<1x16xf32>,
    %swap3A_212 = vector.shape_cast %swap3A_211 : vector<1x16xf32> to vector<16xf32>
    %swap3A_213 = vector.shape_cast %broadcast_in_dim3A_207 : vector<16xf32> to vector<1x16xf32>
    tpu.vector_store %arg15[%swap3A_209, %swap3A_210], %swap3A_213 {strides = array<i32>} : memref<8x80xf32, #tpu.memory_space<vmem>>, vector<1x16xf32>,
    %broadcast_in_dim3A_214 = arith.constant 0.000000e+00 : f32
    %broadcast_in_dim3A_215 = vector.broadcast %broadcast_in_dim3A_214 : f32 to vector<16xf32>
    %swap3A_216 = arith.constant 5 : i32
    %swap3A_217 = arith.index_cast %swap3A_216 : i32 to index
    %swap3A_218 = arith.constant 32 : index
    %swap3A_219 = tpu.vector_load %arg15[%swap3A_217, %swap3A_218] {strides = array<i32>} : memref<8x80xf32, #tpu.memory_space<vmem>>, vector<1x16xf32>,
    %swap3A_220 = vector.shape_cast %swap3A_219 : vector<1x16xf32> to vector<16xf32>
    %swap3A_221 = vector.shape_cast %broadcast_in_dim3A_215 : vector<16xf32> to vector<1x16xf32>
    tpu.vector_store %arg15[%swap3A_217, %swap3A_218], %swap3A_221 {strides = array<i32>} : memref<8x80xf32, #tpu.memory_space<vmem>>, vector<1x16xf32>,
    %broadcast_in_dim3A_222 = arith.constant 0.000000e+00 : f32
    %broadcast_in_dim3A_223 = vector.broadcast %broadcast_in_dim3A_222 : f32 to vector<16xf32>
    %swap3A_224 = arith.constant 5 : i32
    %swap3A_225 = arith.index_cast %swap3A_224 : i32 to index
    %swap3A_226 = arith.constant 48 : index
    %swap3A_227 = tpu.vector_load %arg15[%swap3A_225, %swap3A_226] {strides = array<i32>} : memref<8x80xf32, #tpu.memory_space<vmem>>, vector<1x16xf32>,
    %swap3A_228 = vector.shape_cast %swap3A_227 : vector<1x16xf32> to vector<16xf32>
    %swap3A_229 = vector.shape_cast %broadcast_in_dim3A_223 : vector<16xf32> to vector<1x16xf32>
    tpu.vector_store %arg15[%swap3A_225, %swap3A_226], %swap3A_229 {strides = array<i32>} : memref<8x80xf32, #tpu.memory_space<vmem>>, vector<1x16xf32>,
    %broadcast_in_dim3A_230 = arith.constant 0.000000e+00 : f32
    %broadcast_in_dim3A_231 = vector.broadcast %broadcast_in_dim3A_230 : f32 to vector<16xf32>
    %swap3A_232 = arith.constant 5 : i32
    %swap3A_233 = arith.index_cast %swap3A_232 : i32 to index
    %swap3A_234 = arith.constant 64 : index
    %swap3A_235 = tpu.vector_load %arg15[%swap3A_233, %swap3A_234] {strides = array<i32>} : memref<8x80xf32, #tpu.memory_space<vmem>>, vector<1x16xf32>,
    %swap3A_236 = vector.shape_cast %swap3A_235 : vector<1x16xf32> to vector<16xf32>
    %swap3A_237 = vector.shape_cast %broadcast_in_dim3A_231 : vector<16xf32> to vector<1x16xf32>
    tpu.vector_store %arg15[%swap3A_233, %swap3A_234], %swap3A_237 {strides = array<i32>} : memref<8x80xf32, #tpu.memory_space<vmem>>, vector<1x16xf32>,
    %broadcast_in_dim3A_238 = arith.constant 0.000000e+00 : f32
    %broadcast_in_dim3A_239 = vector.broadcast %broadcast_in_dim3A_238 : f32 to vector<16xf32>
    %swap3A_240 = arith.constant 6 : i32
    %swap3A_241 = arith.index_cast %swap3A_240 : i32 to index
    %swap3A_242 = arith.constant 0 : index
    %swap3A_243 = tpu.vector_load %arg15[%swap3A_241, %swap3A_242] {strides = array<i32>} : memref<8x80xf32, #tpu.memory_space<vmem>>, vector<1x16xf32>,
    %swap3A_244 = vector.shape_cast %swap3A_243 : vector<1x16xf32> to vector<16xf32>
    %swap3A_245 = vector.shape_cast %broadcast_in_dim3A_239 : vector<16xf32> to vector<1x16xf32>
    tpu.vector_store %arg15[%swap3A_241, %swap3A_242], %swap3A_245 {strides = array<i32>} : memref<8x80xf32, #tpu.memory_space<vmem>>, vector<1x16xf32>,
    %broadcast_in_dim3A_246 = arith.constant 0.000000e+00 : f32
    %broadcast_in_dim3A_247 = vector.broadcast %broadcast_in_dim3A_246 : f32 to vector<16xf32>
    %swap3A_248 = arith.constant 6 : i32
    %swap3A_249 = arith.index_cast %swap3A_248 : i32 to index
    %swap3A_250 = arith.constant 16 : index
    %swap3A_251 = tpu.vector_load %arg15[%swap3A_249, %swap3A_250] {strides = array<i32>} : memref<8x80xf32, #tpu.memory_space<vmem>>, vector<1x16xf32>,
    %swap3A_252 = vector.shape_cast %swap3A_251 : vector<1x16xf32> to vector<16xf32>
    %swap3A_253 = vector.shape_cast %broadcast_in_dim3A_247 : vector<16xf32> to vector<1x16xf32>
    tpu.vector_store %arg15[%swap3A_249, %swap3A_250], %swap3A_253 {strides = array<i32>} : memref<8x80xf32, #tpu.memory_space<vmem>>, vector<1x16xf32>,
    %broadcast_in_dim3A_254 = arith.constant 0.000000e+00 : f32
    %broadcast_in_dim3A_255 = vector.broadcast %broadcast_in_dim3A_254 : f32 to vector<16xf32>
    %swap3A_256 = arith.constant 6 : i32
    %swap3A_257 = arith.index_cast %swap3A_256 : i32 to index
    %swap3A_258 = arith.constant 32 : index
    %swap3A_259 = tpu.vector_load %arg15[%swap3A_257, %swap3A_258] {strides = array<i32>} : memref<8x80xf32, #tpu.memory_space<vmem>>, vector<1x16xf32>,
    %swap3A_260 = vector.shape_cast %swap3A_259 : vector<1x16xf32> to vector<16xf32>
    %swap3A_261 = vector.shape_cast %broadcast_in_dim3A_255 : vector<16xf32> to vector<1x16xf32>
    tpu.vector_store %arg15[%swap3A_257, %swap3A_258], %swap3A_261 {strides = array<i32>} : memref<8x80xf32, #tpu.memory_space<vmem>>, vector<1x16xf32>,
    %broadcast_in_dim3A_262 = arith.constant 0.000000e+00 : f32
    %broadcast_in_dim3A_263 = vector.broadcast %broadcast_in_dim3A_262 : f32 to vector<16xf32>
    %swap3A_264 = arith.constant 6 : i32
    %swap3A_265 = arith.index_cast %swap3A_264 : i32 to index
    %swap3A_266 = arith.constant 48 : index
    %swap3A_267 = tpu.vector_load %arg15[%swap3A_265, %swap3A_266] {strides = array<i32>} : memref<8x80xf32, #tpu.memory_space<vmem>>, vector<1x16xf32>,
    %swap3A_268 = vector.shape_cast %swap3A_267 : vector<1x16xf32> to vector<16xf32>
    %swap3A_269 = vector.shape_cast %broadcast_in_dim3A_263 : vector<16xf32> to vector<1x16xf32>
    tpu.vector_store %arg15[%swap3A_265, %swap3A_266], %swap3A_269 {strides = array<i32>} : memref<8x80xf32, #tpu.memory_space<vmem>>, vector<1x16xf32>,
    %broadcast_in_dim3A_270 = arith.constant 0.000000e+00 : f32
    %broadcast_in_dim3A_271 = vector.broadcast %broadcast_in_dim3A_270 : f32 to vector<16xf32>
    %swap3A_272 = arith.constant 6 : i32
    %swap3A_273 = arith.index_cast %swap3A_272 : i32 to index
    %swap3A_274 = arith.constant 64 : index
    %swap3A_275 = tpu.vector_load %arg15[%swap3A_273, %swap3A_274] {strides = array<i32>} : memref<8x80xf32, #tpu.memory_space<vmem>>, vector<1x16xf32>,
    %swap3A_276 = vector.shape_cast %swap3A_275 : vector<1x16xf32> to vector<16xf32>
    %swap3A_277 = vector.shape_cast %broadcast_in_dim3A_271 : vector<16xf32> to vector<1x16xf32>
    tpu.vector_store %arg15[%swap3A_273, %swap3A_274], %swap3A_277 {strides = array<i32>} : memref<8x80xf32, #tpu.memory_space<vmem>>, vector<1x16xf32>,
    %broadcast_in_dim3A_278 = arith.constant 0.000000e+00 : f32
    %broadcast_in_dim3A_279 = vector.broadcast %broadcast_in_dim3A_278 : f32 to vector<16xf32>
    %swap3A_280 = arith.constant 7 : i32
    %swap3A_281 = arith.index_cast %swap3A_280 : i32 to index
    %swap3A_282 = arith.constant 0 : index
    %swap3A_283 = tpu.vector_load %arg15[%swap3A_281, %swap3A_282] {strides = array<i32>} : memref<8x80xf32, #tpu.memory_space<vmem>>, vector<1x16xf32>,
    %swap3A_284 = vector.shape_cast %swap3A_283 : vector<1x16xf32> to vector<16xf32>
    %swap3A_285 = vector.shape_cast %broadcast_in_dim3A_279 : vector<16xf32> to vector<1x16xf32>
    tpu.vector_store %arg15[%swap3A_281, %swap3A_282], %swap3A_285 {strides = array<i32>} : memref<8x80xf32, #tpu.memory_space<vmem>>, vector<1x16xf32>,
    %broadcast_in_dim3A_286 = arith.constant 0.000000e+00 : f32
    %broadcast_in_dim3A_287 = vector.broadcast %broadcast_in_dim3A_286 : f32 to vector<16xf32>
    %swap3A_288 = arith.constant 7 : i32
    %swap3A_289 = arith.index_cast %swap3A_288 : i32 to index
    %swap3A_290 = arith.constant 16 : index
    %swap3A_291 = tpu.vector_load %arg15[%swap3A_289, %swap3A_290] {strides = array<i32>} : memref<8x80xf32, #tpu.memory_space<vmem>>, vector<1x16xf32>,
    %swap3A_292 = vector.shape_cast %swap3A_291 : vector<1x16xf32> to vector<16xf32>
    %swap3A_293 = vector.shape_cast %broadcast_in_dim3A_287 : vector<16xf32> to vector<1x16xf32>
    tpu.vector_store %arg15[%swap3A_289, %swap3A_290], %swap3A_293 {strides = array<i32>} : memref<8x80xf32, #tpu.memory_space<vmem>>, vector<1x16xf32>,
    %broadcast_in_dim3A_294 = arith.constant 0.000000e+00 : f32
    %broadcast_in_dim3A_295 = vector.broadcast %broadcast_in_dim3A_294 : f32 to vector<16xf32>
    %swap3A_296 = arith.constant 7 : i32
    %swap3A_297 = arith.index_cast %swap3A_296 : i32 to index
    %swap3A_298 = arith.constant 32 : index
    %swap3A_299 = tpu.vector_load %arg15[%swap3A_297, %swap3A_298] {strides = array<i32>} : memref<8x80xf32, #tpu.memory_space<vmem>>, vector<1x16xf32>,
    %swap3A_300 = vector.shape_cast %swap3A_299 : vector<1x16xf32> to vector<16xf32>
    %swap3A_301 = vector.shape_cast %broadcast_in_dim3A_295 : vector<16xf32> to vector<1x16xf32>
    tpu.vector_store %arg15[%swap3A_297, %swap3A_298], %swap3A_301 {strides = array<i32>} : memref<8x80xf32, #tpu.memory_space<vmem>>, vector<1x16xf32>,
    %broadcast_in_dim3A_302 = arith.constant 0.000000e+00 : f32
    %broadcast_in_dim3A_303 = vector.broadcast %broadcast_in_dim3A_302 : f32 to vector<16xf32>
    %swap3A_304 = arith.constant 7 : i32
    %swap3A_305 = arith.index_cast %swap3A_304 : i32 to index
    %swap3A_306 = arith.constant 48 : index
    %swap3A_307 = tpu.vector_load %arg15[%swap3A_305, %swap3A_306] {strides = array<i32>} : memref<8x80xf32, #tpu.memory_space<vmem>>, vector<1x16xf32>,
    %swap3A_308 = vector.shape_cast %swap3A_307 : vector<1x16xf32> to vector<16xf32>
    %swap3A_309 = vector.shape_cast %broadcast_in_dim3A_303 : vector<16xf32> to vector<1x16xf32>
    tpu.vector_store %arg15[%swap3A_305, %swap3A_306], %swap3A_309 {strides = array<i32>} : memref<8x80xf32, #tpu.memory_space<vmem>>, vector<1x16xf32>,
    %broadcast_in_dim3A_310 = arith.constant 0.000000e+00 : f32
    %broadcast_in_dim3A_311 = vector.broadcast %broadcast_in_dim3A_310 : f32 to vector<16xf32>
    %swap3A_312 = arith.constant 7 : i32
    %swap3A_313 = arith.index_cast %swap3A_312 : i32 to index
    %swap3A_314 = arith.constant 64 : index
    %swap3A_315 = tpu.vector_load %arg15[%swap3A_313, %swap3A_314] {strides = array<i32>} : memref<8x80xf32, #tpu.memory_space<vmem>>, vector<1x16xf32>,
    %swap3A_316 = vector.shape_cast %swap3A_315 : vector<1x16xf32> to vector<16xf32>
    %swap3A_317 = vector.shape_cast %broadcast_in_dim3A_311 : vector<16xf32> to vector<1x16xf32>
    tpu.vector_store %arg15[%swap3A_313, %swap3A_314], %swap3A_317 {strides = array<i32>} : memref<8x80xf32, #tpu.memory_space<vmem>>, vector<1x16xf32>,
    "tpu.region"() ({
      %run_scoped3A = tpu.sem_alloc : memref<!tpu.dma_semaphore, #tpu.memory_space<semaphore_mem>>
      %dma_start3A = arith.constant 0 : i32
      %dma_start3A_325 = arith.constant 0 : i32
      %dma_start3A_326 = tpu.memref_slice %arg6[%arg1, %dma_start3A, %dma_start3A_325] : memref<16x250x80xi32, #tpu.memory_space<hbm>> -> memref<1x250x80xi32, #tpu.memory_space<hbm>>
      %dma_start3A_327 = tpu.memref_squeeze %dma_start3A_326 : memref<1x250x80xi32, #tpu.memory_space<hbm>> -> memref<250x80xi32, #tpu.memory_space<hbm>>
      %dma_start3A_328 = arith.constant 0 : i32
      %dma_start3A_329 = arith.constant 0 : i32
      %dma_start3A_330 = tpu.memref_slice %arg6[%arg1, %dma_start3A_328, %dma_start3A_329] : memref<16x250x80xi32, #tpu.memory_space<hbm>> -> memref<1x250x80xi32, #tpu.memory_space<hbm>>
      %dma_start3A_331 = tpu.memref_squeeze %dma_start3A_330 : memref<1x250x80xi32, #tpu.memory_space<hbm>> -> memref<250x80xi32, #tpu.memory_space<hbm>>
      tpu.enqueue_dma source(%dma_start3A_331 : memref<250x80xi32, #tpu.memory_space<hbm>>) target(%arg12 : memref<250x80xi32, #tpu.memory_space<vmem>>) target_semaphore(%run_scoped3A : memref<!tpu.dma_semaphore, #tpu.memory_space<semaphore_mem>>)
      %dma_wait3A = arith.constant 0 : i32
      %dma_wait3A_332 = arith.constant 0 : i32
      %dma_wait3A_333 = tpu.memref_slice %arg6[%arg1, %dma_wait3A, %dma_wait3A_332] : memref<16x250x80xi32, #tpu.memory_space<hbm>> -> memref<1x250x80xi32, #tpu.memory_space<hbm>>
      %dma_wait3A_334 = tpu.memref_squeeze %dma_wait3A_333 : memref<1x250x80xi32, #tpu.memory_space<hbm>> -> memref<250x80xi32, #tpu.memory_space<hbm>>
      %dma_wait3A_335 = arith.constant 0 : i32
      %dma_wait3A_336 = arith.constant 0 : i32
      %dma_wait3A_337 = tpu.memref_slice %arg6[%arg1, %dma_wait3A_335, %dma_wait3A_336] : memref<16x250x80xi32, #tpu.memory_space<hbm>> -> memref<1x250x80xi32, #tpu.memory_space<hbm>>
      %dma_wait3A_338 = tpu.memref_squeeze %dma_wait3A_337 : memref<1x250x80xi32, #tpu.memory_space<hbm>> -> memref<250x80xi32, #tpu.memory_space<hbm>>
      tpu.wait_dma2 semaphore(%run_scoped3A : memref<!tpu.dma_semaphore, #tpu.memory_space<semaphore_mem>>) src(%dma_wait3A_338 : memref<250x80xi32, #tpu.memory_space<hbm>>) dst(%arg12 : memref<250x80xi32, #tpu.memory_space<vmem>>)
      tpu.yield
    }) : () -> ()
    "tpu.region"() ({
      %run_scoped3A = tpu.sem_alloc : memref<!tpu.dma_semaphore, #tpu.memory_space<semaphore_mem>>
      %dma_start3A = arith.constant 0 : i32
      %dma_start3A_325 = arith.constant 0 : i32
      %dma_start3A_326 = tpu.memref_slice %arg7[%arg1, %dma_start3A, %dma_start3A_325] : memref<16x250x80xi32, #tpu.memory_space<hbm>> -> memref<1x250x80xi32, #tpu.memory_space<hbm>>
      %dma_start3A_327 = tpu.memref_squeeze %dma_start3A_326 : memref<1x250x80xi32, #tpu.memory_space<hbm>> -> memref<250x80xi32, #tpu.memory_space<hbm>>
      %dma_start3A_328 = arith.constant 0 : i32
      %dma_start3A_329 = arith.constant 0 : i32
      %dma_start3A_330 = tpu.memref_slice %arg7[%arg1, %dma_start3A_328, %dma_start3A_329] : memref<16x250x80xi32, #tpu.memory_space<hbm>> -> memref<1x250x80xi32, #tpu.memory_space<hbm>>
      %dma_start3A_331 = tpu.memref_squeeze %dma_start3A_330 : memref<1x250x80xi32, #tpu.memory_space<hbm>> -> memref<250x80xi32, #tpu.memory_space<hbm>>
      tpu.enqueue_dma source(%dma_start3A_331 : memref<250x80xi32, #tpu.memory_space<hbm>>) target(%arg13 : memref<250x80xi32, #tpu.memory_space<vmem>>) target_semaphore(%run_scoped3A : memref<!tpu.dma_semaphore, #tpu.memory_space<semaphore_mem>>)
      %dma_wait3A = arith.constant 0 : i32
      %dma_wait3A_332 = arith.constant 0 : i32
      %dma_wait3A_333 = tpu.memref_slice %arg7[%arg1, %dma_wait3A, %dma_wait3A_332] : memref<16x250x80xi32, #tpu.memory_space<hbm>> -> memref<1x250x80xi32, #tpu.memory_space<hbm>>
      %dma_wait3A_334 = tpu.memref_squeeze %dma_wait3A_333 : memref<1x250x80xi32, #tpu.memory_space<hbm>> -> memref<250x80xi32, #tpu.memory_space<hbm>>
      %dma_wait3A_335 = arith.constant 0 : i32
      %dma_wait3A_336 = arith.constant 0 : i32
      %dma_wait3A_337 = tpu.memref_slice %arg7[%arg1, %dma_wait3A_335, %dma_wait3A_336] : memref<16x250x80xi32, #tpu.memory_space<hbm>> -> memref<1x250x80xi32, #tpu.memory_space<hbm>>
      %dma_wait3A_338 = tpu.memref_squeeze %dma_wait3A_337 : memref<1x250x80xi32, #tpu.memory_space<hbm>> -> memref<250x80xi32, #tpu.memory_space<hbm>>
      tpu.wait_dma2 semaphore(%run_scoped3A : memref<!tpu.dma_semaphore, #tpu.memory_space<semaphore_mem>>) src(%dma_wait3A_338 : memref<250x80xi32, #tpu.memory_space<hbm>>) dst(%arg13 : memref<250x80xi32, #tpu.memory_space<vmem>>)
      tpu.yield
    }) : () -> ()
    %eq3A = arith.constant 0 : i32
    %eq3A_318 = arith.cmpi eq, %arg0, %eq3A : i32
    %convert_element_type3A = arith.extui %eq3A_318 : i1 to i32
    %cond3A = arith.constant 0 : i32
    %cond3A_319 = arith.cmpi ne, %convert_element_type3A, %cond3A : i32
    scf.if %cond3A_319 {
      %mul3A = arith.constant 640 : i32
      %mul3A_325 = arith.muli %arg1, %mul3A : i32
      %scan3A = arith.constant 0 : i32
      %scan3A_326 = arith.constant 0 : i32
      %scan3A_327 = arith.constant 80 : i32
      %scan3A_328 = arith.addi %scan3A_326, %scan3A_327 : i32
      %scan3A_329 = arith.constant 1 : i32
      scf.for %scan3A_354 = %scan3A_326 to %scan3A_328 step %scan3A_329  : i32 {
        %mul3A_355 = arith.constant 8 : i32
        %mul3A_356 = arith.muli %scan3A_354, %mul3A_355 : i32
        %add3A = arith.addi %mul3A_325, %mul3A_356 : i32
        "tpu.region"() ({
          %run_scoped3A = tpu.sem_alloc : memref<!tpu.dma_semaphore, #tpu.memory_space<semaphore_mem>>
          %dma_start3A = arith.constant 0 : i32
          %dma_start3A_357 = tpu.memref_slice %arg16[%add3A, %dma_start3A] : memref<10240x80xf32, #tpu.memory_space<vmem_shared>> -> memref<8x80xf32, #tpu.memory_space<vmem_shared>>
          %dma_start3A_358 = arith.constant 0 : i32
          %dma_start3A_359 = tpu.memref_slice %arg16[%add3A, %dma_start3A_358] : memref<10240x80xf32, #tpu.memory_space<vmem_shared>> -> memref<8x80xf32, #tpu.memory_space<vmem_shared>>
          tpu.enqueue_dma source(%arg15 : memref<8x80xf32, #tpu.memory_space<vmem>>) target(%dma_start3A_359 : memref<8x80xf32, #tpu.memory_space<vmem_shared>>) target_semaphore(%run_scoped3A : memref<!tpu.dma_semaphore, #tpu.memory_space<semaphore_mem>>)
          %dma_wait3A = arith.constant 0 : i32
          %dma_wait3A_360 = tpu.memref_slice %arg16[%add3A, %dma_wait3A] : memref<10240x80xf32, #tpu.memory_space<vmem_shared>> -> memref<8x80xf32, #tpu.memory_space<vmem_shared>>
          %dma_wait3A_361 = arith.constant 0 : i32
          %dma_wait3A_362 = tpu.memref_slice %arg16[%add3A, %dma_wait3A_361] : memref<10240x80xf32, #tpu.memory_space<vmem_shared>> -> memref<8x80xf32, #tpu.memory_space<vmem_shared>>
          tpu.wait_dma2 semaphore(%run_scoped3A : memref<!tpu.dma_semaphore, #tpu.memory_space<semaphore_mem>>) src(%arg15 : memref<8x80xf32, #tpu.memory_space<vmem>>) dst(%dma_wait3A_362 : memref<8x80xf32, #tpu.memory_space<vmem_shared>>)
          tpu.yield
        }) : () -> ()
      }
      %scan3A_330 = arith.constant 80 : i32
      %barrier3A = arith.constant 0 : index
      tpu.barrier barrier_id(%barrier3A)
      %scan3A_331 = arith.constant 0 : i32
      %scan3A_332 = arith.constant 0 : i32
      %scan3A_333 = arith.constant 50 : i32
      %scan3A_334 = arith.addi %scan3A_332, %scan3A_333 : i32
      %scan3A_335 = arith.constant 1 : i32
      scf.for %scan3A_354 = %scan3A_332 to %scan3A_334 step %scan3A_335  : i32 {
        %mul3A_355 = arith.constant 5 : i32
        %mul3A_356 = arith.muli %scan3A_354, %mul3A_355 : i32
        %add3A = arith.constant 0 : i32
        %add3A_357 = arith.addi %mul3A_356, %add3A : i32
        %dma_start3A = arith.constant 0 : i32
        %dma_start3A_358 = arith.constant 0 : i32
        %dma_start3A_359 = tpu.memref_slice %arg14[%dma_start3A, %dma_start3A_358] : memref<400x80xf32, #tpu.memory_space<vmem>> -> memref<80x80xf32, #tpu.memory_space<vmem>>
        %dma_start3A_360 = arith.constant 0 : i32
        %dma_start3A_361 = tpu.memref_slice %arg12[%add3A_357, %dma_start3A_360] : memref<250x80xi32, #tpu.memory_space<vmem>> -> memref<1x80xi32, #tpu.memory_space<vmem>>
        %dma_start3A_362 = tpu.memref_squeeze %dma_start3A_361 : memref<1x80xi32, #tpu.memory_space<vmem>> -> memref<80xi32, #tpu.memory_space<vmem>>
        %dma_start3A_363 = arith.constant 0 : i32
        %dma_start3A_364 = arith.constant 0 : i32
        %dma_start3A_365 = tpu.memref_slice %arg2[%dma_start3A_363, %dma_start3A_364] : memref<10000x80xf32, #tpu.memory_space<hbm>> -> memref<10000x80xf32, #tpu.memory_space<hbm>>
        tpu.enqueue_indirect_dma source(%dma_start3A_365 : memref<10000x80xf32, #tpu.memory_space<hbm>>) target(%dma_start3A_359 : memref<80x80xf32, #tpu.memory_space<vmem>>) offsets(%dma_start3A_362 : memref<80xi32, #tpu.memory_space<vmem>>) semaphore(%arg17 : memref<!tpu.dma_semaphore, #tpu.memory_space<semaphore_mem>>)
        %add3A_366 = arith.constant 1 : i32
        %add3A_367 = arith.addi %mul3A_356, %add3A_366 : i32
        %dma_start3A_368 = arith.constant 80 : i32
        %dma_start3A_369 = arith.constant 0 : i32
        %dma_start3A_370 = tpu.memref_slice %arg14[%dma_start3A_368, %dma_start3A_369] : memref<400x80xf32, #tpu.memory_space<vmem>> -> memref<80x80xf32, #tpu.memory_space<vmem>>
        %dma_start3A_371 = arith.constant 0 : i32
        %dma_start3A_372 = tpu.memref_slice %arg12[%add3A_367, %dma_start3A_371] : memref<250x80xi32, #tpu.memory_space<vmem>> -> memref<1x80xi32, #tpu.memory_space<vmem>>
        %dma_start3A_373 = tpu.memref_squeeze %dma_start3A_372 : memref<1x80xi32, #tpu.memory_space<vmem>> -> memref<80xi32, #tpu.memory_space<vmem>>
        %dma_start3A_374 = arith.constant 0 : i32
        %dma_start3A_375 = arith.constant 0 : i32
        %dma_start3A_376 = tpu.memref_slice %arg2[%dma_start3A_374, %dma_start3A_375] : memref<10000x80xf32, #tpu.memory_space<hbm>> -> memref<10000x80xf32, #tpu.memory_space<hbm>>
        tpu.enqueue_indirect_dma source(%dma_start3A_376 : memref<10000x80xf32, #tpu.memory_space<hbm>>) target(%dma_start3A_370 : memref<80x80xf32, #tpu.memory_space<vmem>>) offsets(%dma_start3A_373 : memref<80xi32, #tpu.memory_space<vmem>>) semaphore(%arg18 : memref<!tpu.dma_semaphore, #tpu.memory_space<semaphore_mem>>)
        %add3A_377 = arith.constant 2 : i32
        %add3A_378 = arith.addi %mul3A_356, %add3A_377 : i32
        %dma_start3A_379 = arith.constant 160 : i32
        %dma_start3A_380 = arith.constant 0 : i32
        %dma_start3A_381 = tpu.memref_slice %arg14[%dma_start3A_379, %dma_start3A_380] : memref<400x80xf32, #tpu.memory_space<vmem>> -> memref<80x80xf32, #tpu.memory_space<vmem>>
        %dma_start3A_382 = arith.constant 0 : i32
        %dma_start3A_383 = tpu.memref_slice %arg12[%add3A_378, %dma_start3A_382] : memref<250x80xi32, #tpu.memory_space<vmem>> -> memref<1x80xi32, #tpu.memory_space<vmem>>
        %dma_start3A_384 = tpu.memref_squeeze %dma_start3A_383 : memref<1x80xi32, #tpu.memory_space<vmem>> -> memref<80xi32, #tpu.memory_space<vmem>>
        %dma_start3A_385 = arith.constant 0 : i32
        %dma_start3A_386 = arith.constant 0 : i32
        %dma_start3A_387 = tpu.memref_slice %arg2[%dma_start3A_385, %dma_start3A_386] : memref<10000x80xf32, #tpu.memory_space<hbm>> -> memref<10000x80xf32, #tpu.memory_space<hbm>>
        tpu.enqueue_indirect_dma source(%dma_start3A_387 : memref<10000x80xf32, #tpu.memory_space<hbm>>) target(%dma_start3A_381 : memref<80x80xf32, #tpu.memory_space<vmem>>) offsets(%dma_start3A_384 : memref<80xi32, #tpu.memory_space<vmem>>) semaphore(%arg19 : memref<!tpu.dma_semaphore, #tpu.memory_space<semaphore_mem>>)
        %add3A_388 = arith.constant 3 : i32
        %add3A_389 = arith.addi %mul3A_356, %add3A_388 : i32
        %dma_start3A_390 = arith.constant 240 : i32
        %dma_start3A_391 = arith.constant 0 : i32
        %dma_start3A_392 = tpu.memref_slice %arg14[%dma_start3A_390, %dma_start3A_391] : memref<400x80xf32, #tpu.memory_space<vmem>> -> memref<80x80xf32, #tpu.memory_space<vmem>>
        %dma_start3A_393 = arith.constant 0 : i32
        %dma_start3A_394 = tpu.memref_slice %arg12[%add3A_389, %dma_start3A_393] : memref<250x80xi32, #tpu.memory_space<vmem>> -> memref<1x80xi32, #tpu.memory_space<vmem>>
        %dma_start3A_395 = tpu.memref_squeeze %dma_start3A_394 : memref<1x80xi32, #tpu.memory_space<vmem>> -> memref<80xi32, #tpu.memory_space<vmem>>
        %dma_start3A_396 = arith.constant 0 : i32
        %dma_start3A_397 = arith.constant 0 : i32
        %dma_start3A_398 = tpu.memref_slice %arg2[%dma_start3A_396, %dma_start3A_397] : memref<10000x80xf32, #tpu.memory_space<hbm>> -> memref<10000x80xf32, #tpu.memory_space<hbm>>
        tpu.enqueue_indirect_dma source(%dma_start3A_398 : memref<10000x80xf32, #tpu.memory_space<hbm>>) target(%dma_start3A_392 : memref<80x80xf32, #tpu.memory_space<vmem>>) offsets(%dma_start3A_395 : memref<80xi32, #tpu.memory_space<vmem>>) semaphore(%arg20 : memref<!tpu.dma_semaphore, #tpu.memory_space<semaphore_mem>>)
        %add3A_399 = arith.constant 4 : i32
        %add3A_400 = arith.addi %mul3A_356, %add3A_399 : i32
        %dma_start3A_401 = arith.constant 320 : i32
        %dma_start3A_402 = arith.constant 0 : i32
        %dma_start3A_403 = tpu.memref_slice %arg14[%dma_start3A_401, %dma_start3A_402] : memref<400x80xf32, #tpu.memory_space<vmem>> -> memref<80x80xf32, #tpu.memory_space<vmem>>
        %dma_start3A_404 = arith.constant 0 : i32
        %dma_start3A_405 = tpu.memref_slice %arg12[%add3A_400, %dma_start3A_404] : memref<250x80xi32, #tpu.memory_space<vmem>> -> memref<1x80xi32, #tpu.memory_space<vmem>>
        %dma_start3A_406 = tpu.memref_squeeze %dma_start3A_405 : memref<1x80xi32, #tpu.memory_space<vmem>> -> memref<80xi32, #tpu.memory_space<vmem>>
        %dma_start3A_407 = arith.constant 0 : i32
        %dma_start3A_408 = arith.constant 0 : i32
        %dma_start3A_409 = tpu.memref_slice %arg2[%dma_start3A_407, %dma_start3A_408] : memref<10000x80xf32, #tpu.memory_space<hbm>> -> memref<10000x80xf32, #tpu.memory_space<hbm>>
        tpu.enqueue_indirect_dma source(%dma_start3A_409 : memref<10000x80xf32, #tpu.memory_space<hbm>>) target(%dma_start3A_403 : memref<80x80xf32, #tpu.memory_space<vmem>>) offsets(%dma_start3A_406 : memref<80xi32, #tpu.memory_space<vmem>>) semaphore(%arg21 : memref<!tpu.dma_semaphore, #tpu.memory_space<semaphore_mem>>)
        %dma_wait3A = arith.constant 0 : i32
        %dma_wait3A_410 = arith.constant 0 : i32
        %dma_wait3A_411 = tpu.memref_slice %arg14[%dma_wait3A, %dma_wait3A_410] : memref<400x80xf32, #tpu.memory_space<vmem>> -> memref<80x80xf32, #tpu.memory_space<vmem>>
        %dma_wait3A_412 = arith.constant 0 : i32
        %dma_wait3A_413 = tpu.memref_slice %arg12[%add3A_357, %dma_wait3A_412] : memref<250x80xi32, #tpu.memory_space<vmem>> -> memref<1x80xi32, #tpu.memory_space<vmem>>
        %dma_wait3A_414 = tpu.memref_squeeze %dma_wait3A_413 : memref<1x80xi32, #tpu.memory_space<vmem>> -> memref<80xi32, #tpu.memory_space<vmem>>
        %dma_wait3A_415 = arith.constant 0 : i32
        %dma_wait3A_416 = arith.constant 0 : i32
        %dma_wait3A_417 = tpu.memref_slice %arg2[%dma_wait3A_415, %dma_wait3A_416] : memref<10000x80xf32, #tpu.memory_space<hbm>> -> memref<10000x80xf32, #tpu.memory_space<hbm>>
        tpu.wait_indirect_dma semaphore(%arg17 : memref<!tpu.dma_semaphore, #tpu.memory_space<semaphore_mem>>) src(%dma_wait3A_417 : memref<10000x80xf32, #tpu.memory_space<hbm>>) dst(%dma_wait3A_411 : memref<80x80xf32, #tpu.memory_space<vmem>>)
        %add3A_418 = arith.constant 0 : i32
        %add3A_419 = arith.addi %mul3A_356, %add3A_418 : i32
        "tpu.region"() ({
          %run_scoped3A = tpu.sem_alloc : memref<!tpu.dma_semaphore, #tpu.memory_space<semaphore_mem>>
          %dma_start3A_464 = arith.constant 0 : i32
          %dma_start3A_465 = arith.constant 0 : i32
          %dma_start3A_466 = tpu.memref_slice %arg14[%dma_start3A_464, %dma_start3A_465] : memref<400x80xf32, #tpu.memory_space<vmem>> -> memref<80x80xf32, #tpu.memory_space<vmem>>
          %dma_start3A_467 = arith.constant 0 : i32
          %dma_start3A_468 = tpu.memref_slice %arg13[%add3A_419, %dma_start3A_467] : memref<250x80xi32, #tpu.memory_space<vmem>> -> memref<1x80xi32, #tpu.memory_space<vmem>>
          %dma_start3A_469 = tpu.memref_squeeze %dma_start3A_468 : memref<1x80xi32, #tpu.memory_space<vmem>> -> memref<80xi32, #tpu.memory_space<vmem>>
          %dma_start3A_470 = arith.constant 0 : i32
          %dma_start3A_471 = arith.constant 0 : i32
          %dma_start3A_472 = tpu.memref_slice %arg16[%dma_start3A_470, %dma_start3A_471] : memref<10240x80xf32, #tpu.memory_space<vmem_shared>> -> memref<10240x80xf32, #tpu.memory_space<vmem_shared>>
          tpu.enqueue_indirect_dma source(%dma_start3A_466 : memref<80x80xf32, #tpu.memory_space<vmem>>) target(%dma_start3A_472 : memref<10240x80xf32, #tpu.memory_space<vmem_shared>>) offsets(%dma_start3A_469 : memref<80xi32, #tpu.memory_space<vmem>>) semaphore(%run_scoped3A : memref<!tpu.dma_semaphore, #tpu.memory_space<semaphore_mem>>) {add = true}
          %dma_wait3A_473 = arith.constant 0 : i32
          %dma_wait3A_474 = arith.constant 0 : i32
          %dma_wait3A_475 = tpu.memref_slice %arg14[%dma_wait3A_473, %dma_wait3A_474] : memref<400x80xf32, #tpu.memory_space<vmem>> -> memref<80x80xf32, #tpu.memory_space<vmem>>
          %dma_wait3A_476 = arith.constant 0 : i32
          %dma_wait3A_477 = tpu.memref_slice %arg13[%add3A_419, %dma_wait3A_476] : memref<250x80xi32, #tpu.memory_space<vmem>> -> memref<1x80xi32, #tpu.memory_space<vmem>>
          %dma_wait3A_478 = tpu.memref_squeeze %dma_wait3A_477 : memref<1x80xi32, #tpu.memory_space<vmem>> -> memref<80xi32, #tpu.memory_space<vmem>>
          %dma_wait3A_479 = arith.constant 0 : i32
          %dma_wait3A_480 = arith.constant 0 : i32
          %dma_wait3A_481 = tpu.memref_slice %arg16[%dma_wait3A_479, %dma_wait3A_480] : memref<10240x80xf32, #tpu.memory_space<vmem_shared>> -> memref<10240x80xf32, #tpu.memory_space<vmem_shared>>
          tpu.wait_indirect_dma semaphore(%run_scoped3A : memref<!tpu.dma_semaphore, #tpu.memory_space<semaphore_mem>>) src(%dma_wait3A_475 : memref<80x80xf32, #tpu.memory_space<vmem>>) dst(%dma_wait3A_481 : memref<10240x80xf32, #tpu.memory_space<vmem_shared>>)
          tpu.yield
        }) : () -> ()
        %dma_wait3A_420 = arith.constant 80 : i32
        %dma_wait3A_421 = arith.constant 0 : i32
        %dma_wait3A_422 = tpu.memref_slice %arg14[%dma_wait3A_420, %dma_wait3A_421] : memref<400x80xf32, #tpu.memory_space<vmem>> -> memref<80x80xf32, #tpu.memory_space<vmem>>
        %dma_wait3A_423 = arith.constant 0 : i32
        %dma_wait3A_424 = tpu.memref_slice %arg12[%add3A_367, %dma_wait3A_423] : memref<250x80xi32, #tpu.memory_space<vmem>> -> memref<1x80xi32, #tpu.memory_space<vmem>>
        %dma_wait3A_425 = tpu.memref_squeeze %dma_wait3A_424 : memref<1x80xi32, #tpu.memory_space<vmem>> -> memref<80xi32, #tpu.memory_space<vmem>>
        %dma_wait3A_426 = arith.constant 0 : i32
        %dma_wait3A_427 = arith.constant 0 : i32
        %dma_wait3A_428 = tpu.memref_slice %arg2[%dma_wait3A_426, %dma_wait3A_427] : memref<10000x80xf32, #tpu.memory_space<hbm>> -> memref<10000x80xf32, #tpu.memory_space<hbm>>
        tpu.wait_indirect_dma semaphore(%arg18 : memref<!tpu.dma_semaphore, #tpu.memory_space<semaphore_mem>>) src(%dma_wait3A_428 : memref<10000x80xf32, #tpu.memory_space<hbm>>) dst(%dma_wait3A_422 : memref<80x80xf32, #tpu.memory_space<vmem>>)
        %add3A_429 = arith.constant 1 : i32
        %add3A_430 = arith.addi %mul3A_356, %add3A_429 : i32
        "tpu.region"() ({
          %run_scoped3A = tpu.sem_alloc : memref<!tpu.dma_semaphore, #tpu.memory_space<semaphore_mem>>
          %dma_start3A_464 = arith.constant 80 : i32
          %dma_start3A_465 = arith.constant 0 : i32
          %dma_start3A_466 = tpu.memref_slice %arg14[%dma_start3A_464, %dma_start3A_465] : memref<400x80xf32, #tpu.memory_space<vmem>> -> memref<80x80xf32, #tpu.memory_space<vmem>>
          %dma_start3A_467 = arith.constant 0 : i32
          %dma_start3A_468 = tpu.memref_slice %arg13[%add3A_430, %dma_start3A_467] : memref<250x80xi32, #tpu.memory_space<vmem>> -> memref<1x80xi32, #tpu.memory_space<vmem>>
          %dma_start3A_469 = tpu.memref_squeeze %dma_start3A_468 : memref<1x80xi32, #tpu.memory_space<vmem>> -> memref<80xi32, #tpu.memory_space<vmem>>
          %dma_start3A_470 = arith.constant 0 : i32
          %dma_start3A_471 = arith.constant 0 : i32
          %dma_start3A_472 = tpu.memref_slice %arg16[%dma_start3A_470, %dma_start3A_471] : memref<10240x80xf32, #tpu.memory_space<vmem_shared>> -> memref<10240x80xf32, #tpu.memory_space<vmem_shared>>
          tpu.enqueue_indirect_dma source(%dma_start3A_466 : memref<80x80xf32, #tpu.memory_space<vmem>>) target(%dma_start3A_472 : memref<10240x80xf32, #tpu.memory_space<vmem_shared>>) offsets(%dma_start3A_469 : memref<80xi32, #tpu.memory_space<vmem>>) semaphore(%run_scoped3A : memref<!tpu.dma_semaphore, #tpu.memory_space<semaphore_mem>>) {add = true}
          %dma_wait3A_473 = arith.constant 80 : i32
          %dma_wait3A_474 = arith.constant 0 : i32
          %dma_wait3A_475 = tpu.memref_slice %arg14[%dma_wait3A_473, %dma_wait3A_474] : memref<400x80xf32, #tpu.memory_space<vmem>> -> memref<80x80xf32, #tpu.memory_space<vmem>>
          %dma_wait3A_476 = arith.constant 0 : i32
          %dma_wait3A_477 = tpu.memref_slice %arg13[%add3A_430, %dma_wait3A_476] : memref<250x80xi32, #tpu.memory_space<vmem>> -> memref<1x80xi32, #tpu.memory_space<vmem>>
          %dma_wait3A_478 = tpu.memref_squeeze %dma_wait3A_477 : memref<1x80xi32, #tpu.memory_space<vmem>> -> memref<80xi32, #tpu.memory_space<vmem>>
          %dma_wait3A_479 = arith.constant 0 : i32
          %dma_wait3A_480 = arith.constant 0 : i32
          %dma_wait3A_481 = tpu.memref_slice %arg16[%dma_wait3A_479, %dma_wait3A_480] : memref<10240x80xf32, #tpu.memory_space<vmem_shared>> -> memref<10240x80xf32, #tpu.memory_space<vmem_shared>>
          tpu.wait_indirect_dma semaphore(%run_scoped3A : memref<!tpu.dma_semaphore, #tpu.memory_space<semaphore_mem>>) src(%dma_wait3A_475 : memref<80x80xf32, #tpu.memory_space<vmem>>) dst(%dma_wait3A_481 : memref<10240x80xf32, #tpu.memory_space<vmem_shared>>)
          tpu.yield
        }) : () -> ()
        %dma_wait3A_431 = arith.constant 160 : i32
        %dma_wait3A_432 = arith.constant 0 : i32
        %dma_wait3A_433 = tpu.memref_slice %arg14[%dma_wait3A_431, %dma_wait3A_432] : memref<400x80xf32, #tpu.memory_space<vmem>> -> memref<80x80xf32, #tpu.memory_space<vmem>>
        %dma_wait3A_434 = arith.constant 0 : i32
        %dma_wait3A_435 = tpu.memref_slice %arg12[%add3A_378, %dma_wait3A_434] : memref<250x80xi32, #tpu.memory_space<vmem>> -> memref<1x80xi32, #tpu.memory_space<vmem>>
        %dma_wait3A_436 = tpu.memref_squeeze %dma_wait3A_435 : memref<1x80xi32, #tpu.memory_space<vmem>> -> memref<80xi32, #tpu.memory_space<vmem>>
        %dma_wait3A_437 = arith.constant 0 : i32
        %dma_wait3A_438 = arith.constant 0 : i32
        %dma_wait3A_439 = tpu.memref_slice %arg2[%dma_wait3A_437, %dma_wait3A_438] : memref<10000x80xf32, #tpu.memory_space<hbm>> -> memref<10000x80xf32, #tpu.memory_space<hbm>>
        tpu.wait_indirect_dma semaphore(%arg19 : memref<!tpu.dma_semaphore, #tpu.memory_space<semaphore_mem>>) src(%dma_wait3A_439 : memref<10000x80xf32, #tpu.memory_space<hbm>>) dst(%dma_wait3A_433 : memref<80x80xf32, #tpu.memory_space<vmem>>)
        %add3A_440 = arith.constant 2 : i32
        %add3A_441 = arith.addi %mul3A_356, %add3A_440 : i32
        "tpu.region"() ({
          %run_scoped3A = tpu.sem_alloc : memref<!tpu.dma_semaphore, #tpu.memory_space<semaphore_mem>>
          %dma_start3A_464 = arith.constant 160 : i32
          %dma_start3A_465 = arith.constant 0 : i32
          %dma_start3A_466 = tpu.memref_slice %arg14[%dma_start3A_464, %dma_start3A_465] : memref<400x80xf32, #tpu.memory_space<vmem>> -> memref<80x80xf32, #tpu.memory_space<vmem>>
          %dma_start3A_467 = arith.constant 0 : i32
          %dma_start3A_468 = tpu.memref_slice %arg13[%add3A_441, %dma_start3A_467] : memref<250x80xi32, #tpu.memory_space<vmem>> -> memref<1x80xi32, #tpu.memory_space<vmem>>
          %dma_start3A_469 = tpu.memref_squeeze %dma_start3A_468 : memref<1x80xi32, #tpu.memory_space<vmem>> -> memref<80xi32, #tpu.memory_space<vmem>>
          %dma_start3A_470 = arith.constant 0 : i32
          %dma_start3A_471 = arith.constant 0 : i32
          %dma_start3A_472 = tpu.memref_slice %arg16[%dma_start3A_470, %dma_start3A_471] : memref<10240x80xf32, #tpu.memory_space<vmem_shared>> -> memref<10240x80xf32, #tpu.memory_space<vmem_shared>>
          tpu.enqueue_indirect_dma source(%dma_start3A_466 : memref<80x80xf32, #tpu.memory_space<vmem>>) target(%dma_start3A_472 : memref<10240x80xf32, #tpu.memory_space<vmem_shared>>) offsets(%dma_start3A_469 : memref<80xi32, #tpu.memory_space<vmem>>) semaphore(%run_scoped3A : memref<!tpu.dma_semaphore, #tpu.memory_space<semaphore_mem>>) {add = true}
          %dma_wait3A_473 = arith.constant 160 : i32
          %dma_wait3A_474 = arith.constant 0 : i32
          %dma_wait3A_475 = tpu.memref_slice %arg14[%dma_wait3A_473, %dma_wait3A_474] : memref<400x80xf32, #tpu.memory_space<vmem>> -> memref<80x80xf32, #tpu.memory_space<vmem>>
          %dma_wait3A_476 = arith.constant 0 : i32
          %dma_wait3A_477 = tpu.memref_slice %arg13[%add3A_441, %dma_wait3A_476] : memref<250x80xi32, #tpu.memory_space<vmem>> -> memref<1x80xi32, #tpu.memory_space<vmem>>
          %dma_wait3A_478 = tpu.memref_squeeze %dma_wait3A_477 : memref<1x80xi32, #tpu.memory_space<vmem>> -> memref<80xi32, #tpu.memory_space<vmem>>
          %dma_wait3A_479 = arith.constant 0 : i32
          %dma_wait3A_480 = arith.constant 0 : i32
          %dma_wait3A_481 = tpu.memref_slice %arg16[%dma_wait3A_479, %dma_wait3A_480] : memref<10240x80xf32, #tpu.memory_space<vmem_shared>> -> memref<10240x80xf32, #tpu.memory_space<vmem_shared>>
          tpu.wait_indirect_dma semaphore(%run_scoped3A : memref<!tpu.dma_semaphore, #tpu.memory_space<semaphore_mem>>) src(%dma_wait3A_475 : memref<80x80xf32, #tpu.memory_space<vmem>>) dst(%dma_wait3A_481 : memref<10240x80xf32, #tpu.memory_space<vmem_shared>>)
          tpu.yield
        }) : () -> ()
        %dma_wait3A_442 = arith.constant 240 : i32
        %dma_wait3A_443 = arith.constant 0 : i32
        %dma_wait3A_444 = tpu.memref_slice %arg14[%dma_wait3A_442, %dma_wait3A_443] : memref<400x80xf32, #tpu.memory_space<vmem>> -> memref<80x80xf32, #tpu.memory_space<vmem>>
        %dma_wait3A_445 = arith.constant 0 : i32
        %dma_wait3A_446 = tpu.memref_slice %arg12[%add3A_389, %dma_wait3A_445] : memref<250x80xi32, #tpu.memory_space<vmem>> -> memref<1x80xi32, #tpu.memory_space<vmem>>
        %dma_wait3A_447 = tpu.memref_squeeze %dma_wait3A_446 : memref<1x80xi32, #tpu.memory_space<vmem>> -> memref<80xi32, #tpu.memory_space<vmem>>
        %dma_wait3A_448 = arith.constant 0 : i32
        %dma_wait3A_449 = arith.constant 0 : i32
        %dma_wait3A_450 = tpu.memref_slice %arg2[%dma_wait3A_448, %dma_wait3A_449] : memref<10000x80xf32, #tpu.memory_space<hbm>> -> memref<10000x80xf32, #tpu.memory_space<hbm>>
        tpu.wait_indirect_dma semaphore(%arg20 : memref<!tpu.dma_semaphore, #tpu.memory_space<semaphore_mem>>) src(%dma_wait3A_450 : memref<10000x80xf32, #tpu.memory_space<hbm>>) dst(%dma_wait3A_444 : memref<80x80xf32, #tpu.memory_space<vmem>>)
        %add3A_451 = arith.constant 3 : i32
        %add3A_452 = arith.addi %mul3A_356, %add3A_451 : i32
        "tpu.region"() ({
          %run_scoped3A = tpu.sem_alloc : memref<!tpu.dma_semaphore, #tpu.memory_space<semaphore_mem>>
          %dma_start3A_464 = arith.constant 240 : i32
          %dma_start3A_465 = arith.constant 0 : i32
          %dma_start3A_466 = tpu.memref_slice %arg14[%dma_start3A_464, %dma_start3A_465] : memref<400x80xf32, #tpu.memory_space<vmem>> -> memref<80x80xf32, #tpu.memory_space<vmem>>
          %dma_start3A_467 = arith.constant 0 : i32
          %dma_start3A_468 = tpu.memref_slice %arg13[%add3A_452, %dma_start3A_467] : memref<250x80xi32, #tpu.memory_space<vmem>> -> memref<1x80xi32, #tpu.memory_space<vmem>>
          %dma_start3A_469 = tpu.memref_squeeze %dma_start3A_468 : memref<1x80xi32, #tpu.memory_space<vmem>> -> memref<80xi32, #tpu.memory_space<vmem>>
          %dma_start3A_470 = arith.constant 0 : i32
          %dma_start3A_471 = arith.constant 0 : i32
          %dma_start3A_472 = tpu.memref_slice %arg16[%dma_start3A_470, %dma_start3A_471] : memref<10240x80xf32, #tpu.memory_space<vmem_shared>> -> memref<10240x80xf32, #tpu.memory_space<vmem_shared>>
          tpu.enqueue_indirect_dma source(%dma_start3A_466 : memref<80x80xf32, #tpu.memory_space<vmem>>) target(%dma_start3A_472 : memref<10240x80xf32, #tpu.memory_space<vmem_shared>>) offsets(%dma_start3A_469 : memref<80xi32, #tpu.memory_space<vmem>>) semaphore(%run_scoped3A : memref<!tpu.dma_semaphore, #tpu.memory_space<semaphore_mem>>) {add = true}
          %dma_wait3A_473 = arith.constant 240 : i32
          %dma_wait3A_474 = arith.constant 0 : i32
          %dma_wait3A_475 = tpu.memref_slice %arg14[%dma_wait3A_473, %dma_wait3A_474] : memref<400x80xf32, #tpu.memory_space<vmem>> -> memref<80x80xf32, #tpu.memory_space<vmem>>
          %dma_wait3A_476 = arith.constant 0 : i32
          %dma_wait3A_477 = tpu.memref_slice %arg13[%add3A_452, %dma_wait3A_476] : memref<250x80xi32, #tpu.memory_space<vmem>> -> memref<1x80xi32, #tpu.memory_space<vmem>>
          %dma_wait3A_478 = tpu.memref_squeeze %dma_wait3A_477 : memref<1x80xi32, #tpu.memory_space<vmem>> -> memref<80xi32, #tpu.memory_space<vmem>>
          %dma_wait3A_479 = arith.constant 0 : i32
          %dma_wait3A_480 = arith.constant 0 : i32
          %dma_wait3A_481 = tpu.memref_slice %arg16[%dma_wait3A_479, %dma_wait3A_480] : memref<10240x80xf32, #tpu.memory_space<vmem_shared>> -> memref<10240x80xf32, #tpu.memory_space<vmem_shared>>
          tpu.wait_indirect_dma semaphore(%run_scoped3A : memref<!tpu.dma_semaphore, #tpu.memory_space<semaphore_mem>>) src(%dma_wait3A_475 : memref<80x80xf32, #tpu.memory_space<vmem>>) dst(%dma_wait3A_481 : memref<10240x80xf32, #tpu.memory_space<vmem_shared>>)
          tpu.yield
        }) : () -> ()
        %dma_wait3A_453 = arith.constant 320 : i32
        %dma_wait3A_454 = arith.constant 0 : i32
        %dma_wait3A_455 = tpu.memref_slice %arg14[%dma_wait3A_453, %dma_wait3A_454] : memref<400x80xf32, #tpu.memory_space<vmem>> -> memref<80x80xf32, #tpu.memory_space<vmem>>
        %dma_wait3A_456 = arith.constant 0 : i32
        %dma_wait3A_457 = tpu.memref_slice %arg12[%add3A_400, %dma_wait3A_456] : memref<250x80xi32, #tpu.memory_space<vmem>> -> memref<1x80xi32, #tpu.memory_space<vmem>>
        %dma_wait3A_458 = tpu.memref_squeeze %dma_wait3A_457 : memref<1x80xi32, #tpu.memory_space<vmem>> -> memref<80xi32, #tpu.memory_space<vmem>>
        %dma_wait3A_459 = arith.constant 0 : i32
        %dma_wait3A_460 = arith.constant 0 : i32
        %dma_wait3A_461 = tpu.memref_slice %arg2[%dma_wait3A_459, %dma_wait3A_460] : memref<10000x80xf32, #tpu.memory_space<hbm>> -> memref<10000x80xf32, #tpu.memory_space<hbm>>
        tpu.wait_indirect_dma semaphore(%arg21 : memref<!tpu.dma_semaphore, #tpu.memory_space<semaphore_mem>>) src(%dma_wait3A_461 : memref<10000x80xf32, #tpu.memory_space<hbm>>) dst(%dma_wait3A_455 : memref<80x80xf32, #tpu.memory_space<vmem>>)
        %add3A_462 = arith.constant 4 : i32
        %add3A_463 = arith.addi %mul3A_356, %add3A_462 : i32
        "tpu.region"() ({
          %run_scoped3A = tpu.sem_alloc : memref<!tpu.dma_semaphore, #tpu.memory_space<semaphore_mem>>
          %dma_start3A_464 = arith.constant 320 : i32
          %dma_start3A_465 = arith.constant 0 : i32
          %dma_start3A_466 = tpu.memref_slice %arg14[%dma_start3A_464, %dma_start3A_465] : memref<400x80xf32, #tpu.memory_space<vmem>> -> memref<80x80xf32, #tpu.memory_space<vmem>>
          %dma_start3A_467 = arith.constant 0 : i32
          %dma_start3A_468 = tpu.memref_slice %arg13[%add3A_463, %dma_start3A_467] : memref<250x80xi32, #tpu.memory_space<vmem>> -> memref<1x80xi32, #tpu.memory_space<vmem>>
          %dma_start3A_469 = tpu.memref_squeeze %dma_start3A_468 : memref<1x80xi32, #tpu.memory_space<vmem>> -> memref<80xi32, #tpu.memory_space<vmem>>
          %dma_start3A_470 = arith.constant 0 : i32
          %dma_start3A_471 = arith.constant 0 : i32
          %dma_start3A_472 = tpu.memref_slice %arg16[%dma_start3A_470, %dma_start3A_471] : memref<10240x80xf32, #tpu.memory_space<vmem_shared>> -> memref<10240x80xf32, #tpu.memory_space<vmem_shared>>
          tpu.enqueue_indirect_dma source(%dma_start3A_466 : memref<80x80xf32, #tpu.memory_space<vmem>>) target(%dma_start3A_472 : memref<10240x80xf32, #tpu.memory_space<vmem_shared>>) offsets(%dma_start3A_469 : memref<80xi32, #tpu.memory_space<vmem>>) semaphore(%run_scoped3A : memref<!tpu.dma_semaphore, #tpu.memory_space<semaphore_mem>>) {add = true}
          %dma_wait3A_473 = arith.constant 320 : i32
          %dma_wait3A_474 = arith.constant 0 : i32
          %dma_wait3A_475 = tpu.memref_slice %arg14[%dma_wait3A_473, %dma_wait3A_474] : memref<400x80xf32, #tpu.memory_space<vmem>> -> memref<80x80xf32, #tpu.memory_space<vmem>>
          %dma_wait3A_476 = arith.constant 0 : i32
          %dma_wait3A_477 = tpu.memref_slice %arg13[%add3A_463, %dma_wait3A_476] : memref<250x80xi32, #tpu.memory_space<vmem>> -> memref<1x80xi32, #tpu.memory_space<vmem>>
          %dma_wait3A_478 = tpu.memref_squeeze %dma_wait3A_477 : memref<1x80xi32, #tpu.memory_space<vmem>> -> memref<80xi32, #tpu.memory_space<vmem>>
          %dma_wait3A_479 = arith.constant 0 : i32
          %dma_wait3A_480 = arith.constant 0 : i32
          %dma_wait3A_481 = tpu.memref_slice %arg16[%dma_wait3A_479, %dma_wait3A_480] : memref<10240x80xf32, #tpu.memory_space<vmem_shared>> -> memref<10240x80xf32, #tpu.memory_space<vmem_shared>>
          tpu.wait_indirect_dma semaphore(%run_scoped3A : memref<!tpu.dma_semaphore, #tpu.memory_space<semaphore_mem>>) src(%dma_wait3A_475 : memref<80x80xf32, #tpu.memory_space<vmem>>) dst(%dma_wait3A_481 : memref<10240x80xf32, #tpu.memory_space<vmem_shared>>)
          tpu.yield
        }) : () -> ()
      }
      %scan3A_336 = arith.constant 50 : i32
      %barrier3A_337 = arith.constant 0 : index
      tpu.barrier barrier_id(%barrier3A_337)
      "tpu.region"() ({
        %run_scoped3A = tpu.sem_alloc : memref<!tpu.dma_semaphore, #tpu.memory_space<semaphore_mem>>
        %dma_start3A = arith.constant 0 : i32
        %dma_start3A_354 = arith.constant 0 : i32
        %dma_start3A_355 = tpu.memref_slice %arg8[%arg1, %dma_start3A, %dma_start3A_354] : memref<16x640x80xf32, #tpu.memory_space<hbm>> -> memref<1x640x80xf32, #tpu.memory_space<hbm>>
        %dma_start3A_356 = tpu.memref_squeeze %dma_start3A_355 : memref<1x640x80xf32, #tpu.memory_space<hbm>> -> memref<640x80xf32, #tpu.memory_space<hbm>>
        %dma_start3A_357 = arith.constant 0 : i32
        %dma_start3A_358 = tpu.memref_slice %arg16[%mul3A_325, %dma_start3A_357] : memref<10240x80xf32, #tpu.memory_space<vmem_shared>> -> memref<640x80xf32, #tpu.memory_space<vmem_shared>>
        tpu.enqueue_dma source(%dma_start3A_358 : memref<640x80xf32, #tpu.memory_space<vmem_shared>>) target(%dma_start3A_356 : memref<640x80xf32, #tpu.memory_space<hbm>>) target_semaphore(%run_scoped3A : memref<!tpu.dma_semaphore, #tpu.memory_space<semaphore_mem>>)
        %dma_wait3A = arith.constant 0 : i32
        %dma_wait3A_359 = arith.constant 0 : i32
        %dma_wait3A_360 = tpu.memref_slice %arg8[%arg1, %dma_wait3A, %dma_wait3A_359] : memref<16x640x80xf32, #tpu.memory_space<hbm>> -> memref<1x640x80xf32, #tpu.memory_space<hbm>>
        %dma_wait3A_361 = tpu.memref_squeeze %dma_wait3A_360 : memref<1x640x80xf32, #tpu.memory_space<hbm>> -> memref<640x80xf32, #tpu.memory_space<hbm>>
        %dma_wait3A_362 = arith.constant 0 : i32
        %dma_wait3A_363 = tpu.memref_slice %arg16[%mul3A_325, %dma_wait3A_362] : memref<10240x80xf32, #tpu.memory_space<vmem_shared>> -> memref<640x80xf32, #tpu.memory_space<vmem_shared>>
        tpu.wait_dma2 semaphore(%run_scoped3A : memref<!tpu.dma_semaphore, #tpu.memory_space<semaphore_mem>>) src(%dma_wait3A_363 : memref<640x80xf32, #tpu.memory_space<vmem_shared>>) dst(%dma_wait3A_361 : memref<640x80xf32, #tpu.memory_space<hbm>>)
        tpu.yield
      }) : () -> ()
      %mul3A_338 = arith.constant 640 : i32
      %mul3A_339 = arith.muli %arg1, %mul3A_338 : i32
      %scan3A_340 = arith.constant 0 : i32
      %scan3A_341 = arith.constant 0 : i32
      %scan3A_342 = arith.constant 80 : i32
      %scan3A_343 = arith.addi %scan3A_341, %scan3A_342 : i32
      %scan3A_344 = arith.constant 1 : i32
      scf.for %scan3A_354 = %scan3A_341 to %scan3A_343 step %scan3A_344  : i32 {
        %mul3A_355 = arith.constant 8 : i32
        %mul3A_356 = arith.muli %scan3A_354, %mul3A_355 : i32
        %add3A = arith.addi %mul3A_339, %mul3A_356 : i32
        "tpu.region"() ({
          %run_scoped3A = tpu.sem_alloc : memref<!tpu.dma_semaphore, #tpu.memory_space<semaphore_mem>>
          %dma_start3A = arith.constant 0 : i32
          %dma_start3A_357 = tpu.memref_slice %arg16[%add3A, %dma_start3A] : memref<10240x80xf32, #tpu.memory_space<vmem_shared>> -> memref<8x80xf32, #tpu.memory_space<vmem_shared>>
          %dma_start3A_358 = arith.constant 0 : i32
          %dma_start3A_359 = tpu.memref_slice %arg16[%add3A, %dma_start3A_358] : memref<10240x80xf32, #tpu.memory_space<vmem_shared>> -> memref<8x80xf32, #tpu.memory_space<vmem_shared>>
          tpu.enqueue_dma source(%arg15 : memref<8x80xf32, #tpu.memory_space<vmem>>) target(%dma_start3A_359 : memref<8x80xf32, #tpu.memory_space<vmem_shared>>) target_semaphore(%run_scoped3A : memref<!tpu.dma_semaphore, #tpu.memory_space<semaphore_mem>>)
          %dma_wait3A = arith.constant 0 : i32
          %dma_wait3A_360 = tpu.memref_slice %arg16[%add3A, %dma_wait3A] : memref<10240x80xf32, #tpu.memory_space<vmem_shared>> -> memref<8x80xf32, #tpu.memory_space<vmem_shared>>
          %dma_wait3A_361 = arith.constant 0 : i32
          %dma_wait3A_362 = tpu.memref_slice %arg16[%add3A, %dma_wait3A_361] : memref<10240x80xf32, #tpu.memory_space<vmem_shared>> -> memref<8x80xf32, #tpu.memory_space<vmem_shared>>
          tpu.wait_dma2 semaphore(%run_scoped3A : memref<!tpu.dma_semaphore, #tpu.memory_space<semaphore_mem>>) src(%arg15 : memref<8x80xf32, #tpu.memory_space<vmem>>) dst(%dma_wait3A_362 : memref<8x80xf32, #tpu.memory_space<vmem_shared>>)
          tpu.yield
        }) : () -> ()
      }
      %scan3A_345 = arith.constant 80 : i32
      %barrier3A_346 = arith.constant 0 : index
      tpu.barrier barrier_id(%barrier3A_346)
      %scan3A_347 = arith.constant 0 : i32
      %scan3A_348 = arith.constant 0 : i32
      %scan3A_349 = arith.constant 50 : i32
      %scan3A_350 = arith.addi %scan3A_348, %scan3A_349 : i32
      %scan3A_351 = arith.constant 1 : i32
      scf.for %scan3A_354 = %scan3A_348 to %scan3A_350 step %scan3A_351  : i32 {
        %mul3A_355 = arith.constant 5 : i32
        %mul3A_356 = arith.muli %scan3A_354, %mul3A_355 : i32
        %add3A = arith.constant 0 : i32
        %add3A_357 = arith.addi %mul3A_356, %add3A : i32
        %dma_start3A = arith.constant 0 : i32
        %dma_start3A_358 = arith.constant 0 : i32
        %dma_start3A_359 = tpu.memref_slice %arg14[%dma_start3A, %dma_start3A_358] : memref<400x80xf32, #tpu.memory_space<vmem>> -> memref<80x80xf32, #tpu.memory_space<vmem>>
        %dma_start3A_360 = arith.constant 0 : i32
        %dma_start3A_361 = tpu.memref_slice %arg12[%add3A_357, %dma_start3A_360] : memref<250x80xi32, #tpu.memory_space<vmem>> -> memref<1x80xi32, #tpu.memory_space<vmem>>
        %dma_start3A_362 = tpu.memref_squeeze %dma_start3A_361 : memref<1x80xi32, #tpu.memory_space<vmem>> -> memref<80xi32, #tpu.memory_space<vmem>>
        %dma_start3A_363 = arith.constant 0 : i32
        %dma_start3A_364 = arith.constant 0 : i32
        %dma_start3A_365 = tpu.memref_slice %arg3[%dma_start3A_363, %dma_start3A_364] : memref<10000x80xf32, #tpu.memory_space<hbm>> -> memref<10000x80xf32, #tpu.memory_space<hbm>>
        tpu.enqueue_indirect_dma source(%dma_start3A_365 : memref<10000x80xf32, #tpu.memory_space<hbm>>) target(%dma_start3A_359 : memref<80x80xf32, #tpu.memory_space<vmem>>) offsets(%dma_start3A_362 : memref<80xi32, #tpu.memory_space<vmem>>) semaphore(%arg17 : memref<!tpu.dma_semaphore, #tpu.memory_space<semaphore_mem>>)
        %add3A_366 = arith.constant 1 : i32
        %add3A_367 = arith.addi %mul3A_356, %add3A_366 : i32
        %dma_start3A_368 = arith.constant 80 : i32
        %dma_start3A_369 = arith.constant 0 : i32
        %dma_start3A_370 = tpu.memref_slice %arg14[%dma_start3A_368, %dma_start3A_369] : memref<400x80xf32, #tpu.memory_space<vmem>> -> memref<80x80xf32, #tpu.memory_space<vmem>>
        %dma_start3A_371 = arith.constant 0 : i32
        %dma_start3A_372 = tpu.memref_slice %arg12[%add3A_367, %dma_start3A_371] : memref<250x80xi32, #tpu.memory_space<vmem>> -> memref<1x80xi32, #tpu.memory_space<vmem>>
        %dma_start3A_373 = tpu.memref_squeeze %dma_start3A_372 : memref<1x80xi32, #tpu.memory_space<vmem>> -> memref<80xi32, #tpu.memory_space<vmem>>
        %dma_start3A_374 = arith.constant 0 : i32
        %dma_start3A_375 = arith.constant 0 : i32
        %dma_start3A_376 = tpu.memref_slice %arg3[%dma_start3A_374, %dma_start3A_375] : memref<10000x80xf32, #tpu.memory_space<hbm>> -> memref<10000x80xf32, #tpu.memory_space<hbm>>
        tpu.enqueue_indirect_dma source(%dma_start3A_376 : memref<10000x80xf32, #tpu.memory_space<hbm>>) target(%dma_start3A_370 : memref<80x80xf32, #tpu.memory_space<vmem>>) offsets(%dma_start3A_373 : memref<80xi32, #tpu.memory_space<vmem>>) semaphore(%arg18 : memref<!tpu.dma_semaphore, #tpu.memory_space<semaphore_mem>>)
        %add3A_377 = arith.constant 2 : i32
        %add3A_378 = arith.addi %mul3A_356, %add3A_377 : i32
        %dma_start3A_379 = arith.constant 160 : i32
        %dma_start3A_380 = arith.constant 0 : i32
        %dma_start3A_381 = tpu.memref_slice %arg14[%dma_start3A_379, %dma_start3A_380] : memref<400x80xf32, #tpu.memory_space<vmem>> -> memref<80x80xf32, #tpu.memory_space<vmem>>
        %dma_start3A_382 = arith.constant 0 : i32
        %dma_start3A_383 = tpu.memref_slice %arg12[%add3A_378, %dma_start3A_382] : memref<250x80xi32, #tpu.memory_space<vmem>> -> memref<1x80xi32, #tpu.memory_space<vmem>>
        %dma_start3A_384 = tpu.memref_squeeze %dma_start3A_383 : memref<1x80xi32, #tpu.memory_space<vmem>> -> memref<80xi32, #tpu.memory_space<vmem>>
        %dma_start3A_385 = arith.constant 0 : i32
        %dma_start3A_386 = arith.constant 0 : i32
        %dma_start3A_387 = tpu.memref_slice %arg3[%dma_start3A_385, %dma_start3A_386] : memref<10000x80xf32, #tpu.memory_space<hbm>> -> memref<10000x80xf32, #tpu.memory_space<hbm>>
        tpu.enqueue_indirect_dma source(%dma_start3A_387 : memref<10000x80xf32, #tpu.memory_space<hbm>>) target(%dma_start3A_381 : memref<80x80xf32, #tpu.memory_space<vmem>>) offsets(%dma_start3A_384 : memref<80xi32, #tpu.memory_space<vmem>>) semaphore(%arg19 : memref<!tpu.dma_semaphore, #tpu.memory_space<semaphore_mem>>)
        %add3A_388 = arith.constant 3 : i32
        %add3A_389 = arith.addi %mul3A_356, %add3A_388 : i32
        %dma_start3A_390 = arith.constant 240 : i32
        %dma_start3A_391 = arith.constant 0 : i32
        %dma_start3A_392 = tpu.memref_slice %arg14[%dma_start3A_390, %dma_start3A_391] : memref<400x80xf32, #tpu.memory_space<vmem>> -> memref<80x80xf32, #tpu.memory_space<vmem>>
        %dma_start3A_393 = arith.constant 0 : i32
        %dma_start3A_394 = tpu.memref_slice %arg12[%add3A_389, %dma_start3A_393] : memref<250x80xi32, #tpu.memory_space<vmem>> -> memref<1x80xi32, #tpu.memory_space<vmem>>
        %dma_start3A_395 = tpu.memref_squeeze %dma_start3A_394 : memref<1x80xi32, #tpu.memory_space<vmem>> -> memref<80xi32, #tpu.memory_space<vmem>>
        %dma_start3A_396 = arith.constant 0 : i32
        %dma_start3A_397 = arith.constant 0 : i32
        %dma_start3A_398 = tpu.memref_slice %arg3[%dma_start3A_396, %dma_start3A_397] : memref<10000x80xf32, #tpu.memory_space<hbm>> -> memref<10000x80xf32, #tpu.memory_space<hbm>>
        tpu.enqueue_indirect_dma source(%dma_start3A_398 : memref<10000x80xf32, #tpu.memory_space<hbm>>) target(%dma_start3A_392 : memref<80x80xf32, #tpu.memory_space<vmem>>) offsets(%dma_start3A_395 : memref<80xi32, #tpu.memory_space<vmem>>) semaphore(%arg20 : memref<!tpu.dma_semaphore, #tpu.memory_space<semaphore_mem>>)
        %add3A_399 = arith.constant 4 : i32
        %add3A_400 = arith.addi %mul3A_356, %add3A_399 : i32
        %dma_start3A_401 = arith.constant 320 : i32
        %dma_start3A_402 = arith.constant 0 : i32
        %dma_start3A_403 = tpu.memref_slice %arg14[%dma_start3A_401, %dma_start3A_402] : memref<400x80xf32, #tpu.memory_space<vmem>> -> memref<80x80xf32, #tpu.memory_space<vmem>>
        %dma_start3A_404 = arith.constant 0 : i32
        %dma_start3A_405 = tpu.memref_slice %arg12[%add3A_400, %dma_start3A_404] : memref<250x80xi32, #tpu.memory_space<vmem>> -> memref<1x80xi32, #tpu.memory_space<vmem>>
        %dma_start3A_406 = tpu.memref_squeeze %dma_start3A_405 : memref<1x80xi32, #tpu.memory_space<vmem>> -> memref<80xi32, #tpu.memory_space<vmem>>
        %dma_start3A_407 = arith.constant 0 : i32
        %dma_start3A_408 = arith.constant 0 : i32
        %dma_start3A_409 = tpu.memref_slice %arg3[%dma_start3A_407, %dma_start3A_408] : memref<10000x80xf32, #tpu.memory_space<hbm>> -> memref<10000x80xf32, #tpu.memory_space<hbm>>
        tpu.enqueue_indirect_dma source(%dma_start3A_409 : memref<10000x80xf32, #tpu.memory_space<hbm>>) target(%dma_start3A_403 : memref<80x80xf32, #tpu.memory_space<vmem>>) offsets(%dma_start3A_406 : memref<80xi32, #tpu.memory_space<vmem>>) semaphore(%arg21 : memref<!tpu.dma_semaphore, #tpu.memory_space<semaphore_mem>>)
        %dma_wait3A = arith.constant 0 : i32
        %dma_wait3A_410 = arith.constant 0 : i32
        %dma_wait3A_411 = tpu.memref_slice %arg14[%dma_wait3A, %dma_wait3A_410] : memref<400x80xf32, #tpu.memory_space<vmem>> -> memref<80x80xf32, #tpu.memory_space<vmem>>
        %dma_wait3A_412 = arith.constant 0 : i32
        %dma_wait3A_413 = tpu.memref_slice %arg12[%add3A_357, %dma_wait3A_412] : memref<250x80xi32, #tpu.memory_space<vmem>> -> memref<1x80xi32, #tpu.memory_space<vmem>>
        %dma_wait3A_414 = tpu.memref_squeeze %dma_wait3A_413 : memref<1x80xi32, #tpu.memory_space<vmem>> -> memref<80xi32, #tpu.memory_space<vmem>>
        %dma_wait3A_415 = arith.constant 0 : i32
        %dma_wait3A_416 = arith.constant 0 : i32
        %dma_wait3A_417 = tpu.memref_slice %arg3[%dma_wait3A_415, %dma_wait3A_416] : memref<10000x80xf32, #tpu.memory_space<hbm>> -> memref<10000x80xf32, #tpu.memory_space<hbm>>
        tpu.wait_indirect_dma semaphore(%arg17 : memref<!tpu.dma_semaphore, #tpu.memory_space<semaphore_mem>>) src(%dma_wait3A_417 : memref<10000x80xf32, #tpu.memory_space<hbm>>) dst(%dma_wait3A_411 : memref<80x80xf32, #tpu.memory_space<vmem>>)
        %add3A_418 = arith.constant 0 : i32
        %add3A_419 = arith.addi %mul3A_356, %add3A_418 : i32
        "tpu.region"() ({
          %run_scoped3A = tpu.sem_alloc : memref<!tpu.dma_semaphore, #tpu.memory_space<semaphore_mem>>
          %dma_start3A_464 = arith.constant 0 : i32
          %dma_start3A_465 = arith.constant 0 : i32
          %dma_start3A_466 = tpu.memref_slice %arg14[%dma_start3A_464, %dma_start3A_465] : memref<400x80xf32, #tpu.memory_space<vmem>> -> memref<80x80xf32, #tpu.memory_space<vmem>>
          %dma_start3A_467 = arith.constant 0 : i32
          %dma_start3A_468 = tpu.memref_slice %arg13[%add3A_419, %dma_start3A_467] : memref<250x80xi32, #tpu.memory_space<vmem>> -> memref<1x80xi32, #tpu.memory_space<vmem>>
          %dma_start3A_469 = tpu.memref_squeeze %dma_start3A_468 : memref<1x80xi32, #tpu.memory_space<vmem>> -> memref<80xi32, #tpu.memory_space<vmem>>
          %dma_start3A_470 = arith.constant 0 : i32
          %dma_start3A_471 = arith.constant 0 : i32
          %dma_start3A_472 = tpu.memref_slice %arg16[%dma_start3A_470, %dma_start3A_471] : memref<10240x80xf32, #tpu.memory_space<vmem_shared>> -> memref<10240x80xf32, #tpu.memory_space<vmem_shared>>
          tpu.enqueue_indirect_dma source(%dma_start3A_466 : memref<80x80xf32, #tpu.memory_space<vmem>>) target(%dma_start3A_472 : memref<10240x80xf32, #tpu.memory_space<vmem_shared>>) offsets(%dma_start3A_469 : memref<80xi32, #tpu.memory_space<vmem>>) semaphore(%run_scoped3A : memref<!tpu.dma_semaphore, #tpu.memory_space<semaphore_mem>>) {add = true}
          %dma_wait3A_473 = arith.constant 0 : i32
          %dma_wait3A_474 = arith.constant 0 : i32
          %dma_wait3A_475 = tpu.memref_slice %arg14[%dma_wait3A_473, %dma_wait3A_474] : memref<400x80xf32, #tpu.memory_space<vmem>> -> memref<80x80xf32, #tpu.memory_space<vmem>>
          %dma_wait3A_476 = arith.constant 0 : i32
          %dma_wait3A_477 = tpu.memref_slice %arg13[%add3A_419, %dma_wait3A_476] : memref<250x80xi32, #tpu.memory_space<vmem>> -> memref<1x80xi32, #tpu.memory_space<vmem>>
          %dma_wait3A_478 = tpu.memref_squeeze %dma_wait3A_477 : memref<1x80xi32, #tpu.memory_space<vmem>> -> memref<80xi32, #tpu.memory_space<vmem>>
          %dma_wait3A_479 = arith.constant 0 : i32
          %dma_wait3A_480 = arith.constant 0 : i32
          %dma_wait3A_481 = tpu.memref_slice %arg16[%dma_wait3A_479, %dma_wait3A_480] : memref<10240x80xf32, #tpu.memory_space<vmem_shared>> -> memref<10240x80xf32, #tpu.memory_space<vmem_shared>>
          tpu.wait_indirect_dma semaphore(%run_scoped3A : memref<!tpu.dma_semaphore, #tpu.memory_space<semaphore_mem>>) src(%dma_wait3A_475 : memref<80x80xf32, #tpu.memory_space<vmem>>) dst(%dma_wait3A_481 : memref<10240x80xf32, #tpu.memory_space<vmem_shared>>)
          tpu.yield
        }) : () -> ()
        %dma_wait3A_420 = arith.constant 80 : i32
        %dma_wait3A_421 = arith.constant 0 : i32
        %dma_wait3A_422 = tpu.memref_slice %arg14[%dma_wait3A_420, %dma_wait3A_421] : memref<400x80xf32, #tpu.memory_space<vmem>> -> memref<80x80xf32, #tpu.memory_space<vmem>>
        %dma_wait3A_423 = arith.constant 0 : i32
        %dma_wait3A_424 = tpu.memref_slice %arg12[%add3A_367, %dma_wait3A_423] : memref<250x80xi32, #tpu.memory_space<vmem>> -> memref<1x80xi32, #tpu.memory_space<vmem>>
        %dma_wait3A_425 = tpu.memref_squeeze %dma_wait3A_424 : memref<1x80xi32, #tpu.memory_space<vmem>> -> memref<80xi32, #tpu.memory_space<vmem>>
        %dma_wait3A_426 = arith.constant 0 : i32
        %dma_wait3A_427 = arith.constant 0 : i32
        %dma_wait3A_428 = tpu.memref_slice %arg3[%dma_wait3A_426, %dma_wait3A_427] : memref<10000x80xf32, #tpu.memory_space<hbm>> -> memref<10000x80xf32, #tpu.memory_space<hbm>>
        tpu.wait_indirect_dma semaphore(%arg18 : memref<!tpu.dma_semaphore, #tpu.memory_space<semaphore_mem>>) src(%dma_wait3A_428 : memref<10000x80xf32, #tpu.memory_space<hbm>>) dst(%dma_wait3A_422 : memref<80x80xf32, #tpu.memory_space<vmem>>)
        %add3A_429 = arith.constant 1 : i32
        %add3A_430 = arith.addi %mul3A_356, %add3A_429 : i32
        "tpu.region"() ({
          %run_scoped3A = tpu.sem_alloc : memref<!tpu.dma_semaphore, #tpu.memory_space<semaphore_mem>>
          %dma_start3A_464 = arith.constant 80 : i32
          %dma_start3A_465 = arith.constant 0 : i32
          %dma_start3A_466 = tpu.memref_slice %arg14[%dma_start3A_464, %dma_start3A_465] : memref<400x80xf32, #tpu.memory_space<vmem>> -> memref<80x80xf32, #tpu.memory_space<vmem>>
          %dma_start3A_467 = arith.constant 0 : i32
          %dma_start3A_468 = tpu.memref_slice %arg13[%add3A_430, %dma_start3A_467] : memref<250x80xi32, #tpu.memory_space<vmem>> -> memref<1x80xi32, #tpu.memory_space<vmem>>
          %dma_start3A_469 = tpu.memref_squeeze %dma_start3A_468 : memref<1x80xi32, #tpu.memory_space<vmem>> -> memref<80xi32, #tpu.memory_space<vmem>>
          %dma_start3A_470 = arith.constant 0 : i32
          %dma_start3A_471 = arith.constant 0 : i32
          %dma_start3A_472 = tpu.memref_slice %arg16[%dma_start3A_470, %dma_start3A_471] : memref<10240x80xf32, #tpu.memory_space<vmem_shared>> -> memref<10240x80xf32, #tpu.memory_space<vmem_shared>>
          tpu.enqueue_indirect_dma source(%dma_start3A_466 : memref<80x80xf32, #tpu.memory_space<vmem>>) target(%dma_start3A_472 : memref<10240x80xf32, #tpu.memory_space<vmem_shared>>) offsets(%dma_start3A_469 : memref<80xi32, #tpu.memory_space<vmem>>) semaphore(%run_scoped3A : memref<!tpu.dma_semaphore, #tpu.memory_space<semaphore_mem>>) {add = true}
          %dma_wait3A_473 = arith.constant 80 : i32
          %dma_wait3A_474 = arith.constant 0 : i32
          %dma_wait3A_475 = tpu.memref_slice %arg14[%dma_wait3A_473, %dma_wait3A_474] : memref<400x80xf32, #tpu.memory_space<vmem>> -> memref<80x80xf32, #tpu.memory_space<vmem>>
          %dma_wait3A_476 = arith.constant 0 : i32
          %dma_wait3A_477 = tpu.memref_slice %arg13[%add3A_430, %dma_wait3A_476] : memref<250x80xi32, #tpu.memory_space<vmem>> -> memref<1x80xi32, #tpu.memory_space<vmem>>
          %dma_wait3A_478 = tpu.memref_squeeze %dma_wait3A_477 : memref<1x80xi32, #tpu.memory_space<vmem>> -> memref<80xi32, #tpu.memory_space<vmem>>
          %dma_wait3A_479 = arith.constant 0 : i32
          %dma_wait3A_480 = arith.constant 0 : i32
          %dma_wait3A_481 = tpu.memref_slice %arg16[%dma_wait3A_479, %dma_wait3A_480] : memref<10240x80xf32, #tpu.memory_space<vmem_shared>> -> memref<10240x80xf32, #tpu.memory_space<vmem_shared>>
          tpu.wait_indirect_dma semaphore(%run_scoped3A : memref<!tpu.dma_semaphore, #tpu.memory_space<semaphore_mem>>) src(%dma_wait3A_475 : memref<80x80xf32, #tpu.memory_space<vmem>>) dst(%dma_wait3A_481 : memref<10240x80xf32, #tpu.memory_space<vmem_shared>>)
          tpu.yield
        }) : () -> ()
        %dma_wait3A_431 = arith.constant 160 : i32
        %dma_wait3A_432 = arith.constant 0 : i32
        %dma_wait3A_433 = tpu.memref_slice %arg14[%dma_wait3A_431, %dma_wait3A_432] : memref<400x80xf32, #tpu.memory_space<vmem>> -> memref<80x80xf32, #tpu.memory_space<vmem>>
        %dma_wait3A_434 = arith.constant 0 : i32
        %dma_wait3A_435 = tpu.memref_slice %arg12[%add3A_378, %dma_wait3A_434] : memref<250x80xi32, #tpu.memory_space<vmem>> -> memref<1x80xi32, #tpu.memory_space<vmem>>
        %dma_wait3A_436 = tpu.memref_squeeze %dma_wait3A_435 : memref<1x80xi32, #tpu.memory_space<vmem>> -> memref<80xi32, #tpu.memory_space<vmem>>
        %dma_wait3A_437 = arith.constant 0 : i32
        %dma_wait3A_438 = arith.constant 0 : i32
        %dma_wait3A_439 = tpu.memref_slice %arg3[%dma_wait3A_437, %dma_wait3A_438] : memref<10000x80xf32, #tpu.memory_space<hbm>> -> memref<10000x80xf32, #tpu.memory_space<hbm>>
        tpu.wait_indirect_dma semaphore(%arg19 : memref<!tpu.dma_semaphore, #tpu.memory_space<semaphore_mem>>) src(%dma_wait3A_439 : memref<10000x80xf32, #tpu.memory_space<hbm>>) dst(%dma_wait3A_433 : memref<80x80xf32, #tpu.memory_space<vmem>>)
        %add3A_440 = arith.constant 2 : i32
        %add3A_441 = arith.addi %mul3A_356, %add3A_440 : i32
        "tpu.region"() ({
          %run_scoped3A = tpu.sem_alloc : memref<!tpu.dma_semaphore, #tpu.memory_space<semaphore_mem>>
          %dma_start3A_464 = arith.constant 160 : i32
          %dma_start3A_465 = arith.constant 0 : i32
          %dma_start3A_466 = tpu.memref_slice %arg14[%dma_start3A_464, %dma_start3A_465] : memref<400x80xf32, #tpu.memory_space<vmem>> -> memref<80x80xf32, #tpu.memory_space<vmem>>
          %dma_start3A_467 = arith.constant 0 : i32
          %dma_start3A_468 = tpu.memref_slice %arg13[%add3A_441, %dma_start3A_467] : memref<250x80xi32, #tpu.memory_space<vmem>> -> memref<1x80xi32, #tpu.memory_space<vmem>>
          %dma_start3A_469 = tpu.memref_squeeze %dma_start3A_468 : memref<1x80xi32, #tpu.memory_space<vmem>> -> memref<80xi32, #tpu.memory_space<vmem>>
          %dma_start3A_470 = arith.constant 0 : i32
          %dma_start3A_471 = arith.constant 0 : i32
          %dma_start3A_472 = tpu.memref_slice %arg16[%dma_start3A_470, %dma_start3A_471] : memref<10240x80xf32, #tpu.memory_space<vmem_shared>> -> memref<10240x80xf32, #tpu.memory_space<vmem_shared>>
          tpu.enqueue_indirect_dma source(%dma_start3A_466 : memref<80x80xf32, #tpu.memory_space<vmem>>) target(%dma_start3A_472 : memref<10240x80xf32, #tpu.memory_space<vmem_shared>>) offsets(%dma_start3A_469 : memref<80xi32, #tpu.memory_space<vmem>>) semaphore(%run_scoped3A : memref<!tpu.dma_semaphore, #tpu.memory_space<semaphore_mem>>) {add = true}
          %dma_wait3A_473 = arith.constant 160 : i32
          %dma_wait3A_474 = arith.constant 0 : i32
          %dma_wait3A_475 = tpu.memref_slice %arg14[%dma_wait3A_473, %dma_wait3A_474] : memref<400x80xf32, #tpu.memory_space<vmem>> -> memref<80x80xf32, #tpu.memory_space<vmem>>
          %dma_wait3A_476 = arith.constant 0 : i32
          %dma_wait3A_477 = tpu.memref_slice %arg13[%add3A_441, %dma_wait3A_476] : memref<250x80xi32, #tpu.memory_space<vmem>> -> memref<1x80xi32, #tpu.memory_space<vmem>>
          %dma_wait3A_478 = tpu.memref_squeeze %dma_wait3A_477 : memref<1x80xi32, #tpu.memory_space<vmem>> -> memref<80xi32, #tpu.memory_space<vmem>>
          %dma_wait3A_479 = arith.constant 0 : i32
          %dma_wait3A_480 = arith.constant 0 : i32
          %dma_wait3A_481 = tpu.memref_slice %arg16[%dma_wait3A_479, %dma_wait3A_480] : memref<10240x80xf32, #tpu.memory_space<vmem_shared>> -> memref<10240x80xf32, #tpu.memory_space<vmem_shared>>
          tpu.wait_indirect_dma semaphore(%run_scoped3A : memref<!tpu.dma_semaphore, #tpu.memory_space<semaphore_mem>>) src(%dma_wait3A_475 : memref<80x80xf32, #tpu.memory_space<vmem>>) dst(%dma_wait3A_481 : memref<10240x80xf32, #tpu.memory_space<vmem_shared>>)
          tpu.yield
        }) : () -> ()
        %dma_wait3A_442 = arith.constant 240 : i32
        %dma_wait3A_443 = arith.constant 0 : i32
        %dma_wait3A_444 = tpu.memref_slice %arg14[%dma_wait3A_442, %dma_wait3A_443] : memref<400x80xf32, #tpu.memory_space<vmem>> -> memref<80x80xf32, #tpu.memory_space<vmem>>
        %dma_wait3A_445 = arith.constant 0 : i32
        %dma_wait3A_446 = tpu.memref_slice %arg12[%add3A_389, %dma_wait3A_445] : memref<250x80xi32, #tpu.memory_space<vmem>> -> memref<1x80xi32, #tpu.memory_space<vmem>>
        %dma_wait3A_447 = tpu.memref_squeeze %dma_wait3A_446 : memref<1x80xi32, #tpu.memory_space<vmem>> -> memref<80xi32, #tpu.memory_space<vmem>>
        %dma_wait3A_448 = arith.constant 0 : i32
        %dma_wait3A_449 = arith.constant 0 : i32
        %dma_wait3A_450 = tpu.memref_slice %arg3[%dma_wait3A_448, %dma_wait3A_449] : memref<10000x80xf32, #tpu.memory_space<hbm>> -> memref<10000x80xf32, #tpu.memory_space<hbm>>
        tpu.wait_indirect_dma semaphore(%arg20 : memref<!tpu.dma_semaphore, #tpu.memory_space<semaphore_mem>>) src(%dma_wait3A_450 : memref<10000x80xf32, #tpu.memory_space<hbm>>) dst(%dma_wait3A_444 : memref<80x80xf32, #tpu.memory_space<vmem>>)
        %add3A_451 = arith.constant 3 : i32
        %add3A_452 = arith.addi %mul3A_356, %add3A_451 : i32
        "tpu.region"() ({
          %run_scoped3A = tpu.sem_alloc : memref<!tpu.dma_semaphore, #tpu.memory_space<semaphore_mem>>
          %dma_start3A_464 = arith.constant 240 : i32
          %dma_start3A_465 = arith.constant 0 : i32
          %dma_start3A_466 = tpu.memref_slice %arg14[%dma_start3A_464, %dma_start3A_465] : memref<400x80xf32, #tpu.memory_space<vmem>> -> memref<80x80xf32, #tpu.memory_space<vmem>>
          %dma_start3A_467 = arith.constant 0 : i32
          %dma_start3A_468 = tpu.memref_slice %arg13[%add3A_452, %dma_start3A_467] : memref<250x80xi32, #tpu.memory_space<vmem>> -> memref<1x80xi32, #tpu.memory_space<vmem>>
          %dma_start3A_469 = tpu.memref_squeeze %dma_start3A_468 : memref<1x80xi32, #tpu.memory_space<vmem>> -> memref<80xi32, #tpu.memory_space<vmem>>
          %dma_start3A_470 = arith.constant 0 : i32
          %dma_start3A_471 = arith.constant 0 : i32
          %dma_start3A_472 = tpu.memref_slice %arg16[%dma_start3A_470, %dma_start3A_471] : memref<10240x80xf32, #tpu.memory_space<vmem_shared>> -> memref<10240x80xf32, #tpu.memory_space<vmem_shared>>
          tpu.enqueue_indirect_dma source(%dma_start3A_466 : memref<80x80xf32, #tpu.memory_space<vmem>>) target(%dma_start3A_472 : memref<10240x80xf32, #tpu.memory_space<vmem_shared>>) offsets(%dma_start3A_469 : memref<80xi32, #tpu.memory_space<vmem>>) semaphore(%run_scoped3A : memref<!tpu.dma_semaphore, #tpu.memory_space<semaphore_mem>>) {add = true}
          %dma_wait3A_473 = arith.constant 240 : i32
          %dma_wait3A_474 = arith.constant 0 : i32
          %dma_wait3A_475 = tpu.memref_slice %arg14[%dma_wait3A_473, %dma_wait3A_474] : memref<400x80xf32, #tpu.memory_space<vmem>> -> memref<80x80xf32, #tpu.memory_space<vmem>>
          %dma_wait3A_476 = arith.constant 0 : i32
          %dma_wait3A_477 = tpu.memref_slice %arg13[%add3A_452, %dma_wait3A_476] : memref<250x80xi32, #tpu.memory_space<vmem>> -> memref<1x80xi32, #tpu.memory_space<vmem>>
          %dma_wait3A_478 = tpu.memref_squeeze %dma_wait3A_477 : memref<1x80xi32, #tpu.memory_space<vmem>> -> memref<80xi32, #tpu.memory_space<vmem>>
          %dma_wait3A_479 = arith.constant 0 : i32
          %dma_wait3A_480 = arith.constant 0 : i32
          %dma_wait3A_481 = tpu.memref_slice %arg16[%dma_wait3A_479, %dma_wait3A_480] : memref<10240x80xf32, #tpu.memory_space<vmem_shared>> -> memref<10240x80xf32, #tpu.memory_space<vmem_shared>>
          tpu.wait_indirect_dma semaphore(%run_scoped3A : memref<!tpu.dma_semaphore, #tpu.memory_space<semaphore_mem>>) src(%dma_wait3A_475 : memref<80x80xf32, #tpu.memory_space<vmem>>) dst(%dma_wait3A_481 : memref<10240x80xf32, #tpu.memory_space<vmem_shared>>)
          tpu.yield
        }) : () -> ()
        %dma_wait3A_453 = arith.constant 320 : i32
        %dma_wait3A_454 = arith.constant 0 : i32
        %dma_wait3A_455 = tpu.memref_slice %arg14[%dma_wait3A_453, %dma_wait3A_454] : memref<400x80xf32, #tpu.memory_space<vmem>> -> memref<80x80xf32, #tpu.memory_space<vmem>>
        %dma_wait3A_456 = arith.constant 0 : i32
        %dma_wait3A_457 = tpu.memref_slice %arg12[%add3A_400, %dma_wait3A_456] : memref<250x80xi32, #tpu.memory_space<vmem>> -> memref<1x80xi32, #tpu.memory_space<vmem>>
        %dma_wait3A_458 = tpu.memref_squeeze %dma_wait3A_457 : memref<1x80xi32, #tpu.memory_space<vmem>> -> memref<80xi32, #tpu.memory_space<vmem>>
        %dma_wait3A_459 = arith.constant 0 : i32
        %dma_wait3A_460 = arith.constant 0 : i32
        %dma_wait3A_461 = tpu.memref_slice %arg3[%dma_wait3A_459, %dma_wait3A_460] : memref<10000x80xf32, #tpu.memory_space<hbm>> -> memref<10000x80xf32, #tpu.memory_space<hbm>>
        tpu.wait_indirect_dma semaphore(%arg21 : memref<!tpu.dma_semaphore, #tpu.memory_space<semaphore_mem>>) src(%dma_wait3A_461 : memref<10000x80xf32, #tpu.memory_space<hbm>>) dst(%dma_wait3A_455 : memref<80x80xf32, #tpu.memory_space<vmem>>)
        %add3A_462 = arith.constant 4 : i32
        %add3A_463 = arith.addi %mul3A_356, %add3A_462 : i32
        "tpu.region"() ({
          %run_scoped3A = tpu.sem_alloc : memref<!tpu.dma_semaphore, #tpu.memory_space<semaphore_mem>>
          %dma_start3A_464 = arith.constant 320 : i32
          %dma_start3A_465 = arith.constant 0 : i32
          %dma_start3A_466 = tpu.memref_slice %arg14[%dma_start3A_464, %dma_start3A_465] : memref<400x80xf32, #tpu.memory_space<vmem>> -> memref<80x80xf32, #tpu.memory_space<vmem>>
          %dma_start3A_467 = arith.constant 0 : i32
          %dma_start3A_468 = tpu.memref_slice %arg13[%add3A_463, %dma_start3A_467] : memref<250x80xi32, #tpu.memory_space<vmem>> -> memref<1x80xi32, #tpu.memory_space<vmem>>
          %dma_start3A_469 = tpu.memref_squeeze %dma_start3A_468 : memref<1x80xi32, #tpu.memory_space<vmem>> -> memref<80xi32, #tpu.memory_space<vmem>>
          %dma_start3A_470 = arith.constant 0 : i32
          %dma_start3A_471 = arith.constant 0 : i32
          %dma_start3A_472 = tpu.memref_slice %arg16[%dma_start3A_470, %dma_start3A_471] : memref<10240x80xf32, #tpu.memory_space<vmem_shared>> -> memref<10240x80xf32, #tpu.memory_space<vmem_shared>>
          tpu.enqueue_indirect_dma source(%dma_start3A_466 : memref<80x80xf32, #tpu.memory_space<vmem>>) target(%dma_start3A_472 : memref<10240x80xf32, #tpu.memory_space<vmem_shared>>) offsets(%dma_start3A_469 : memref<80xi32, #tpu.memory_space<vmem>>) semaphore(%run_scoped3A : memref<!tpu.dma_semaphore, #tpu.memory_space<semaphore_mem>>) {add = true}
          %dma_wait3A_473 = arith.constant 320 : i32
          %dma_wait3A_474 = arith.constant 0 : i32
          %dma_wait3A_475 = tpu.memref_slice %arg14[%dma_wait3A_473, %dma_wait3A_474] : memref<400x80xf32, #tpu.memory_space<vmem>> -> memref<80x80xf32, #tpu.memory_space<vmem>>
          %dma_wait3A_476 = arith.constant 0 : i32
          %dma_wait3A_477 = tpu.memref_slice %arg13[%add3A_463, %dma_wait3A_476] : memref<250x80xi32, #tpu.memory_space<vmem>> -> memref<1x80xi32, #tpu.memory_space<vmem>>
          %dma_wait3A_478 = tpu.memref_squeeze %dma_wait3A_477 : memref<1x80xi32, #tpu.memory_space<vmem>> -> memref<80xi32, #tpu.memory_space<vmem>>
          %dma_wait3A_479 = arith.constant 0 : i32
          %dma_wait3A_480 = arith.constant 0 : i32
          %dma_wait3A_481 = tpu.memref_slice %arg16[%dma_wait3A_479, %dma_wait3A_480] : memref<10240x80xf32, #tpu.memory_space<vmem_shared>> -> memref<10240x80xf32, #tpu.memory_space<vmem_shared>>
          tpu.wait_indirect_dma semaphore(%run_scoped3A : memref<!tpu.dma_semaphore, #tpu.memory_space<semaphore_mem>>) src(%dma_wait3A_475 : memref<80x80xf32, #tpu.memory_space<vmem>>) dst(%dma_wait3A_481 : memref<10240x80xf32, #tpu.memory_space<vmem_shared>>)
          tpu.yield
        }) : () -> ()
      }
      %scan3A_352 = arith.constant 50 : i32
      %barrier3A_353 = arith.constant 0 : index
      tpu.barrier barrier_id(%barrier3A_353)
      "tpu.region"() ({
        %run_scoped3A = tpu.sem_alloc : memref<!tpu.dma_semaphore, #tpu.memory_space<semaphore_mem>>
        %dma_start3A = arith.constant 0 : i32
        %dma_start3A_354 = arith.constant 0 : i32
        %dma_start3A_355 = tpu.memref_slice %arg9[%arg1, %dma_start3A, %dma_start3A_354] : memref<16x640x80xf32, #tpu.memory_space<hbm>> -> memref<1x640x80xf32, #tpu.memory_space<hbm>>
        %dma_start3A_356 = tpu.memref_squeeze %dma_start3A_355 : memref<1x640x80xf32, #tpu.memory_space<hbm>> -> memref<640x80xf32, #tpu.memory_space<hbm>>
        %dma_start3A_357 = arith.constant 0 : i32
        %dma_start3A_358 = tpu.memref_slice %arg16[%mul3A_339, %dma_start3A_357] : memref<10240x80xf32, #tpu.memory_space<vmem_shared>> -> memref<640x80xf32, #tpu.memory_space<vmem_shared>>
        tpu.enqueue_dma source(%dma_start3A_358 : memref<640x80xf32, #tpu.memory_space<vmem_shared>>) target(%dma_start3A_356 : memref<640x80xf32, #tpu.memory_space<hbm>>) target_semaphore(%run_scoped3A : memref<!tpu.dma_semaphore, #tpu.memory_space<semaphore_mem>>)
        %dma_wait3A = arith.constant 0 : i32
        %dma_wait3A_359 = arith.constant 0 : i32
        %dma_wait3A_360 = tpu.memref_slice %arg9[%arg1, %dma_wait3A, %dma_wait3A_359] : memref<16x640x80xf32, #tpu.memory_space<hbm>> -> memref<1x640x80xf32, #tpu.memory_space<hbm>>
        %dma_wait3A_361 = tpu.memref_squeeze %dma_wait3A_360 : memref<1x640x80xf32, #tpu.memory_space<hbm>> -> memref<640x80xf32, #tpu.memory_space<hbm>>
        %dma_wait3A_362 = arith.constant 0 : i32
        %dma_wait3A_363 = tpu.memref_slice %arg16[%mul3A_339, %dma_wait3A_362] : memref<10240x80xf32, #tpu.memory_space<vmem_shared>> -> memref<640x80xf32, #tpu.memory_space<vmem_shared>>
        tpu.wait_dma2 semaphore(%run_scoped3A : memref<!tpu.dma_semaphore, #tpu.memory_space<semaphore_mem>>) src(%dma_wait3A_363 : memref<640x80xf32, #tpu.memory_space<vmem_shared>>) dst(%dma_wait3A_361 : memref<640x80xf32, #tpu.memory_space<hbm>>)
        tpu.yield
      }) : () -> ()
    } else {
    }
    %eq3A_320 = arith.constant 1 : i32
    %eq3A_321 = arith.cmpi eq, %arg0, %eq3A_320 : i32
    %convert_element_type3A_322 = arith.extui %eq3A_321 : i1 to i32
    %cond3A_323 = arith.constant 0 : i32
    %cond3A_324 = arith.cmpi ne, %convert_element_type3A_322, %cond3A_323 : i32
    scf.if %cond3A_324 {
      %mul3A = arith.constant 640 : i32
      %mul3A_325 = arith.muli %arg1, %mul3A : i32
      %scan3A = arith.constant 0 : i32
      %scan3A_326 = arith.constant 0 : i32
      %scan3A_327 = arith.constant 80 : i32
      %scan3A_328 = arith.addi %scan3A_326, %scan3A_327 : i32
      %scan3A_329 = arith.constant 1 : i32
      scf.for %scan3A_354 = %scan3A_326 to %scan3A_328 step %scan3A_329  : i32 {
        %mul3A_355 = arith.constant 8 : i32
        %mul3A_356 = arith.muli %scan3A_354, %mul3A_355 : i32
        %add3A = arith.addi %mul3A_325, %mul3A_356 : i32
        "tpu.region"() ({
          %run_scoped3A = tpu.sem_alloc : memref<!tpu.dma_semaphore, #tpu.memory_space<semaphore_mem>>
          %dma_start3A = arith.constant 0 : i32
          %dma_start3A_357 = tpu.memref_slice %arg16[%add3A, %dma_start3A] : memref<10240x80xf32, #tpu.memory_space<vmem_shared>> -> memref<8x80xf32, #tpu.memory_space<vmem_shared>>
          %dma_start3A_358 = arith.constant 0 : i32
          %dma_start3A_359 = tpu.memref_slice %arg16[%add3A, %dma_start3A_358] : memref<10240x80xf32, #tpu.memory_space<vmem_shared>> -> memref<8x80xf32, #tpu.memory_space<vmem_shared>>
          tpu.enqueue_dma source(%arg15 : memref<8x80xf32, #tpu.memory_space<vmem>>) target(%dma_start3A_359 : memref<8x80xf32, #tpu.memory_space<vmem_shared>>) target_semaphore(%run_scoped3A : memref<!tpu.dma_semaphore, #tpu.memory_space<semaphore_mem>>)
          %dma_wait3A = arith.constant 0 : i32
          %dma_wait3A_360 = tpu.memref_slice %arg16[%add3A, %dma_wait3A] : memref<10240x80xf32, #tpu.memory_space<vmem_shared>> -> memref<8x80xf32, #tpu.memory_space<vmem_shared>>
          %dma_wait3A_361 = arith.constant 0 : i32
          %dma_wait3A_362 = tpu.memref_slice %arg16[%add3A, %dma_wait3A_361] : memref<10240x80xf32, #tpu.memory_space<vmem_shared>> -> memref<8x80xf32, #tpu.memory_space<vmem_shared>>
          tpu.wait_dma2 semaphore(%run_scoped3A : memref<!tpu.dma_semaphore, #tpu.memory_space<semaphore_mem>>) src(%arg15 : memref<8x80xf32, #tpu.memory_space<vmem>>) dst(%dma_wait3A_362 : memref<8x80xf32, #tpu.memory_space<vmem_shared>>)
          tpu.yield
        }) : () -> ()
      }
      %scan3A_330 = arith.constant 80 : i32
      %barrier3A = arith.constant 0 : index
      tpu.barrier barrier_id(%barrier3A)
      %scan3A_331 = arith.constant 0 : i32
      %scan3A_332 = arith.constant 0 : i32
      %scan3A_333 = arith.constant 50 : i32
      %scan3A_334 = arith.addi %scan3A_332, %scan3A_333 : i32
      %scan3A_335 = arith.constant 1 : i32
      scf.for %scan3A_354 = %scan3A_332 to %scan3A_334 step %scan3A_335  : i32 {
        %mul3A_355 = arith.constant 5 : i32
        %mul3A_356 = arith.muli %scan3A_354, %mul3A_355 : i32
        %add3A = arith.constant 0 : i32
        %add3A_357 = arith.addi %mul3A_356, %add3A : i32
        %dma_start3A = arith.constant 0 : i32
        %dma_start3A_358 = arith.constant 0 : i32
        %dma_start3A_359 = tpu.memref_slice %arg14[%dma_start3A, %dma_start3A_358] : memref<400x80xf32, #tpu.memory_space<vmem>> -> memref<80x80xf32, #tpu.memory_space<vmem>>
        %dma_start3A_360 = arith.constant 0 : i32
        %dma_start3A_361 = tpu.memref_slice %arg12[%add3A_357, %dma_start3A_360] : memref<250x80xi32, #tpu.memory_space<vmem>> -> memref<1x80xi32, #tpu.memory_space<vmem>>
        %dma_start3A_362 = tpu.memref_squeeze %dma_start3A_361 : memref<1x80xi32, #tpu.memory_space<vmem>> -> memref<80xi32, #tpu.memory_space<vmem>>
        %dma_start3A_363 = arith.constant 0 : i32
        %dma_start3A_364 = arith.constant 0 : i32
        %dma_start3A_365 = tpu.memref_slice %arg4[%dma_start3A_363, %dma_start3A_364] : memref<10000x80xf32, #tpu.memory_space<hbm>> -> memref<10000x80xf32, #tpu.memory_space<hbm>>
        tpu.enqueue_indirect_dma source(%dma_start3A_365 : memref<10000x80xf32, #tpu.memory_space<hbm>>) target(%dma_start3A_359 : memref<80x80xf32, #tpu.memory_space<vmem>>) offsets(%dma_start3A_362 : memref<80xi32, #tpu.memory_space<vmem>>) semaphore(%arg17 : memref<!tpu.dma_semaphore, #tpu.memory_space<semaphore_mem>>)
        %add3A_366 = arith.constant 1 : i32
        %add3A_367 = arith.addi %mul3A_356, %add3A_366 : i32
        %dma_start3A_368 = arith.constant 80 : i32
        %dma_start3A_369 = arith.constant 0 : i32
        %dma_start3A_370 = tpu.memref_slice %arg14[%dma_start3A_368, %dma_start3A_369] : memref<400x80xf32, #tpu.memory_space<vmem>> -> memref<80x80xf32, #tpu.memory_space<vmem>>
        %dma_start3A_371 = arith.constant 0 : i32
        %dma_start3A_372 = tpu.memref_slice %arg12[%add3A_367, %dma_start3A_371] : memref<250x80xi32, #tpu.memory_space<vmem>> -> memref<1x80xi32, #tpu.memory_space<vmem>>
        %dma_start3A_373 = tpu.memref_squeeze %dma_start3A_372 : memref<1x80xi32, #tpu.memory_space<vmem>> -> memref<80xi32, #tpu.memory_space<vmem>>
        %dma_start3A_374 = arith.constant 0 : i32
        %dma_start3A_375 = arith.constant 0 : i32
        %dma_start3A_376 = tpu.memref_slice %arg4[%dma_start3A_374, %dma_start3A_375] : memref<10000x80xf32, #tpu.memory_space<hbm>> -> memref<10000x80xf32, #tpu.memory_space<hbm>>
        tpu.enqueue_indirect_dma source(%dma_start3A_376 : memref<10000x80xf32, #tpu.memory_space<hbm>>) target(%dma_start3A_370 : memref<80x80xf32, #tpu.memory_space<vmem>>) offsets(%dma_start3A_373 : memref<80xi32, #tpu.memory_space<vmem>>) semaphore(%arg18 : memref<!tpu.dma_semaphore, #tpu.memory_space<semaphore_mem>>)
        %add3A_377 = arith.constant 2 : i32
        %add3A_378 = arith.addi %mul3A_356, %add3A_377 : i32
        %dma_start3A_379 = arith.constant 160 : i32
        %dma_start3A_380 = arith.constant 0 : i32
        %dma_start3A_381 = tpu.memref_slice %arg14[%dma_start3A_379, %dma_start3A_380] : memref<400x80xf32, #tpu.memory_space<vmem>> -> memref<80x80xf32, #tpu.memory_space<vmem>>
        %dma_start3A_382 = arith.constant 0 : i32
        %dma_start3A_383 = tpu.memref_slice %arg12[%add3A_378, %dma_start3A_382] : memref<250x80xi32, #tpu.memory_space<vmem>> -> memref<1x80xi32, #tpu.memory_space<vmem>>
        %dma_start3A_384 = tpu.memref_squeeze %dma_start3A_383 : memref<1x80xi32, #tpu.memory_space<vmem>> -> memref<80xi32, #tpu.memory_space<vmem>>
        %dma_start3A_385 = arith.constant 0 : i32
        %dma_start3A_386 = arith.constant 0 : i32
        %dma_start3A_387 = tpu.memref_slice %arg4[%dma_start3A_385, %dma_start3A_386] : memref<10000x80xf32, #tpu.memory_space<hbm>> -> memref<10000x80xf32, #tpu.memory_space<hbm>>
        tpu.enqueue_indirect_dma source(%dma_start3A_387 : memref<10000x80xf32, #tpu.memory_space<hbm>>) target(%dma_start3A_381 : memref<80x80xf32, #tpu.memory_space<vmem>>) offsets(%dma_start3A_384 : memref<80xi32, #tpu.memory_space<vmem>>) semaphore(%arg19 : memref<!tpu.dma_semaphore, #tpu.memory_space<semaphore_mem>>)
        %add3A_388 = arith.constant 3 : i32
        %add3A_389 = arith.addi %mul3A_356, %add3A_388 : i32
        %dma_start3A_390 = arith.constant 240 : i32
        %dma_start3A_391 = arith.constant 0 : i32
        %dma_start3A_392 = tpu.memref_slice %arg14[%dma_start3A_390, %dma_start3A_391] : memref<400x80xf32, #tpu.memory_space<vmem>> -> memref<80x80xf32, #tpu.memory_space<vmem>>
        %dma_start3A_393 = arith.constant 0 : i32
        %dma_start3A_394 = tpu.memref_slice %arg12[%add3A_389, %dma_start3A_393] : memref<250x80xi32, #tpu.memory_space<vmem>> -> memref<1x80xi32, #tpu.memory_space<vmem>>
        %dma_start3A_395 = tpu.memref_squeeze %dma_start3A_394 : memref<1x80xi32, #tpu.memory_space<vmem>> -> memref<80xi32, #tpu.memory_space<vmem>>
        %dma_start3A_396 = arith.constant 0 : i32
        %dma_start3A_397 = arith.constant 0 : i32
        %dma_start3A_398 = tpu.memref_slice %arg4[%dma_start3A_396, %dma_start3A_397] : memref<10000x80xf32, #tpu.memory_space<hbm>> -> memref<10000x80xf32, #tpu.memory_space<hbm>>
        tpu.enqueue_indirect_dma source(%dma_start3A_398 : memref<10000x80xf32, #tpu.memory_space<hbm>>) target(%dma_start3A_392 : memref<80x80xf32, #tpu.memory_space<vmem>>) offsets(%dma_start3A_395 : memref<80xi32, #tpu.memory_space<vmem>>) semaphore(%arg20 : memref<!tpu.dma_semaphore, #tpu.memory_space<semaphore_mem>>)
        %add3A_399 = arith.constant 4 : i32
        %add3A_400 = arith.addi %mul3A_356, %add3A_399 : i32
        %dma_start3A_401 = arith.constant 320 : i32
        %dma_start3A_402 = arith.constant 0 : i32
        %dma_start3A_403 = tpu.memref_slice %arg14[%dma_start3A_401, %dma_start3A_402] : memref<400x80xf32, #tpu.memory_space<vmem>> -> memref<80x80xf32, #tpu.memory_space<vmem>>
        %dma_start3A_404 = arith.constant 0 : i32
        %dma_start3A_405 = tpu.memref_slice %arg12[%add3A_400, %dma_start3A_404] : memref<250x80xi32, #tpu.memory_space<vmem>> -> memref<1x80xi32, #tpu.memory_space<vmem>>
        %dma_start3A_406 = tpu.memref_squeeze %dma_start3A_405 : memref<1x80xi32, #tpu.memory_space<vmem>> -> memref<80xi32, #tpu.memory_space<vmem>>
        %dma_start3A_407 = arith.constant 0 : i32
        %dma_start3A_408 = arith.constant 0 : i32
        %dma_start3A_409 = tpu.memref_slice %arg4[%dma_start3A_407, %dma_start3A_408] : memref<10000x80xf32, #tpu.memory_space<hbm>> -> memref<10000x80xf32, #tpu.memory_space<hbm>>
        tpu.enqueue_indirect_dma source(%dma_start3A_409 : memref<10000x80xf32, #tpu.memory_space<hbm>>) target(%dma_start3A_403 : memref<80x80xf32, #tpu.memory_space<vmem>>) offsets(%dma_start3A_406 : memref<80xi32, #tpu.memory_space<vmem>>) semaphore(%arg21 : memref<!tpu.dma_semaphore, #tpu.memory_space<semaphore_mem>>)
        %dma_wait3A = arith.constant 0 : i32
        %dma_wait3A_410 = arith.constant 0 : i32
        %dma_wait3A_411 = tpu.memref_slice %arg14[%dma_wait3A, %dma_wait3A_410] : memref<400x80xf32, #tpu.memory_space<vmem>> -> memref<80x80xf32, #tpu.memory_space<vmem>>
        %dma_wait3A_412 = arith.constant 0 : i32
        %dma_wait3A_413 = tpu.memref_slice %arg12[%add3A_357, %dma_wait3A_412] : memref<250x80xi32, #tpu.memory_space<vmem>> -> memref<1x80xi32, #tpu.memory_space<vmem>>
        %dma_wait3A_414 = tpu.memref_squeeze %dma_wait3A_413 : memref<1x80xi32, #tpu.memory_space<vmem>> -> memref<80xi32, #tpu.memory_space<vmem>>
        %dma_wait3A_415 = arith.constant 0 : i32
        %dma_wait3A_416 = arith.constant 0 : i32
        %dma_wait3A_417 = tpu.memref_slice %arg4[%dma_wait3A_415, %dma_wait3A_416] : memref<10000x80xf32, #tpu.memory_space<hbm>> -> memref<10000x80xf32, #tpu.memory_space<hbm>>
        tpu.wait_indirect_dma semaphore(%arg17 : memref<!tpu.dma_semaphore, #tpu.memory_space<semaphore_mem>>) src(%dma_wait3A_417 : memref<10000x80xf32, #tpu.memory_space<hbm>>) dst(%dma_wait3A_411 : memref<80x80xf32, #tpu.memory_space<vmem>>)
        %add3A_418 = arith.constant 0 : i32
        %add3A_419 = arith.addi %mul3A_356, %add3A_418 : i32
        "tpu.region"() ({
          %run_scoped3A = tpu.sem_alloc : memref<!tpu.dma_semaphore, #tpu.memory_space<semaphore_mem>>
          %dma_start3A_464 = arith.constant 0 : i32
          %dma_start3A_465 = arith.constant 0 : i32
          %dma_start3A_466 = tpu.memref_slice %arg14[%dma_start3A_464, %dma_start3A_465] : memref<400x80xf32, #tpu.memory_space<vmem>> -> memref<80x80xf32, #tpu.memory_space<vmem>>
          %dma_start3A_467 = arith.constant 0 : i32
          %dma_start3A_468 = tpu.memref_slice %arg13[%add3A_419, %dma_start3A_467] : memref<250x80xi32, #tpu.memory_space<vmem>> -> memref<1x80xi32, #tpu.memory_space<vmem>>
          %dma_start3A_469 = tpu.memref_squeeze %dma_start3A_468 : memref<1x80xi32, #tpu.memory_space<vmem>> -> memref<80xi32, #tpu.memory_space<vmem>>
          %dma_start3A_470 = arith.constant 0 : i32
          %dma_start3A_471 = arith.constant 0 : i32
          %dma_start3A_472 = tpu.memref_slice %arg16[%dma_start3A_470, %dma_start3A_471] : memref<10240x80xf32, #tpu.memory_space<vmem_shared>> -> memref<10240x80xf32, #tpu.memory_space<vmem_shared>>
          tpu.enqueue_indirect_dma source(%dma_start3A_466 : memref<80x80xf32, #tpu.memory_space<vmem>>) target(%dma_start3A_472 : memref<10240x80xf32, #tpu.memory_space<vmem_shared>>) offsets(%dma_start3A_469 : memref<80xi32, #tpu.memory_space<vmem>>) semaphore(%run_scoped3A : memref<!tpu.dma_semaphore, #tpu.memory_space<semaphore_mem>>) {add = true}
          %dma_wait3A_473 = arith.constant 0 : i32
          %dma_wait3A_474 = arith.constant 0 : i32
          %dma_wait3A_475 = tpu.memref_slice %arg14[%dma_wait3A_473, %dma_wait3A_474] : memref<400x80xf32, #tpu.memory_space<vmem>> -> memref<80x80xf32, #tpu.memory_space<vmem>>
          %dma_wait3A_476 = arith.constant 0 : i32
          %dma_wait3A_477 = tpu.memref_slice %arg13[%add3A_419, %dma_wait3A_476] : memref<250x80xi32, #tpu.memory_space<vmem>> -> memref<1x80xi32, #tpu.memory_space<vmem>>
          %dma_wait3A_478 = tpu.memref_squeeze %dma_wait3A_477 : memref<1x80xi32, #tpu.memory_space<vmem>> -> memref<80xi32, #tpu.memory_space<vmem>>
          %dma_wait3A_479 = arith.constant 0 : i32
          %dma_wait3A_480 = arith.constant 0 : i32
          %dma_wait3A_481 = tpu.memref_slice %arg16[%dma_wait3A_479, %dma_wait3A_480] : memref<10240x80xf32, #tpu.memory_space<vmem_shared>> -> memref<10240x80xf32, #tpu.memory_space<vmem_shared>>
          tpu.wait_indirect_dma semaphore(%run_scoped3A : memref<!tpu.dma_semaphore, #tpu.memory_space<semaphore_mem>>) src(%dma_wait3A_475 : memref<80x80xf32, #tpu.memory_space<vmem>>) dst(%dma_wait3A_481 : memref<10240x80xf32, #tpu.memory_space<vmem_shared>>)
          tpu.yield
        }) : () -> ()
        %dma_wait3A_420 = arith.constant 80 : i32
        %dma_wait3A_421 = arith.constant 0 : i32
        %dma_wait3A_422 = tpu.memref_slice %arg14[%dma_wait3A_420, %dma_wait3A_421] : memref<400x80xf32, #tpu.memory_space<vmem>> -> memref<80x80xf32, #tpu.memory_space<vmem>>
        %dma_wait3A_423 = arith.constant 0 : i32
        %dma_wait3A_424 = tpu.memref_slice %arg12[%add3A_367, %dma_wait3A_423] : memref<250x80xi32, #tpu.memory_space<vmem>> -> memref<1x80xi32, #tpu.memory_space<vmem>>
        %dma_wait3A_425 = tpu.memref_squeeze %dma_wait3A_424 : memref<1x80xi32, #tpu.memory_space<vmem>> -> memref<80xi32, #tpu.memory_space<vmem>>
        %dma_wait3A_426 = arith.constant 0 : i32
        %dma_wait3A_427 = arith.constant 0 : i32
        %dma_wait3A_428 = tpu.memref_slice %arg4[%dma_wait3A_426, %dma_wait3A_427] : memref<10000x80xf32, #tpu.memory_space<hbm>> -> memref<10000x80xf32, #tpu.memory_space<hbm>>
        tpu.wait_indirect_dma semaphore(%arg18 : memref<!tpu.dma_semaphore, #tpu.memory_space<semaphore_mem>>) src(%dma_wait3A_428 : memref<10000x80xf32, #tpu.memory_space<hbm>>) dst(%dma_wait3A_422 : memref<80x80xf32, #tpu.memory_space<vmem>>)
        %add3A_429 = arith.constant 1 : i32
        %add3A_430 = arith.addi %mul3A_356, %add3A_429 : i32
        "tpu.region"() ({
          %run_scoped3A = tpu.sem_alloc : memref<!tpu.dma_semaphore, #tpu.memory_space<semaphore_mem>>
          %dma_start3A_464 = arith.constant 80 : i32
          %dma_start3A_465 = arith.constant 0 : i32
          %dma_start3A_466 = tpu.memref_slice %arg14[%dma_start3A_464, %dma_start3A_465] : memref<400x80xf32, #tpu.memory_space<vmem>> -> memref<80x80xf32, #tpu.memory_space<vmem>>
          %dma_start3A_467 = arith.constant 0 : i32
          %dma_start3A_468 = tpu.memref_slice %arg13[%add3A_430, %dma_start3A_467] : memref<250x80xi32, #tpu.memory_space<vmem>> -> memref<1x80xi32, #tpu.memory_space<vmem>>
          %dma_start3A_469 = tpu.memref_squeeze %dma_start3A_468 : memref<1x80xi32, #tpu.memory_space<vmem>> -> memref<80xi32, #tpu.memory_space<vmem>>
          %dma_start3A_470 = arith.constant 0 : i32
          %dma_start3A_471 = arith.constant 0 : i32
          %dma_start3A_472 = tpu.memref_slice %arg16[%dma_start3A_470, %dma_start3A_471] : memref<10240x80xf32, #tpu.memory_space<vmem_shared>> -> memref<10240x80xf32, #tpu.memory_space<vmem_shared>>
          tpu.enqueue_indirect_dma source(%dma_start3A_466 : memref<80x80xf32, #tpu.memory_space<vmem>>) target(%dma_start3A_472 : memref<10240x80xf32, #tpu.memory_space<vmem_shared>>) offsets(%dma_start3A_469 : memref<80xi32, #tpu.memory_space<vmem>>) semaphore(%run_scoped3A : memref<!tpu.dma_semaphore, #tpu.memory_space<semaphore_mem>>) {add = true}
          %dma_wait3A_473 = arith.constant 80 : i32
          %dma_wait3A_474 = arith.constant 0 : i32
          %dma_wait3A_475 = tpu.memref_slice %arg14[%dma_wait3A_473, %dma_wait3A_474] : memref<400x80xf32, #tpu.memory_space<vmem>> -> memref<80x80xf32, #tpu.memory_space<vmem>>
          %dma_wait3A_476 = arith.constant 0 : i32
          %dma_wait3A_477 = tpu.memref_slice %arg13[%add3A_430, %dma_wait3A_476] : memref<250x80xi32, #tpu.memory_space<vmem>> -> memref<1x80xi32, #tpu.memory_space<vmem>>
          %dma_wait3A_478 = tpu.memref_squeeze %dma_wait3A_477 : memref<1x80xi32, #tpu.memory_space<vmem>> -> memref<80xi32, #tpu.memory_space<vmem>>
          %dma_wait3A_479 = arith.constant 0 : i32
          %dma_wait3A_480 = arith.constant 0 : i32
          %dma_wait3A_481 = tpu.memref_slice %arg16[%dma_wait3A_479, %dma_wait3A_480] : memref<10240x80xf32, #tpu.memory_space<vmem_shared>> -> memref<10240x80xf32, #tpu.memory_space<vmem_shared>>
          tpu.wait_indirect_dma semaphore(%run_scoped3A : memref<!tpu.dma_semaphore, #tpu.memory_space<semaphore_mem>>) src(%dma_wait3A_475 : memref<80x80xf32, #tpu.memory_space<vmem>>) dst(%dma_wait3A_481 : memref<10240x80xf32, #tpu.memory_space<vmem_shared>>)
          tpu.yield
        }) : () -> ()
        %dma_wait3A_431 = arith.constant 160 : i32
        %dma_wait3A_432 = arith.constant 0 : i32
        %dma_wait3A_433 = tpu.memref_slice %arg14[%dma_wait3A_431, %dma_wait3A_432] : memref<400x80xf32, #tpu.memory_space<vmem>> -> memref<80x80xf32, #tpu.memory_space<vmem>>
        %dma_wait3A_434 = arith.constant 0 : i32
        %dma_wait3A_435 = tpu.memref_slice %arg12[%add3A_378, %dma_wait3A_434] : memref<250x80xi32, #tpu.memory_space<vmem>> -> memref<1x80xi32, #tpu.memory_space<vmem>>
        %dma_wait3A_436 = tpu.memref_squeeze %dma_wait3A_435 : memref<1x80xi32, #tpu.memory_space<vmem>> -> memref<80xi32, #tpu.memory_space<vmem>>
        %dma_wait3A_437 = arith.constant 0 : i32
        %dma_wait3A_438 = arith.constant 0 : i32
        %dma_wait3A_439 = tpu.memref_slice %arg4[%dma_wait3A_437, %dma_wait3A_438] : memref<10000x80xf32, #tpu.memory_space<hbm>> -> memref<10000x80xf32, #tpu.memory_space<hbm>>
        tpu.wait_indirect_dma semaphore(%arg19 : memref<!tpu.dma_semaphore, #tpu.memory_space<semaphore_mem>>) src(%dma_wait3A_439 : memref<10000x80xf32, #tpu.memory_space<hbm>>) dst(%dma_wait3A_433 : memref<80x80xf32, #tpu.memory_space<vmem>>)
        %add3A_440 = arith.constant 2 : i32
        %add3A_441 = arith.addi %mul3A_356, %add3A_440 : i32
        "tpu.region"() ({
          %run_scoped3A = tpu.sem_alloc : memref<!tpu.dma_semaphore, #tpu.memory_space<semaphore_mem>>
          %dma_start3A_464 = arith.constant 160 : i32
          %dma_start3A_465 = arith.constant 0 : i32
          %dma_start3A_466 = tpu.memref_slice %arg14[%dma_start3A_464, %dma_start3A_465] : memref<400x80xf32, #tpu.memory_space<vmem>> -> memref<80x80xf32, #tpu.memory_space<vmem>>
          %dma_start3A_467 = arith.constant 0 : i32
          %dma_start3A_468 = tpu.memref_slice %arg13[%add3A_441, %dma_start3A_467] : memref<250x80xi32, #tpu.memory_space<vmem>> -> memref<1x80xi32, #tpu.memory_space<vmem>>
          %dma_start3A_469 = tpu.memref_squeeze %dma_start3A_468 : memref<1x80xi32, #tpu.memory_space<vmem>> -> memref<80xi32, #tpu.memory_space<vmem>>
          %dma_start3A_470 = arith.constant 0 : i32
          %dma_start3A_471 = arith.constant 0 : i32
          %dma_start3A_472 = tpu.memref_slice %arg16[%dma_start3A_470, %dma_start3A_471] : memref<10240x80xf32, #tpu.memory_space<vmem_shared>> -> memref<10240x80xf32, #tpu.memory_space<vmem_shared>>
          tpu.enqueue_indirect_dma source(%dma_start3A_466 : memref<80x80xf32, #tpu.memory_space<vmem>>) target(%dma_start3A_472 : memref<10240x80xf32, #tpu.memory_space<vmem_shared>>) offsets(%dma_start3A_469 : memref<80xi32, #tpu.memory_space<vmem>>) semaphore(%run_scoped3A : memref<!tpu.dma_semaphore, #tpu.memory_space<semaphore_mem>>) {add = true}
          %dma_wait3A_473 = arith.constant 160 : i32
          %dma_wait3A_474 = arith.constant 0 : i32
          %dma_wait3A_475 = tpu.memref_slice %arg14[%dma_wait3A_473, %dma_wait3A_474] : memref<400x80xf32, #tpu.memory_space<vmem>> -> memref<80x80xf32, #tpu.memory_space<vmem>>
          %dma_wait3A_476 = arith.constant 0 : i32
          %dma_wait3A_477 = tpu.memref_slice %arg13[%add3A_441, %dma_wait3A_476] : memref<250x80xi32, #tpu.memory_space<vmem>> -> memref<1x80xi32, #tpu.memory_space<vmem>>
          %dma_wait3A_478 = tpu.memref_squeeze %dma_wait3A_477 : memref<1x80xi32, #tpu.memory_space<vmem>> -> memref<80xi32, #tpu.memory_space<vmem>>
          %dma_wait3A_479 = arith.constant 0 : i32
          %dma_wait3A_480 = arith.constant 0 : i32
          %dma_wait3A_481 = tpu.memref_slice %arg16[%dma_wait3A_479, %dma_wait3A_480] : memref<10240x80xf32, #tpu.memory_space<vmem_shared>> -> memref<10240x80xf32, #tpu.memory_space<vmem_shared>>
          tpu.wait_indirect_dma semaphore(%run_scoped3A : memref<!tpu.dma_semaphore, #tpu.memory_space<semaphore_mem>>) src(%dma_wait3A_475 : memref<80x80xf32, #tpu.memory_space<vmem>>) dst(%dma_wait3A_481 : memref<10240x80xf32, #tpu.memory_space<vmem_shared>>)
          tpu.yield
        }) : () -> ()
        %dma_wait3A_442 = arith.constant 240 : i32
        %dma_wait3A_443 = arith.constant 0 : i32
        %dma_wait3A_444 = tpu.memref_slice %arg14[%dma_wait3A_442, %dma_wait3A_443] : memref<400x80xf32, #tpu.memory_space<vmem>> -> memref<80x80xf32, #tpu.memory_space<vmem>>
        %dma_wait3A_445 = arith.constant 0 : i32
        %dma_wait3A_446 = tpu.memref_slice %arg12[%add3A_389, %dma_wait3A_445] : memref<250x80xi32, #tpu.memory_space<vmem>> -> memref<1x80xi32, #tpu.memory_space<vmem>>
        %dma_wait3A_447 = tpu.memref_squeeze %dma_wait3A_446 : memref<1x80xi32, #tpu.memory_space<vmem>> -> memref<80xi32, #tpu.memory_space<vmem>>
        %dma_wait3A_448 = arith.constant 0 : i32
        %dma_wait3A_449 = arith.constant 0 : i32
        %dma_wait3A_450 = tpu.memref_slice %arg4[%dma_wait3A_448, %dma_wait3A_449] : memref<10000x80xf32, #tpu.memory_space<hbm>> -> memref<10000x80xf32, #tpu.memory_space<hbm>>
        tpu.wait_indirect_dma semaphore(%arg20 : memref<!tpu.dma_semaphore, #tpu.memory_space<semaphore_mem>>) src(%dma_wait3A_450 : memref<10000x80xf32, #tpu.memory_space<hbm>>) dst(%dma_wait3A_444 : memref<80x80xf32, #tpu.memory_space<vmem>>)
        %add3A_451 = arith.constant 3 : i32
        %add3A_452 = arith.addi %mul3A_356, %add3A_451 : i32
        "tpu.region"() ({
          %run_scoped3A = tpu.sem_alloc : memref<!tpu.dma_semaphore, #tpu.memory_space<semaphore_mem>>
          %dma_start3A_464 = arith.constant 240 : i32
          %dma_start3A_465 = arith.constant 0 : i32
          %dma_start3A_466 = tpu.memref_slice %arg14[%dma_start3A_464, %dma_start3A_465] : memref<400x80xf32, #tpu.memory_space<vmem>> -> memref<80x80xf32, #tpu.memory_space<vmem>>
          %dma_start3A_467 = arith.constant 0 : i32
          %dma_start3A_468 = tpu.memref_slice %arg13[%add3A_452, %dma_start3A_467] : memref<250x80xi32, #tpu.memory_space<vmem>> -> memref<1x80xi32, #tpu.memory_space<vmem>>
          %dma_start3A_469 = tpu.memref_squeeze %dma_start3A_468 : memref<1x80xi32, #tpu.memory_space<vmem>> -> memref<80xi32, #tpu.memory_space<vmem>>
          %dma_start3A_470 = arith.constant 0 : i32
          %dma_start3A_471 = arith.constant 0 : i32
          %dma_start3A_472 = tpu.memref_slice %arg16[%dma_start3A_470, %dma_start3A_471] : memref<10240x80xf32, #tpu.memory_space<vmem_shared>> -> memref<10240x80xf32, #tpu.memory_space<vmem_shared>>
          tpu.enqueue_indirect_dma source(%dma_start3A_466 : memref<80x80xf32, #tpu.memory_space<vmem>>) target(%dma_start3A_472 : memref<10240x80xf32, #tpu.memory_space<vmem_shared>>) offsets(%dma_start3A_469 : memref<80xi32, #tpu.memory_space<vmem>>) semaphore(%run_scoped3A : memref<!tpu.dma_semaphore, #tpu.memory_space<semaphore_mem>>) {add = true}
          %dma_wait3A_473 = arith.constant 240 : i32
          %dma_wait3A_474 = arith.constant 0 : i32
          %dma_wait3A_475 = tpu.memref_slice %arg14[%dma_wait3A_473, %dma_wait3A_474] : memref<400x80xf32, #tpu.memory_space<vmem>> -> memref<80x80xf32, #tpu.memory_space<vmem>>
          %dma_wait3A_476 = arith.constant 0 : i32
          %dma_wait3A_477 = tpu.memref_slice %arg13[%add3A_452, %dma_wait3A_476] : memref<250x80xi32, #tpu.memory_space<vmem>> -> memref<1x80xi32, #tpu.memory_space<vmem>>
          %dma_wait3A_478 = tpu.memref_squeeze %dma_wait3A_477 : memref<1x80xi32, #tpu.memory_space<vmem>> -> memref<80xi32, #tpu.memory_space<vmem>>
          %dma_wait3A_479 = arith.constant 0 : i32
          %dma_wait3A_480 = arith.constant 0 : i32
          %dma_wait3A_481 = tpu.memref_slice %arg16[%dma_wait3A_479, %dma_wait3A_480] : memref<10240x80xf32, #tpu.memory_space<vmem_shared>> -> memref<10240x80xf32, #tpu.memory_space<vmem_shared>>
          tpu.wait_indirect_dma semaphore(%run_scoped3A : memref<!tpu.dma_semaphore, #tpu.memory_space<semaphore_mem>>) src(%dma_wait3A_475 : memref<80x80xf32, #tpu.memory_space<vmem>>) dst(%dma_wait3A_481 : memref<10240x80xf32, #tpu.memory_space<vmem_shared>>)
          tpu.yield
        }) : () -> ()
        %dma_wait3A_453 = arith.constant 320 : i32
        %dma_wait3A_454 = arith.constant 0 : i32
        %dma_wait3A_455 = tpu.memref_slice %arg14[%dma_wait3A_453, %dma_wait3A_454] : memref<400x80xf32, #tpu.memory_space<vmem>> -> memref<80x80xf32, #tpu.memory_space<vmem>>
        %dma_wait3A_456 = arith.constant 0 : i32
        %dma_wait3A_457 = tpu.memref_slice %arg12[%add3A_400, %dma_wait3A_456] : memref<250x80xi32, #tpu.memory_space<vmem>> -> memref<1x80xi32, #tpu.memory_space<vmem>>
        %dma_wait3A_458 = tpu.memref_squeeze %dma_wait3A_457 : memref<1x80xi32, #tpu.memory_space<vmem>> -> memref<80xi32, #tpu.memory_space<vmem>>
        %dma_wait3A_459 = arith.constant 0 : i32
        %dma_wait3A_460 = arith.constant 0 : i32
        %dma_wait3A_461 = tpu.memref_slice %arg4[%dma_wait3A_459, %dma_wait3A_460] : memref<10000x80xf32, #tpu.memory_space<hbm>> -> memref<10000x80xf32, #tpu.memory_space<hbm>>
        tpu.wait_indirect_dma semaphore(%arg21 : memref<!tpu.dma_semaphore, #tpu.memory_space<semaphore_mem>>) src(%dma_wait3A_461 : memref<10000x80xf32, #tpu.memory_space<hbm>>) dst(%dma_wait3A_455 : memref<80x80xf32, #tpu.memory_space<vmem>>)
        %add3A_462 = arith.constant 4 : i32
        %add3A_463 = arith.addi %mul3A_356, %add3A_462 : i32
        "tpu.region"() ({
          %run_scoped3A = tpu.sem_alloc : memref<!tpu.dma_semaphore, #tpu.memory_space<semaphore_mem>>
          %dma_start3A_464 = arith.constant 320 : i32
          %dma_start3A_465 = arith.constant 0 : i32
          %dma_start3A_466 = tpu.memref_slice %arg14[%dma_start3A_464, %dma_start3A_465] : memref<400x80xf32, #tpu.memory_space<vmem>> -> memref<80x80xf32, #tpu.memory_space<vmem>>
          %dma_start3A_467 = arith.constant 0 : i32
          %dma_start3A_468 = tpu.memref_slice %arg13[%add3A_463, %dma_start3A_467] : memref<250x80xi32, #tpu.memory_space<vmem>> -> memref<1x80xi32, #tpu.memory_space<vmem>>
          %dma_start3A_469 = tpu.memref_squeeze %dma_start3A_468 : memref<1x80xi32, #tpu.memory_space<vmem>> -> memref<80xi32, #tpu.memory_space<vmem>>
          %dma_start3A_470 = arith.constant 0 : i32
          %dma_start3A_471 = arith.constant 0 : i32
          %dma_start3A_472 = tpu.memref_slice %arg16[%dma_start3A_470, %dma_start3A_471] : memref<10240x80xf32, #tpu.memory_space<vmem_shared>> -> memref<10240x80xf32, #tpu.memory_space<vmem_shared>>
          tpu.enqueue_indirect_dma source(%dma_start3A_466 : memref<80x80xf32, #tpu.memory_space<vmem>>) target(%dma_start3A_472 : memref<10240x80xf32, #tpu.memory_space<vmem_shared>>) offsets(%dma_start3A_469 : memref<80xi32, #tpu.memory_space<vmem>>) semaphore(%run_scoped3A : memref<!tpu.dma_semaphore, #tpu.memory_space<semaphore_mem>>) {add = true}
          %dma_wait3A_473 = arith.constant 320 : i32
          %dma_wait3A_474 = arith.constant 0 : i32
          %dma_wait3A_475 = tpu.memref_slice %arg14[%dma_wait3A_473, %dma_wait3A_474] : memref<400x80xf32, #tpu.memory_space<vmem>> -> memref<80x80xf32, #tpu.memory_space<vmem>>
          %dma_wait3A_476 = arith.constant 0 : i32
          %dma_wait3A_477 = tpu.memref_slice %arg13[%add3A_463, %dma_wait3A_476] : memref<250x80xi32, #tpu.memory_space<vmem>> -> memref<1x80xi32, #tpu.memory_space<vmem>>
          %dma_wait3A_478 = tpu.memref_squeeze %dma_wait3A_477 : memref<1x80xi32, #tpu.memory_space<vmem>> -> memref<80xi32, #tpu.memory_space<vmem>>
          %dma_wait3A_479 = arith.constant 0 : i32
          %dma_wait3A_480 = arith.constant 0 : i32
          %dma_wait3A_481 = tpu.memref_slice %arg16[%dma_wait3A_479, %dma_wait3A_480] : memref<10240x80xf32, #tpu.memory_space<vmem_shared>> -> memref<10240x80xf32, #tpu.memory_space<vmem_shared>>
          tpu.wait_indirect_dma semaphore(%run_scoped3A : memref<!tpu.dma_semaphore, #tpu.memory_space<semaphore_mem>>) src(%dma_wait3A_475 : memref<80x80xf32, #tpu.memory_space<vmem>>) dst(%dma_wait3A_481 : memref<10240x80xf32, #tpu.memory_space<vmem_shared>>)
          tpu.yield
        }) : () -> ()
      }
      %scan3A_336 = arith.constant 50 : i32
      %barrier3A_337 = arith.constant 0 : index
      tpu.barrier barrier_id(%barrier3A_337)
      "tpu.region"() ({
        %run_scoped3A = tpu.sem_alloc : memref<!tpu.dma_semaphore, #tpu.memory_space<semaphore_mem>>
        %dma_start3A = arith.constant 0 : i32
        %dma_start3A_354 = arith.constant 0 : i32
        %dma_start3A_355 = tpu.memref_slice %arg10[%arg1, %dma_start3A, %dma_start3A_354] : memref<16x640x80xf32, #tpu.memory_space<hbm>> -> memref<1x640x80xf32, #tpu.memory_space<hbm>>
        %dma_start3A_356 = tpu.memref_squeeze %dma_start3A_355 : memref<1x640x80xf32, #tpu.memory_space<hbm>> -> memref<640x80xf32, #tpu.memory_space<hbm>>
        %dma_start3A_357 = arith.constant 0 : i32
        %dma_start3A_358 = tpu.memref_slice %arg16[%mul3A_325, %dma_start3A_357] : memref<10240x80xf32, #tpu.memory_space<vmem_shared>> -> memref<640x80xf32, #tpu.memory_space<vmem_shared>>
        tpu.enqueue_dma source(%dma_start3A_358 : memref<640x80xf32, #tpu.memory_space<vmem_shared>>) target(%dma_start3A_356 : memref<640x80xf32, #tpu.memory_space<hbm>>) target_semaphore(%run_scoped3A : memref<!tpu.dma_semaphore, #tpu.memory_space<semaphore_mem>>)
        %dma_wait3A = arith.constant 0 : i32
        %dma_wait3A_359 = arith.constant 0 : i32
        %dma_wait3A_360 = tpu.memref_slice %arg10[%arg1, %dma_wait3A, %dma_wait3A_359] : memref<16x640x80xf32, #tpu.memory_space<hbm>> -> memref<1x640x80xf32, #tpu.memory_space<hbm>>
        %dma_wait3A_361 = tpu.memref_squeeze %dma_wait3A_360 : memref<1x640x80xf32, #tpu.memory_space<hbm>> -> memref<640x80xf32, #tpu.memory_space<hbm>>
        %dma_wait3A_362 = arith.constant 0 : i32
        %dma_wait3A_363 = tpu.memref_slice %arg16[%mul3A_325, %dma_wait3A_362] : memref<10240x80xf32, #tpu.memory_space<vmem_shared>> -> memref<640x80xf32, #tpu.memory_space<vmem_shared>>
        tpu.wait_dma2 semaphore(%run_scoped3A : memref<!tpu.dma_semaphore, #tpu.memory_space<semaphore_mem>>) src(%dma_wait3A_363 : memref<640x80xf32, #tpu.memory_space<vmem_shared>>) dst(%dma_wait3A_361 : memref<640x80xf32, #tpu.memory_space<hbm>>)
        tpu.yield
      }) : () -> ()
      %mul3A_338 = arith.constant 640 : i32
      %mul3A_339 = arith.muli %arg1, %mul3A_338 : i32
      %scan3A_340 = arith.constant 0 : i32
      %scan3A_341 = arith.constant 0 : i32
      %scan3A_342 = arith.constant 80 : i32
      %scan3A_343 = arith.addi %scan3A_341, %scan3A_342 : i32
      %scan3A_344 = arith.constant 1 : i32
      scf.for %scan3A_354 = %scan3A_341 to %scan3A_343 step %scan3A_344  : i32 {
        %mul3A_355 = arith.constant 8 : i32
        %mul3A_356 = arith.muli %scan3A_354, %mul3A_355 : i32
        %add3A = arith.addi %mul3A_339, %mul3A_356 : i32
        "tpu.region"() ({
          %run_scoped3A = tpu.sem_alloc : memref<!tpu.dma_semaphore, #tpu.memory_space<semaphore_mem>>
          %dma_start3A = arith.constant 0 : i32
          %dma_start3A_357 = tpu.memref_slice %arg16[%add3A, %dma_start3A] : memref<10240x80xf32, #tpu.memory_space<vmem_shared>> -> memref<8x80xf32, #tpu.memory_space<vmem_shared>>
          %dma_start3A_358 = arith.constant 0 : i32
          %dma_start3A_359 = tpu.memref_slice %arg16[%add3A, %dma_start3A_358] : memref<10240x80xf32, #tpu.memory_space<vmem_shared>> -> memref<8x80xf32, #tpu.memory_space<vmem_shared>>
          tpu.enqueue_dma source(%arg15 : memref<8x80xf32, #tpu.memory_space<vmem>>) target(%dma_start3A_359 : memref<8x80xf32, #tpu.memory_space<vmem_shared>>) target_semaphore(%run_scoped3A : memref<!tpu.dma_semaphore, #tpu.memory_space<semaphore_mem>>)
          %dma_wait3A = arith.constant 0 : i32
          %dma_wait3A_360 = tpu.memref_slice %arg16[%add3A, %dma_wait3A] : memref<10240x80xf32, #tpu.memory_space<vmem_shared>> -> memref<8x80xf32, #tpu.memory_space<vmem_shared>>
          %dma_wait3A_361 = arith.constant 0 : i32
          %dma_wait3A_362 = tpu.memref_slice %arg16[%add3A, %dma_wait3A_361] : memref<10240x80xf32, #tpu.memory_space<vmem_shared>> -> memref<8x80xf32, #tpu.memory_space<vmem_shared>>
          tpu.wait_dma2 semaphore(%run_scoped3A : memref<!tpu.dma_semaphore, #tpu.memory_space<semaphore_mem>>) src(%arg15 : memref<8x80xf32, #tpu.memory_space<vmem>>) dst(%dma_wait3A_362 : memref<8x80xf32, #tpu.memory_space<vmem_shared>>)
          tpu.yield
        }) : () -> ()
      }
      %scan3A_345 = arith.constant 80 : i32
      %barrier3A_346 = arith.constant 0 : index
      tpu.barrier barrier_id(%barrier3A_346)
      %scan3A_347 = arith.constant 0 : i32
      %scan3A_348 = arith.constant 0 : i32
      %scan3A_349 = arith.constant 50 : i32
      %scan3A_350 = arith.addi %scan3A_348, %scan3A_349 : i32
      %scan3A_351 = arith.constant 1 : i32
      scf.for %scan3A_354 = %scan3A_348 to %scan3A_350 step %scan3A_351  : i32 {
        %mul3A_355 = arith.constant 5 : i32
        %mul3A_356 = arith.muli %scan3A_354, %mul3A_355 : i32
        %add3A = arith.constant 0 : i32
        %add3A_357 = arith.addi %mul3A_356, %add3A : i32
        %dma_start3A = arith.constant 0 : i32
        %dma_start3A_358 = arith.constant 0 : i32
        %dma_start3A_359 = tpu.memref_slice %arg14[%dma_start3A, %dma_start3A_358] : memref<400x80xf32, #tpu.memory_space<vmem>> -> memref<80x80xf32, #tpu.memory_space<vmem>>
        %dma_start3A_360 = arith.constant 0 : i32
        %dma_start3A_361 = tpu.memref_slice %arg12[%add3A_357, %dma_start3A_360] : memref<250x80xi32, #tpu.memory_space<vmem>> -> memref<1x80xi32, #tpu.memory_space<vmem>>
        %dma_start3A_362 = tpu.memref_squeeze %dma_start3A_361 : memref<1x80xi32, #tpu.memory_space<vmem>> -> memref<80xi32, #tpu.memory_space<vmem>>
        %dma_start3A_363 = arith.constant 0 : i32
        %dma_start3A_364 = arith.constant 0 : i32
        %dma_start3A_365 = tpu.memref_slice %arg5[%dma_start3A_363, %dma_start3A_364] : memref<10000x80xf32, #tpu.memory_space<hbm>> -> memref<10000x80xf32, #tpu.memory_space<hbm>>
        tpu.enqueue_indirect_dma source(%dma_start3A_365 : memref<10000x80xf32, #tpu.memory_space<hbm>>) target(%dma_start3A_359 : memref<80x80xf32, #tpu.memory_space<vmem>>) offsets(%dma_start3A_362 : memref<80xi32, #tpu.memory_space<vmem>>) semaphore(%arg17 : memref<!tpu.dma_semaphore, #tpu.memory_space<semaphore_mem>>)
        %add3A_366 = arith.constant 1 : i32
        %add3A_367 = arith.addi %mul3A_356, %add3A_366 : i32
        %dma_start3A_368 = arith.constant 80 : i32
        %dma_start3A_369 = arith.constant 0 : i32
        %dma_start3A_370 = tpu.memref_slice %arg14[%dma_start3A_368, %dma_start3A_369] : memref<400x80xf32, #tpu.memory_space<vmem>> -> memref<80x80xf32, #tpu.memory_space<vmem>>
        %dma_start3A_371 = arith.constant 0 : i32
        %dma_start3A_372 = tpu.memref_slice %arg12[%add3A_367, %dma_start3A_371] : memref<250x80xi32, #tpu.memory_space<vmem>> -> memref<1x80xi32, #tpu.memory_space<vmem>>
        %dma_start3A_373 = tpu.memref_squeeze %dma_start3A_372 : memref<1x80xi32, #tpu.memory_space<vmem>> -> memref<80xi32, #tpu.memory_space<vmem>>
        %dma_start3A_374 = arith.constant 0 : i32
        %dma_start3A_375 = arith.constant 0 : i32
        %dma_start3A_376 = tpu.memref_slice %arg5[%dma_start3A_374, %dma_start3A_375] : memref<10000x80xf32, #tpu.memory_space<hbm>> -> memref<10000x80xf32, #tpu.memory_space<hbm>>
        tpu.enqueue_indirect_dma source(%dma_start3A_376 : memref<10000x80xf32, #tpu.memory_space<hbm>>) target(%dma_start3A_370 : memref<80x80xf32, #tpu.memory_space<vmem>>) offsets(%dma_start3A_373 : memref<80xi32, #tpu.memory_space<vmem>>) semaphore(%arg18 : memref<!tpu.dma_semaphore, #tpu.memory_space<semaphore_mem>>)
        %add3A_377 = arith.constant 2 : i32
        %add3A_378 = arith.addi %mul3A_356, %add3A_377 : i32
        %dma_start3A_379 = arith.constant 160 : i32
        %dma_start3A_380 = arith.constant 0 : i32
        %dma_start3A_381 = tpu.memref_slice %arg14[%dma_start3A_379, %dma_start3A_380] : memref<400x80xf32, #tpu.memory_space<vmem>> -> memref<80x80xf32, #tpu.memory_space<vmem>>
        %dma_start3A_382 = arith.constant 0 : i32
        %dma_start3A_383 = tpu.memref_slice %arg12[%add3A_378, %dma_start3A_382] : memref<250x80xi32, #tpu.memory_space<vmem>> -> memref<1x80xi32, #tpu.memory_space<vmem>>
        %dma_start3A_384 = tpu.memref_squeeze %dma_start3A_383 : memref<1x80xi32, #tpu.memory_space<vmem>> -> memref<80xi32, #tpu.memory_space<vmem>>
        %dma_start3A_385 = arith.constant 0 : i32
        %dma_start3A_386 = arith.constant 0 : i32
        %dma_start3A_387 = tpu.memref_slice %arg5[%dma_start3A_385, %dma_start3A_386] : memref<10000x80xf32, #tpu.memory_space<hbm>> -> memref<10000x80xf32, #tpu.memory_space<hbm>>
        tpu.enqueue_indirect_dma source(%dma_start3A_387 : memref<10000x80xf32, #tpu.memory_space<hbm>>) target(%dma_start3A_381 : memref<80x80xf32, #tpu.memory_space<vmem>>) offsets(%dma_start3A_384 : memref<80xi32, #tpu.memory_space<vmem>>) semaphore(%arg19 : memref<!tpu.dma_semaphore, #tpu.memory_space<semaphore_mem>>)
        %add3A_388 = arith.constant 3 : i32
        %add3A_389 = arith.addi %mul3A_356, %add3A_388 : i32
        %dma_start3A_390 = arith.constant 240 : i32
        %dma_start3A_391 = arith.constant 0 : i32
        %dma_start3A_392 = tpu.memref_slice %arg14[%dma_start3A_390, %dma_start3A_391] : memref<400x80xf32, #tpu.memory_space<vmem>> -> memref<80x80xf32, #tpu.memory_space<vmem>>
        %dma_start3A_393 = arith.constant 0 : i32
        %dma_start3A_394 = tpu.memref_slice %arg12[%add3A_389, %dma_start3A_393] : memref<250x80xi32, #tpu.memory_space<vmem>> -> memref<1x80xi32, #tpu.memory_space<vmem>>
        %dma_start3A_395 = tpu.memref_squeeze %dma_start3A_394 : memref<1x80xi32, #tpu.memory_space<vmem>> -> memref<80xi32, #tpu.memory_space<vmem>>
        %dma_start3A_396 = arith.constant 0 : i32
        %dma_start3A_397 = arith.constant 0 : i32
        %dma_start3A_398 = tpu.memref_slice %arg5[%dma_start3A_396, %dma_start3A_397] : memref<10000x80xf32, #tpu.memory_space<hbm>> -> memref<10000x80xf32, #tpu.memory_space<hbm>>
        tpu.enqueue_indirect_dma source(%dma_start3A_398 : memref<10000x80xf32, #tpu.memory_space<hbm>>) target(%dma_start3A_392 : memref<80x80xf32, #tpu.memory_space<vmem>>) offsets(%dma_start3A_395 : memref<80xi32, #tpu.memory_space<vmem>>) semaphore(%arg20 : memref<!tpu.dma_semaphore, #tpu.memory_space<semaphore_mem>>)
        %add3A_399 = arith.constant 4 : i32
        %add3A_400 = arith.addi %mul3A_356, %add3A_399 : i32
        %dma_start3A_401 = arith.constant 320 : i32
        %dma_start3A_402 = arith.constant 0 : i32
        %dma_start3A_403 = tpu.memref_slice %arg14[%dma_start3A_401, %dma_start3A_402] : memref<400x80xf32, #tpu.memory_space<vmem>> -> memref<80x80xf32, #tpu.memory_space<vmem>>
        %dma_start3A_404 = arith.constant 0 : i32
        %dma_start3A_405 = tpu.memref_slice %arg12[%add3A_400, %dma_start3A_404] : memref<250x80xi32, #tpu.memory_space<vmem>> -> memref<1x80xi32, #tpu.memory_space<vmem>>
        %dma_start3A_406 = tpu.memref_squeeze %dma_start3A_405 : memref<1x80xi32, #tpu.memory_space<vmem>> -> memref<80xi32, #tpu.memory_space<vmem>>
        %dma_start3A_407 = arith.constant 0 : i32
        %dma_start3A_408 = arith.constant 0 : i32
        %dma_start3A_409 = tpu.memref_slice %arg5[%dma_start3A_407, %dma_start3A_408] : memref<10000x80xf32, #tpu.memory_space<hbm>> -> memref<10000x80xf32, #tpu.memory_space<hbm>>
        tpu.enqueue_indirect_dma source(%dma_start3A_409 : memref<10000x80xf32, #tpu.memory_space<hbm>>) target(%dma_start3A_403 : memref<80x80xf32, #tpu.memory_space<vmem>>) offsets(%dma_start3A_406 : memref<80xi32, #tpu.memory_space<vmem>>) semaphore(%arg21 : memref<!tpu.dma_semaphore, #tpu.memory_space<semaphore_mem>>)
        %dma_wait3A = arith.constant 0 : i32
        %dma_wait3A_410 = arith.constant 0 : i32
        %dma_wait3A_411 = tpu.memref_slice %arg14[%dma_wait3A, %dma_wait3A_410] : memref<400x80xf32, #tpu.memory_space<vmem>> -> memref<80x80xf32, #tpu.memory_space<vmem>>
        %dma_wait3A_412 = arith.constant 0 : i32
        %dma_wait3A_413 = tpu.memref_slice %arg12[%add3A_357, %dma_wait3A_412] : memref<250x80xi32, #tpu.memory_space<vmem>> -> memref<1x80xi32, #tpu.memory_space<vmem>>
        %dma_wait3A_414 = tpu.memref_squeeze %dma_wait3A_413 : memref<1x80xi32, #tpu.memory_space<vmem>> -> memref<80xi32, #tpu.memory_space<vmem>>
        %dma_wait3A_415 = arith.constant 0 : i32
        %dma_wait3A_416 = arith.constant 0 : i32
        %dma_wait3A_417 = tpu.memref_slice %arg5[%dma_wait3A_415, %dma_wait3A_416] : memref<10000x80xf32, #tpu.memory_space<hbm>> -> memref<10000x80xf32, #tpu.memory_space<hbm>>
        tpu.wait_indirect_dma semaphore(%arg17 : memref<!tpu.dma_semaphore, #tpu.memory_space<semaphore_mem>>) src(%dma_wait3A_417 : memref<10000x80xf32, #tpu.memory_space<hbm>>) dst(%dma_wait3A_411 : memref<80x80xf32, #tpu.memory_space<vmem>>)
        %add3A_418 = arith.constant 0 : i32
        %add3A_419 = arith.addi %mul3A_356, %add3A_418 : i32
        "tpu.region"() ({
          %run_scoped3A = tpu.sem_alloc : memref<!tpu.dma_semaphore, #tpu.memory_space<semaphore_mem>>
          %dma_start3A_464 = arith.constant 0 : i32
          %dma_start3A_465 = arith.constant 0 : i32
          %dma_start3A_466 = tpu.memref_slice %arg14[%dma_start3A_464, %dma_start3A_465] : memref<400x80xf32, #tpu.memory_space<vmem>> -> memref<80x80xf32, #tpu.memory_space<vmem>>
          %dma_start3A_467 = arith.constant 0 : i32
          %dma_start3A_468 = tpu.memref_slice %arg13[%add3A_419, %dma_start3A_467] : memref<250x80xi32, #tpu.memory_space<vmem>> -> memref<1x80xi32, #tpu.memory_space<vmem>>
          %dma_start3A_469 = tpu.memref_squeeze %dma_start3A_468 : memref<1x80xi32, #tpu.memory_space<vmem>> -> memref<80xi32, #tpu.memory_space<vmem>>
          %dma_start3A_470 = arith.constant 0 : i32
          %dma_start3A_471 = arith.constant 0 : i32
          %dma_start3A_472 = tpu.memref_slice %arg16[%dma_start3A_470, %dma_start3A_471] : memref<10240x80xf32, #tpu.memory_space<vmem_shared>> -> memref<10240x80xf32, #tpu.memory_space<vmem_shared>>
          tpu.enqueue_indirect_dma source(%dma_start3A_466 : memref<80x80xf32, #tpu.memory_space<vmem>>) target(%dma_start3A_472 : memref<10240x80xf32, #tpu.memory_space<vmem_shared>>) offsets(%dma_start3A_469 : memref<80xi32, #tpu.memory_space<vmem>>) semaphore(%run_scoped3A : memref<!tpu.dma_semaphore, #tpu.memory_space<semaphore_mem>>) {add = true}
          %dma_wait3A_473 = arith.constant 0 : i32
          %dma_wait3A_474 = arith.constant 0 : i32
          %dma_wait3A_475 = tpu.memref_slice %arg14[%dma_wait3A_473, %dma_wait3A_474] : memref<400x80xf32, #tpu.memory_space<vmem>> -> memref<80x80xf32, #tpu.memory_space<vmem>>
          %dma_wait3A_476 = arith.constant 0 : i32
          %dma_wait3A_477 = tpu.memref_slice %arg13[%add3A_419, %dma_wait3A_476] : memref<250x80xi32, #tpu.memory_space<vmem>> -> memref<1x80xi32, #tpu.memory_space<vmem>>
          %dma_wait3A_478 = tpu.memref_squeeze %dma_wait3A_477 : memref<1x80xi32, #tpu.memory_space<vmem>> -> memref<80xi32, #tpu.memory_space<vmem>>
          %dma_wait3A_479 = arith.constant 0 : i32
          %dma_wait3A_480 = arith.constant 0 : i32
          %dma_wait3A_481 = tpu.memref_slice %arg16[%dma_wait3A_479, %dma_wait3A_480] : memref<10240x80xf32, #tpu.memory_space<vmem_shared>> -> memref<10240x80xf32, #tpu.memory_space<vmem_shared>>
          tpu.wait_indirect_dma semaphore(%run_scoped3A : memref<!tpu.dma_semaphore, #tpu.memory_space<semaphore_mem>>) src(%dma_wait3A_475 : memref<80x80xf32, #tpu.memory_space<vmem>>) dst(%dma_wait3A_481 : memref<10240x80xf32, #tpu.memory_space<vmem_shared>>)
          tpu.yield
        }) : () -> ()
        %dma_wait3A_420 = arith.constant 80 : i32
        %dma_wait3A_421 = arith.constant 0 : i32
        %dma_wait3A_422 = tpu.memref_slice %arg14[%dma_wait3A_420, %dma_wait3A_421] : memref<400x80xf32, #tpu.memory_space<vmem>> -> memref<80x80xf32, #tpu.memory_space<vmem>>
        %dma_wait3A_423 = arith.constant 0 : i32
        %dma_wait3A_424 = tpu.memref_slice %arg12[%add3A_367, %dma_wait3A_423] : memref<250x80xi32, #tpu.memory_space<vmem>> -> memref<1x80xi32, #tpu.memory_space<vmem>>
        %dma_wait3A_425 = tpu.memref_squeeze %dma_wait3A_424 : memref<1x80xi32, #tpu.memory_space<vmem>> -> memref<80xi32, #tpu.memory_space<vmem>>
        %dma_wait3A_426 = arith.constant 0 : i32
        %dma_wait3A_427 = arith.constant 0 : i32
        %dma_wait3A_428 = tpu.memref_slice %arg5[%dma_wait3A_426, %dma_wait3A_427] : memref<10000x80xf32, #tpu.memory_space<hbm>> -> memref<10000x80xf32, #tpu.memory_space<hbm>>
        tpu.wait_indirect_dma semaphore(%arg18 : memref<!tpu.dma_semaphore, #tpu.memory_space<semaphore_mem>>) src(%dma_wait3A_428 : memref<10000x80xf32, #tpu.memory_space<hbm>>) dst(%dma_wait3A_422 : memref<80x80xf32, #tpu.memory_space<vmem>>)
        %add3A_429 = arith.constant 1 : i32
        %add3A_430 = arith.addi %mul3A_356, %add3A_429 : i32
        "tpu.region"() ({
          %run_scoped3A = tpu.sem_alloc : memref<!tpu.dma_semaphore, #tpu.memory_space<semaphore_mem>>
          %dma_start3A_464 = arith.constant 80 : i32
          %dma_start3A_465 = arith.constant 0 : i32
          %dma_start3A_466 = tpu.memref_slice %arg14[%dma_start3A_464, %dma_start3A_465] : memref<400x80xf32, #tpu.memory_space<vmem>> -> memref<80x80xf32, #tpu.memory_space<vmem>>
          %dma_start3A_467 = arith.constant 0 : i32
          %dma_start3A_468 = tpu.memref_slice %arg13[%add3A_430, %dma_start3A_467] : memref<250x80xi32, #tpu.memory_space<vmem>> -> memref<1x80xi32, #tpu.memory_space<vmem>>
          %dma_start3A_469 = tpu.memref_squeeze %dma_start3A_468 : memref<1x80xi32, #tpu.memory_space<vmem>> -> memref<80xi32, #tpu.memory_space<vmem>>
          %dma_start3A_470 = arith.constant 0 : i32
          %dma_start3A_471 = arith.constant 0 : i32
          %dma_start3A_472 = tpu.memref_slice %arg16[%dma_start3A_470, %dma_start3A_471] : memref<10240x80xf32, #tpu.memory_space<vmem_shared>> -> memref<10240x80xf32, #tpu.memory_space<vmem_shared>>
          tpu.enqueue_indirect_dma source(%dma_start3A_466 : memref<80x80xf32, #tpu.memory_space<vmem>>) target(%dma_start3A_472 : memref<10240x80xf32, #tpu.memory_space<vmem_shared>>) offsets(%dma_start3A_469 : memref<80xi32, #tpu.memory_space<vmem>>) semaphore(%run_scoped3A : memref<!tpu.dma_semaphore, #tpu.memory_space<semaphore_mem>>) {add = true}
          %dma_wait3A_473 = arith.constant 80 : i32
          %dma_wait3A_474 = arith.constant 0 : i32
          %dma_wait3A_475 = tpu.memref_slice %arg14[%dma_wait3A_473, %dma_wait3A_474] : memref<400x80xf32, #tpu.memory_space<vmem>> -> memref<80x80xf32, #tpu.memory_space<vmem>>
          %dma_wait3A_476 = arith.constant 0 : i32
          %dma_wait3A_477 = tpu.memref_slice %arg13[%add3A_430, %dma_wait3A_476] : memref<250x80xi32, #tpu.memory_space<vmem>> -> memref<1x80xi32, #tpu.memory_space<vmem>>
          %dma_wait3A_478 = tpu.memref_squeeze %dma_wait3A_477 : memref<1x80xi32, #tpu.memory_space<vmem>> -> memref<80xi32, #tpu.memory_space<vmem>>
          %dma_wait3A_479 = arith.constant 0 : i32
          %dma_wait3A_480 = arith.constant 0 : i32
          %dma_wait3A_481 = tpu.memref_slice %arg16[%dma_wait3A_479, %dma_wait3A_480] : memref<10240x80xf32, #tpu.memory_space<vmem_shared>> -> memref<10240x80xf32, #tpu.memory_space<vmem_shared>>
          tpu.wait_indirect_dma semaphore(%run_scoped3A : memref<!tpu.dma_semaphore, #tpu.memory_space<semaphore_mem>>) src(%dma_wait3A_475 : memref<80x80xf32, #tpu.memory_space<vmem>>) dst(%dma_wait3A_481 : memref<10240x80xf32, #tpu.memory_space<vmem_shared>>)
          tpu.yield
        }) : () -> ()
        %dma_wait3A_431 = arith.constant 160 : i32
        %dma_wait3A_432 = arith.constant 0 : i32
        %dma_wait3A_433 = tpu.memref_slice %arg14[%dma_wait3A_431, %dma_wait3A_432] : memref<400x80xf32, #tpu.memory_space<vmem>> -> memref<80x80xf32, #tpu.memory_space<vmem>>
        %dma_wait3A_434 = arith.constant 0 : i32
        %dma_wait3A_435 = tpu.memref_slice %arg12[%add3A_378, %dma_wait3A_434] : memref<250x80xi32, #tpu.memory_space<vmem>> -> memref<1x80xi32, #tpu.memory_space<vmem>>
        %dma_wait3A_436 = tpu.memref_squeeze %dma_wait3A_435 : memref<1x80xi32, #tpu.memory_space<vmem>> -> memref<80xi32, #tpu.memory_space<vmem>>
        %dma_wait3A_437 = arith.constant 0 : i32
        %dma_wait3A_438 = arith.constant 0 : i32
        %dma_wait3A_439 = tpu.memref_slice %arg5[%dma_wait3A_437, %dma_wait3A_438] : memref<10000x80xf32, #tpu.memory_space<hbm>> -> memref<10000x80xf32, #tpu.memory_space<hbm>>
        tpu.wait_indirect_dma semaphore(%arg19 : memref<!tpu.dma_semaphore, #tpu.memory_space<semaphore_mem>>) src(%dma_wait3A_439 : memref<10000x80xf32, #tpu.memory_space<hbm>>) dst(%dma_wait3A_433 : memref<80x80xf32, #tpu.memory_space<vmem>>)
        %add3A_440 = arith.constant 2 : i32
        %add3A_441 = arith.addi %mul3A_356, %add3A_440 : i32
        "tpu.region"() ({
          %run_scoped3A = tpu.sem_alloc : memref<!tpu.dma_semaphore, #tpu.memory_space<semaphore_mem>>
          %dma_start3A_464 = arith.constant 160 : i32
          %dma_start3A_465 = arith.constant 0 : i32
          %dma_start3A_466 = tpu.memref_slice %arg14[%dma_start3A_464, %dma_start3A_465] : memref<400x80xf32, #tpu.memory_space<vmem>> -> memref<80x80xf32, #tpu.memory_space<vmem>>
          %dma_start3A_467 = arith.constant 0 : i32
          %dma_start3A_468 = tpu.memref_slice %arg13[%add3A_441, %dma_start3A_467] : memref<250x80xi32, #tpu.memory_space<vmem>> -> memref<1x80xi32, #tpu.memory_space<vmem>>
          %dma_start3A_469 = tpu.memref_squeeze %dma_start3A_468 : memref<1x80xi32, #tpu.memory_space<vmem>> -> memref<80xi32, #tpu.memory_space<vmem>>
          %dma_start3A_470 = arith.constant 0 : i32
          %dma_start3A_471 = arith.constant 0 : i32
          %dma_start3A_472 = tpu.memref_slice %arg16[%dma_start3A_470, %dma_start3A_471] : memref<10240x80xf32, #tpu.memory_space<vmem_shared>> -> memref<10240x80xf32, #tpu.memory_space<vmem_shared>>
          tpu.enqueue_indirect_dma source(%dma_start3A_466 : memref<80x80xf32, #tpu.memory_space<vmem>>) target(%dma_start3A_472 : memref<10240x80xf32, #tpu.memory_space<vmem_shared>>) offsets(%dma_start3A_469 : memref<80xi32, #tpu.memory_space<vmem>>) semaphore(%run_scoped3A : memref<!tpu.dma_semaphore, #tpu.memory_space<semaphore_mem>>) {add = true}
          %dma_wait3A_473 = arith.constant 160 : i32
          %dma_wait3A_474 = arith.constant 0 : i32
          %dma_wait3A_475 = tpu.memref_slice %arg14[%dma_wait3A_473, %dma_wait3A_474] : memref<400x80xf32, #tpu.memory_space<vmem>> -> memref<80x80xf32, #tpu.memory_space<vmem>>
          %dma_wait3A_476 = arith.constant 0 : i32
          %dma_wait3A_477 = tpu.memref_slice %arg13[%add3A_441, %dma_wait3A_476] : memref<250x80xi32, #tpu.memory_space<vmem>> -> memref<1x80xi32, #tpu.memory_space<vmem>>
          %dma_wait3A_478 = tpu.memref_squeeze %dma_wait3A_477 : memref<1x80xi32, #tpu.memory_space<vmem>> -> memref<80xi32, #tpu.memory_space<vmem>>
          %dma_wait3A_479 = arith.constant 0 : i32
          %dma_wait3A_480 = arith.constant 0 : i32
          %dma_wait3A_481 = tpu.memref_slice %arg16[%dma_wait3A_479, %dma_wait3A_480] : memref<10240x80xf32, #tpu.memory_space<vmem_shared>> -> memref<10240x80xf32, #tpu.memory_space<vmem_shared>>
          tpu.wait_indirect_dma semaphore(%run_scoped3A : memref<!tpu.dma_semaphore, #tpu.memory_space<semaphore_mem>>) src(%dma_wait3A_475 : memref<80x80xf32, #tpu.memory_space<vmem>>) dst(%dma_wait3A_481 : memref<10240x80xf32, #tpu.memory_space<vmem_shared>>)
          tpu.yield
        }) : () -> ()
        %dma_wait3A_442 = arith.constant 240 : i32
        %dma_wait3A_443 = arith.constant 0 : i32
        %dma_wait3A_444 = tpu.memref_slice %arg14[%dma_wait3A_442, %dma_wait3A_443] : memref<400x80xf32, #tpu.memory_space<vmem>> -> memref<80x80xf32, #tpu.memory_space<vmem>>
        %dma_wait3A_445 = arith.constant 0 : i32
        %dma_wait3A_446 = tpu.memref_slice %arg12[%add3A_389, %dma_wait3A_445] : memref<250x80xi32, #tpu.memory_space<vmem>> -> memref<1x80xi32, #tpu.memory_space<vmem>>
        %dma_wait3A_447 = tpu.memref_squeeze %dma_wait3A_446 : memref<1x80xi32, #tpu.memory_space<vmem>> -> memref<80xi32, #tpu.memory_space<vmem>>
        %dma_wait3A_448 = arith.constant 0 : i32
        %dma_wait3A_449 = arith.constant 0 : i32
        %dma_wait3A_450 = tpu.memref_slice %arg5[%dma_wait3A_448, %dma_wait3A_449] : memref<10000x80xf32, #tpu.memory_space<hbm>> -> memref<10000x80xf32, #tpu.memory_space<hbm>>
        tpu.wait_indirect_dma semaphore(%arg20 : memref<!tpu.dma_semaphore, #tpu.memory_space<semaphore_mem>>) src(%dma_wait3A_450 : memref<10000x80xf32, #tpu.memory_space<hbm>>) dst(%dma_wait3A_444 : memref<80x80xf32, #tpu.memory_space<vmem>>)
        %add3A_451 = arith.constant 3 : i32
        %add3A_452 = arith.addi %mul3A_356, %add3A_451 : i32
        "tpu.region"() ({
          %run_scoped3A = tpu.sem_alloc : memref<!tpu.dma_semaphore, #tpu.memory_space<semaphore_mem>>
          %dma_start3A_464 = arith.constant 240 : i32
          %dma_start3A_465 = arith.constant 0 : i32
          %dma_start3A_466 = tpu.memref_slice %arg14[%dma_start3A_464, %dma_start3A_465] : memref<400x80xf32, #tpu.memory_space<vmem>> -> memref<80x80xf32, #tpu.memory_space<vmem>>
          %dma_start3A_467 = arith.constant 0 : i32
          %dma_start3A_468 = tpu.memref_slice %arg13[%add3A_452, %dma_start3A_467] : memref<250x80xi32, #tpu.memory_space<vmem>> -> memref<1x80xi32, #tpu.memory_space<vmem>>
          %dma_start3A_469 = tpu.memref_squeeze %dma_start3A_468 : memref<1x80xi32, #tpu.memory_space<vmem>> -> memref<80xi32, #tpu.memory_space<vmem>>
          %dma_start3A_470 = arith.constant 0 : i32
          %dma_start3A_471 = arith.constant 0 : i32
          %dma_start3A_472 = tpu.memref_slice %arg16[%dma_start3A_470, %dma_start3A_471] : memref<10240x80xf32, #tpu.memory_space<vmem_shared>> -> memref<10240x80xf32, #tpu.memory_space<vmem_shared>>
          tpu.enqueue_indirect_dma source(%dma_start3A_466 : memref<80x80xf32, #tpu.memory_space<vmem>>) target(%dma_start3A_472 : memref<10240x80xf32, #tpu.memory_space<vmem_shared>>) offsets(%dma_start3A_469 : memref<80xi32, #tpu.memory_space<vmem>>) semaphore(%run_scoped3A : memref<!tpu.dma_semaphore, #tpu.memory_space<semaphore_mem>>) {add = true}
          %dma_wait3A_473 = arith.constant 240 : i32
          %dma_wait3A_474 = arith.constant 0 : i32
          %dma_wait3A_475 = tpu.memref_slice %arg14[%dma_wait3A_473, %dma_wait3A_474] : memref<400x80xf32, #tpu.memory_space<vmem>> -> memref<80x80xf32, #tpu.memory_space<vmem>>
          %dma_wait3A_476 = arith.constant 0 : i32
          %dma_wait3A_477 = tpu.memref_slice %arg13[%add3A_452, %dma_wait3A_476] : memref<250x80xi32, #tpu.memory_space<vmem>> -> memref<1x80xi32, #tpu.memory_space<vmem>>
          %dma_wait3A_478 = tpu.memref_squeeze %dma_wait3A_477 : memref<1x80xi32, #tpu.memory_space<vmem>> -> memref<80xi32, #tpu.memory_space<vmem>>
          %dma_wait3A_479 = arith.constant 0 : i32
          %dma_wait3A_480 = arith.constant 0 : i32
          %dma_wait3A_481 = tpu.memref_slice %arg16[%dma_wait3A_479, %dma_wait3A_480] : memref<10240x80xf32, #tpu.memory_space<vmem_shared>> -> memref<10240x80xf32, #tpu.memory_space<vmem_shared>>
          tpu.wait_indirect_dma semaphore(%run_scoped3A : memref<!tpu.dma_semaphore, #tpu.memory_space<semaphore_mem>>) src(%dma_wait3A_475 : memref<80x80xf32, #tpu.memory_space<vmem>>) dst(%dma_wait3A_481 : memref<10240x80xf32, #tpu.memory_space<vmem_shared>>)
          tpu.yield
        }) : () -> ()
        %dma_wait3A_453 = arith.constant 320 : i32
        %dma_wait3A_454 = arith.constant 0 : i32
        %dma_wait3A_455 = tpu.memref_slice %arg14[%dma_wait3A_453, %dma_wait3A_454] : memref<400x80xf32, #tpu.memory_space<vmem>> -> memref<80x80xf32, #tpu.memory_space<vmem>>
        %dma_wait3A_456 = arith.constant 0 : i32
        %dma_wait3A_457 = tpu.memref_slice %arg12[%add3A_400, %dma_wait3A_456] : memref<250x80xi32, #tpu.memory_space<vmem>> -> memref<1x80xi32, #tpu.memory_space<vmem>>
        %dma_wait3A_458 = tpu.memref_squeeze %dma_wait3A_457 : memref<1x80xi32, #tpu.memory_space<vmem>> -> memref<80xi32, #tpu.memory_space<vmem>>
        %dma_wait3A_459 = arith.constant 0 : i32
        %dma_wait3A_460 = arith.constant 0 : i32
        %dma_wait3A_461 = tpu.memref_slice %arg5[%dma_wait3A_459, %dma_wait3A_460] : memref<10000x80xf32, #tpu.memory_space<hbm>> -> memref<10000x80xf32, #tpu.memory_space<hbm>>
        tpu.wait_indirect_dma semaphore(%arg21 : memref<!tpu.dma_semaphore, #tpu.memory_space<semaphore_mem>>) src(%dma_wait3A_461 : memref<10000x80xf32, #tpu.memory_space<hbm>>) dst(%dma_wait3A_455 : memref<80x80xf32, #tpu.memory_space<vmem>>)
        %add3A_462 = arith.constant 4 : i32
        %add3A_463 = arith.addi %mul3A_356, %add3A_462 : i32
        "tpu.region"() ({
          %run_scoped3A = tpu.sem_alloc : memref<!tpu.dma_semaphore, #tpu.memory_space<semaphore_mem>>
          %dma_start3A_464 = arith.constant 320 : i32
          %dma_start3A_465 = arith.constant 0 : i32
          %dma_start3A_466 = tpu.memref_slice %arg14[%dma_start3A_464, %dma_start3A_465] : memref<400x80xf32, #tpu.memory_space<vmem>> -> memref<80x80xf32, #tpu.memory_space<vmem>>
          %dma_start3A_467 = arith.constant 0 : i32
          %dma_start3A_468 = tpu.memref_slice %arg13[%add3A_463, %dma_start3A_467] : memref<250x80xi32, #tpu.memory_space<vmem>> -> memref<1x80xi32, #tpu.memory_space<vmem>>
          %dma_start3A_469 = tpu.memref_squeeze %dma_start3A_468 : memref<1x80xi32, #tpu.memory_space<vmem>> -> memref<80xi32, #tpu.memory_space<vmem>>
          %dma_start3A_470 = arith.constant 0 : i32
          %dma_start3A_471 = arith.constant 0 : i32
          %dma_start3A_472 = tpu.memref_slice %arg16[%dma_start3A_470, %dma_start3A_471] : memref<10240x80xf32, #tpu.memory_space<vmem_shared>> -> memref<10240x80xf32, #tpu.memory_space<vmem_shared>>
          tpu.enqueue_indirect_dma source(%dma_start3A_466 : memref<80x80xf32, #tpu.memory_space<vmem>>) target(%dma_start3A_472 : memref<10240x80xf32, #tpu.memory_space<vmem_shared>>) offsets(%dma_start3A_469 : memref<80xi32, #tpu.memory_space<vmem>>) semaphore(%run_scoped3A : memref<!tpu.dma_semaphore, #tpu.memory_space<semaphore_mem>>) {add = true}
          %dma_wait3A_473 = arith.constant 320 : i32
          %dma_wait3A_474 = arith.constant 0 : i32
          %dma_wait3A_475 = tpu.memref_slice %arg14[%dma_wait3A_473, %dma_wait3A_474] : memref<400x80xf32, #tpu.memory_space<vmem>> -> memref<80x80xf32, #tpu.memory_space<vmem>>
          %dma_wait3A_476 = arith.constant 0 : i32
          %dma_wait3A_477 = tpu.memref_slice %arg13[%add3A_463, %dma_wait3A_476] : memref<250x80xi32, #tpu.memory_space<vmem>> -> memref<1x80xi32, #tpu.memory_space<vmem>>
          %dma_wait3A_478 = tpu.memref_squeeze %dma_wait3A_477 : memref<1x80xi32, #tpu.memory_space<vmem>> -> memref<80xi32, #tpu.memory_space<vmem>>
          %dma_wait3A_479 = arith.constant 0 : i32
          %dma_wait3A_480 = arith.constant 0 : i32
          %dma_wait3A_481 = tpu.memref_slice %arg16[%dma_wait3A_479, %dma_wait3A_480] : memref<10240x80xf32, #tpu.memory_space<vmem_shared>> -> memref<10240x80xf32, #tpu.memory_space<vmem_shared>>
          tpu.wait_indirect_dma semaphore(%run_scoped3A : memref<!tpu.dma_semaphore, #tpu.memory_space<semaphore_mem>>) src(%dma_wait3A_475 : memref<80x80xf32, #tpu.memory_space<vmem>>) dst(%dma_wait3A_481 : memref<10240x80xf32, #tpu.memory_space<vmem_shared>>)
          tpu.yield
        }) : () -> ()
      }
      %scan3A_352 = arith.constant 50 : i32
      %barrier3A_353 = arith.constant 0 : index
      tpu.barrier barrier_id(%barrier3A_353)
      "tpu.region"() ({
        %run_scoped3A = tpu.sem_alloc : memref<!tpu.dma_semaphore, #tpu.memory_space<semaphore_mem>>
        %dma_start3A = arith.constant 0 : i32
        %dma_start3A_354 = arith.constant 0 : i32
        %dma_start3A_355 = tpu.memref_slice %arg11[%arg1, %dma_start3A, %dma_start3A_354] : memref<16x640x80xf32, #tpu.memory_space<hbm>> -> memref<1x640x80xf32, #tpu.memory_space<hbm>>
        %dma_start3A_356 = tpu.memref_squeeze %dma_start3A_355 : memref<1x640x80xf32, #tpu.memory_space<hbm>> -> memref<640x80xf32, #tpu.memory_space<hbm>>
        %dma_start3A_357 = arith.constant 0 : i32
        %dma_start3A_358 = tpu.memref_slice %arg16[%mul3A_339, %dma_start3A_357] : memref<10240x80xf32, #tpu.memory_space<vmem_shared>> -> memref<640x80xf32, #tpu.memory_space<vmem_shared>>
        tpu.enqueue_dma source(%dma_start3A_358 : memref<640x80xf32, #tpu.memory_space<vmem_shared>>) target(%dma_start3A_356 : memref<640x80xf32, #tpu.memory_space<hbm>>) target_semaphore(%run_scoped3A : memref<!tpu.dma_semaphore, #tpu.memory_space<semaphore_mem>>)
        %dma_wait3A = arith.constant 0 : i32
        %dma_wait3A_359 = arith.constant 0 : i32
        %dma_wait3A_360 = tpu.memref_slice %arg11[%arg1, %dma_wait3A, %dma_wait3A_359] : memref<16x640x80xf32, #tpu.memory_space<hbm>> -> memref<1x640x80xf32, #tpu.memory_space<hbm>>
        %dma_wait3A_361 = tpu.memref_squeeze %dma_wait3A_360 : memref<1x640x80xf32, #tpu.memory_space<hbm>> -> memref<640x80xf32, #tpu.memory_space<hbm>>
        %dma_wait3A_362 = arith.constant 0 : i32
        %dma_wait3A_363 = tpu.memref_slice %arg16[%mul3A_339, %dma_wait3A_362] : memref<10240x80xf32, #tpu.memory_space<vmem_shared>> -> memref<640x80xf32, #tpu.memory_space<vmem_shared>>
        tpu.wait_dma2 semaphore(%run_scoped3A : memref<!tpu.dma_semaphore, #tpu.memory_space<semaphore_mem>>) src(%dma_wait3A_363 : memref<640x80xf32, #tpu.memory_space<vmem_shared>>) dst(%dma_wait3A_361 : memref<640x80xf32, #tpu.memory_space<hbm>>)
        tpu.yield
      }) : () -> ()
    } else {
    }
    return
  }
}

module attributes {stable_mosaic.version = 14 : i64} {
  func.func @_vnadd_body(%arg0: i32, %arg1: memref<1000x320xf32, #tpu.memory_space<vmem>>, %arg2: memref<1x1x1000xi32, #tpu.memory_space<vmem>>, %arg3: memref<64x320xf32, #tpu.memory_space<vmem>>, %arg4: memref<1000x80xf32, #tpu.memory_space<vmem>>, %arg5: memref<1000x80xf32, #tpu.memory_space<vmem>>, %arg6: memref<1000x80xf32, #tpu.memory_space<vmem>>, %arg7: memref<1000x80xf32, #tpu.memory_space<vmem>>) attributes {dimension_semantics = [#tpu.dimension_semantics<arbitrary>], iteration_bounds = array<i64: 10>, scalar_prefetch = 0 : i64, scratch_operands = 0 : i64, tpu.core_type = #tpu.core_type<tc>, window_params = [{transform_indices = @transform_0, window_bounds = array<i64: 1000, 320>}, {transform_indices = @transform_1, window_bounds = array<i64: 1, 1, 1000>}, {pipeline_mode = #tpu.pipeline_mode<synchronous>, transform_indices = @transform_2, window_bounds = array<i64: 64, 320>}, {transform_indices = @transform_3, window_bounds = array<i64: 1000, 80>}, {transform_indices = @transform_4, window_bounds = array<i64: 1000, 80>}, {transform_indices = @transform_5, window_bounds = array<i64: 1000, 80>}, {transform_indices = @transform_6, window_bounds = array<i64: 1000, 80>}]} {
    %get3A = arith.constant 0 : index
    %get3A_0 = arith.constant 0 : index
    %get3A_1 = arith.constant 0 : index
    %get3A_2 = vector.load %arg2[%get3A, %get3A_0, %get3A_1] : memref<1x1x1000xi32, #tpu.memory_space<vmem>>, vector<1x1x1000xi32>
    %reshape3A = vector.shape_cast %get3A_2 : vector<1x1x1000xi32> to vector<1000x1xi32>
    %iota3A = tpu.iota {dimensions = array<i32: 1>} : vector<1000x64xi32>
    %eq3A = vector.broadcast %reshape3A : vector<1000x1xi32> to vector<1000x64xi32>
    %eq3A_3 = arith.cmpi eq, %eq3A, %iota3A : vector<1000x64xi32>
    %convert_element_type3A = arith.extui %eq3A_3 : vector<1000x64xi1> to vector<1000x64xi32>
    %convert_element_type3A_4 = arith.sitofp %convert_element_type3A : vector<1000x64xi32> to vector<1000x64xf32>
    %get3A_5 = arith.constant 0 : index
    %get3A_6 = arith.constant 0 : index
    %get3A_7 = vector.load %arg1[%get3A_5, %get3A_6] : memref<1000x320xf32, #tpu.memory_space<vmem>>, vector<1000x320xf32>
    %get3A_8 = arith.constant 0 : index
    %get3A_9 = arith.constant 0 : index
    %get3A_10 = vector.load %arg3[%get3A_8, %get3A_9] : memref<64x320xf32, #tpu.memory_space<vmem>>, vector<64x320xf32>
    %dot_general3A = arith.constant dense<0.000000e+00> : vector<1000x320xf32>
    %dot_general3A_11 = tpu.matmul %convert_element_type3A_4, %get3A_10, %dot_general3A {dimension_numbers = #tpu.dot_dimension_numbers<[1], [0], [0], [1], [0, 0, 1, 1], [], []>, precision = #tpu.contract_precision<fp32>, transpose_lhs_hint = false} : vector<1000x64xf32>, vector<64x320xf32>, vector<1000x320xf32> -> vector<1000x320xf32>
    %add3A = arith.addf %get3A_7, %dot_general3A_11 : vector<1000x320xf32>
    %slice3A = vector.extract_strided_slice %add3A {offsets = [0, 0], sizes = [1000, 80], strides = [1, 1]} : vector<1000x320xf32> to vector<1000x80xf32>
    %swap3A = arith.constant 0 : index
    %swap3A_12 = arith.constant 0 : index
    %swap3A_13 = vector.load %arg4[%swap3A, %swap3A_12] : memref<1000x80xf32, #tpu.memory_space<vmem>>, vector<1000x80xf32>
    tpu.vector_store %arg4[%swap3A, %swap3A_12], %slice3A {strides = array<i32>} : memref<1000x80xf32, #tpu.memory_space<vmem>>, vector<1000x80xf32>,
    %slice3A_14 = vector.extract_strided_slice %add3A {offsets = [0, 80], sizes = [1000, 80], strides = [1, 1]} : vector<1000x320xf32> to vector<1000x80xf32>
    %swap3A_15 = arith.constant 0 : index
    %swap3A_16 = arith.constant 0 : index
    %swap3A_17 = vector.load %arg5[%swap3A_15, %swap3A_16] : memref<1000x80xf32, #tpu.memory_space<vmem>>, vector<1000x80xf32>
    tpu.vector_store %arg5[%swap3A_15, %swap3A_16], %slice3A_14 {strides = array<i32>} : memref<1000x80xf32, #tpu.memory_space<vmem>>, vector<1000x80xf32>,
    %slice3A_18 = vector.extract_strided_slice %add3A {offsets = [0, 160], sizes = [1000, 80], strides = [1, 1]} : vector<1000x320xf32> to vector<1000x80xf32>
    %swap3A_19 = arith.constant 0 : index
    %swap3A_20 = arith.constant 0 : index
    %swap3A_21 = vector.load %arg6[%swap3A_19, %swap3A_20] : memref<1000x80xf32, #tpu.memory_space<vmem>>, vector<1000x80xf32>
    tpu.vector_store %arg6[%swap3A_19, %swap3A_20], %slice3A_18 {strides = array<i32>} : memref<1000x80xf32, #tpu.memory_space<vmem>>, vector<1000x80xf32>,
    %slice3A_22 = vector.extract_strided_slice %add3A {offsets = [0, 240], sizes = [1000, 80], strides = [1, 1]} : vector<1000x320xf32> to vector<1000x80xf32>
    %swap3A_23 = arith.constant 0 : index
    %swap3A_24 = arith.constant 0 : index
    %swap3A_25 = vector.load %arg7[%swap3A_23, %swap3A_24] : memref<1000x80xf32, #tpu.memory_space<vmem>>, vector<1000x80xf32>
    tpu.vector_store %arg7[%swap3A_23, %swap3A_24], %slice3A_22 {strides = array<i32>} : memref<1000x80xf32, #tpu.memory_space<vmem>>, vector<1000x80xf32>,
    return
  }
  func.func @transform_0(%arg0: i32) -> (i32, i32) {
    %c0_i32 = arith.constant 0 : i32
    %c0_i32_0 = arith.constant 0 : i32
    return %arg0, %c0_i32 : i32, i32
  }
  func.func @transform_1(%arg0: i32) -> (i32, i32, i32) {
    %c0_i32 = arith.constant 0 : i32
    %c0_i32_0 = arith.constant 0 : i32
    %c0_i32_1 = arith.constant 0 : i32
    return %arg0, %c0_i32, %c0_i32_0 : i32, i32, i32
  }
  func.func @transform_2(%arg0: i32) -> (i32, i32) {
    %c0_i32 = arith.constant 0 : i32
    %c0_i32_0 = arith.constant 0 : i32
    %c0_i32_1 = arith.constant 0 : i32
    return %c0_i32, %c0_i32_0 : i32, i32
  }
  func.func @transform_3(%arg0: i32) -> (i32, i32) {
    %c0_i32 = arith.constant 0 : i32
    %c0_i32_0 = arith.constant 0 : i32
    return %arg0, %c0_i32 : i32, i32
  }
  func.func @transform_4(%arg0: i32) -> (i32, i32) {
    %c0_i32 = arith.constant 0 : i32
    %c0_i32_0 = arith.constant 0 : i32
    return %arg0, %c0_i32 : i32, i32
  }
  func.func @transform_5(%arg0: i32) -> (i32, i32) {
    %c0_i32 = arith.constant 0 : i32
    %c0_i32_0 = arith.constant 0 : i32
    return %arg0, %c0_i32 : i32, i32
  }
  func.func @transform_6(%arg0: i32) -> (i32, i32) {
    %c0_i32 = arith.constant 0 : i32
    %c0_i32_0 = arith.constant 0 : i32
    return %arg0, %c0_i32 : i32, i32
  }
}

module attributes {stable_mosaic.version = 14 : i64} {
  func.func @_lin1_body(%arg0: i32, %arg1: memref<1000x80xf32, #tpu.memory_space<vmem>>, %arg2: memref<1000x80xf32, #tpu.memory_space<vmem>>, %arg3: memref<1000x80xf32, #tpu.memory_space<vmem>>, %arg4: memref<1000x80xf32, #tpu.memory_space<vmem>>, %arg5: memref<1000x80xf32, #tpu.memory_space<vmem>>, %arg6: memref<1000x80xf32, #tpu.memory_space<vmem>>, %arg7: memref<1000x80xf32, #tpu.memory_space<vmem>>, %arg8: memref<1000x80xf32, #tpu.memory_space<vmem>>, %arg9: memref<320x600xf32, #tpu.memory_space<vmem>>, %arg10: memref<128x600xf32, #tpu.memory_space<vmem>>, %arg11: memref<1x1xf32, #tpu.memory_space<vmem>>, %arg12: memref<1x600xf32, #tpu.memory_space<vmem>>, %arg13: memref<1000x600xf32, #tpu.memory_space<vmem>>, %arg14: memref<2x600xf32, #tpu.memory_space<vmem>>) attributes {dimension_semantics = [#tpu.dimension_semantics<arbitrary>], iteration_bounds = array<i64: 10>, scalar_prefetch = 0 : i64, scratch_operands = 0 : i64, tpu.core_type = #tpu.core_type<tc>, window_params = [{transform_indices = @transform_0, window_bounds = array<i64: 1000, 80>}, {transform_indices = @transform_1, window_bounds = array<i64: 1000, 80>}, {transform_indices = @transform_2, window_bounds = array<i64: 1000, 80>}, {transform_indices = @transform_3, window_bounds = array<i64: 1000, 80>}, {transform_indices = @transform_4, window_bounds = array<i64: 1000, 80>}, {transform_indices = @transform_5, window_bounds = array<i64: 1000, 80>}, {transform_indices = @transform_6, window_bounds = array<i64: 1000, 80>}, {transform_indices = @transform_7, window_bounds = array<i64: 1000, 80>}, {pipeline_mode = #tpu.pipeline_mode<synchronous>, transform_indices = @transform_8, window_bounds = array<i64: 320, 600>}, {pipeline_mode = #tpu.pipeline_mode<synchronous>, transform_indices = @transform_9, window_bounds = array<i64: 128, 600>}, {pipeline_mode = #tpu.pipeline_mode<synchronous>, transform_indices = @transform_10, window_bounds = array<i64: 1, 1>}, {pipeline_mode = #tpu.pipeline_mode<synchronous>, transform_indices = @transform_11, window_bounds = array<i64: 1, 600>}, {transform_indices = @transform_12, window_bounds = array<i64: 1000, 600>}, {pipeline_mode = #tpu.pipeline_mode<synchronous>, transform_indices = @transform_13, window_bounds = array<i64: 2, 600>}]} {
    %get3A = arith.constant 0 : index
    %get3A_0 = arith.constant 0 : index
    %get3A_1 = vector.load %arg1[%get3A, %get3A_0] : memref<1000x80xf32, #tpu.memory_space<vmem>>, vector<1000x80xf32>
    %get3A_2 = arith.constant 0 : index
    %get3A_3 = arith.constant 0 : index
    %get3A_4 = vector.load %arg5[%get3A_2, %get3A_3] : memref<1000x80xf32, #tpu.memory_space<vmem>>, vector<1000x80xf32>
    %add3A = arith.addf %get3A_1, %get3A_4 : vector<1000x80xf32>
    %get3A_5 = arith.constant 0 : index
    %get3A_6 = arith.constant 0 : index
    %get3A_7 = vector.load %arg2[%get3A_5, %get3A_6] : memref<1000x80xf32, #tpu.memory_space<vmem>>, vector<1000x80xf32>
    %get3A_8 = arith.constant 0 : index
    %get3A_9 = arith.constant 0 : index
    %get3A_10 = vector.load %arg6[%get3A_8, %get3A_9] : memref<1000x80xf32, #tpu.memory_space<vmem>>, vector<1000x80xf32>
    %add3A_11 = arith.addf %get3A_7, %get3A_10 : vector<1000x80xf32>
    %get3A_12 = arith.constant 0 : index
    %get3A_13 = arith.constant 0 : index
    %get3A_14 = vector.load %arg3[%get3A_12, %get3A_13] : memref<1000x80xf32, #tpu.memory_space<vmem>>, vector<1000x80xf32>
    %get3A_15 = arith.constant 0 : index
    %get3A_16 = arith.constant 0 : index
    %get3A_17 = vector.load %arg7[%get3A_15, %get3A_16] : memref<1000x80xf32, #tpu.memory_space<vmem>>, vector<1000x80xf32>
    %add3A_18 = arith.addf %get3A_14, %get3A_17 : vector<1000x80xf32>
    %get3A_19 = arith.constant 0 : index
    %get3A_20 = arith.constant 0 : index
    %get3A_21 = vector.load %arg4[%get3A_19, %get3A_20] : memref<1000x80xf32, #tpu.memory_space<vmem>>, vector<1000x80xf32>
    %get3A_22 = arith.constant 0 : index
    %get3A_23 = arith.constant 0 : index
    %get3A_24 = vector.load %arg8[%get3A_22, %get3A_23] : memref<1000x80xf32, #tpu.memory_space<vmem>>, vector<1000x80xf32>
    %add3A_25 = arith.addf %get3A_21, %get3A_24 : vector<1000x80xf32>
    %concatenate3A = tpu.concatenate %add3A, %add3A_11, %add3A_18, %add3A_25 in 1 : vector<1000x80xf32>, vector<1000x80xf32>, vector<1000x80xf32>, vector<1000x80xf32> -> vector<1000x320xf32>
    %get3A_26 = arith.constant 0 : index
    %get3A_27 = arith.constant 0 : index
    %get3A_28 = vector.load %arg9[%get3A_26, %get3A_27] : memref<320x600xf32, #tpu.memory_space<vmem>>, vector<320x600xf32>
    %dot_general3A = arith.constant dense<0.000000e+00> : vector<1000x600xf32>
    %dot_general3A_29 = tpu.matmul %concatenate3A, %get3A_28, %dot_general3A {dimension_numbers = #tpu.dot_dimension_numbers<[1], [0], [0], [1], [0, 0, 1, 1], [], []>, transpose_lhs_hint = false} : vector<1000x320xf32>, vector<320x600xf32>, vector<1000x600xf32> -> vector<1000x600xf32>
    %slice3A = vector.extract_strided_slice %add3A {offsets = [0, 0], sizes = [1000, 32], strides = [1, 1]} : vector<1000x80xf32> to vector<1000x32xf32>
    %slice3A_30 = vector.extract_strided_slice %add3A_11 {offsets = [0, 0], sizes = [1000, 32], strides = [1, 1]} : vector<1000x80xf32> to vector<1000x32xf32>
    %slice3A_31 = vector.extract_strided_slice %add3A_18 {offsets = [0, 0], sizes = [1000, 32], strides = [1, 1]} : vector<1000x80xf32> to vector<1000x32xf32>
    %slice3A_32 = vector.extract_strided_slice %add3A_25 {offsets = [0, 0], sizes = [1000, 32], strides = [1, 1]} : vector<1000x80xf32> to vector<1000x32xf32>
    %concatenate3A_33 = tpu.concatenate %slice3A, %slice3A_30, %slice3A_31, %slice3A_32 in 1 : vector<1000x32xf32>, vector<1000x32xf32>, vector<1000x32xf32>, vector<1000x32xf32> -> vector<1000x128xf32>
    %get3A_34 = arith.constant 0 : index
    %get3A_35 = arith.constant 0 : index
    %get3A_36 = vector.load %arg10[%get3A_34, %get3A_35] : memref<128x600xf32, #tpu.memory_space<vmem>>, vector<128x600xf32>
    %dot_general3A_37 = arith.constant dense<0.000000e+00> : vector<1000x600xf32>
    %dot_general3A_38 = tpu.matmul %concatenate3A_33, %get3A_36, %dot_general3A_37 {dimension_numbers = #tpu.dot_dimension_numbers<[1], [0], [0], [1], [0, 0, 1, 1], [], []>, precision = #tpu.contract_precision<fp32>, transpose_lhs_hint = false} : vector<1000x128xf32>, vector<128x600xf32>, vector<1000x600xf32> -> vector<1000x600xf32>
    %get3A_39 = arith.constant 0 : index
    %get3A_40 = arith.constant 0 : index
    %get3A_41 = vector.load %arg11[%get3A_39, %get3A_40] : memref<1x1xf32, #tpu.memory_space<vmem>>, vector<1x1xf32>
    %gt3A = arith.constant 0.000000e+00 : f32
    %gt3A_42 = vector.broadcast %gt3A : f32 to vector<1x1xf32>
    %gt3A_43 = arith.cmpf ogt, %get3A_41, %gt3A_42 : vector<1x1xf32>
    %broadcast_in_dim3A = vector.shape_cast %gt3A_43 : vector<1x1xi1> to vector<1x1xi1>
    %broadcast_in_dim3A_44 = vector.broadcast %broadcast_in_dim3A : vector<1x1xi1> to vector<1000x600xi1>
    %select_n3A = arith.select %broadcast_in_dim3A_44, %dot_general3A_38, %dot_general3A_29 : vector<1000x600xi1>, vector<1000x600xf32>
    %get3A_45 = arith.constant 0 : index
    %get3A_46 = arith.constant 0 : index
    %get3A_47 = vector.load %arg12[%get3A_45, %get3A_46] : memref<1x600xf32, #tpu.memory_space<vmem>>, vector<1x600xf32>
    %add3A_48 = vector.broadcast %get3A_47 : vector<1x600xf32> to vector<1000x600xf32>
    %add3A_49 = arith.addf %select_n3A, %add3A_48 : vector<1000x600xf32>
    %swap3A = arith.constant 0 : index
    %swap3A_50 = arith.constant 0 : index
    %swap3A_51 = vector.load %arg13[%swap3A, %swap3A_50] : memref<1000x600xf32, #tpu.memory_space<vmem>>, vector<1000x600xf32>
    tpu.vector_store %arg13[%swap3A, %swap3A_50], %add3A_49 {strides = array<i32>} : memref<1000x600xf32, #tpu.memory_space<vmem>>, vector<1000x600xf32>,
    %eq3A = arith.constant 0 : i32
    %eq3A_52 = arith.cmpi eq, %arg0, %eq3A : i32
    %convert_element_type3A = arith.extui %eq3A_52 : i1 to i32
    %cond3A = arith.constant 0 : i32
    %cond3A_53 = arith.cmpi ne, %convert_element_type3A, %cond3A : i32
    scf.if %cond3A_53 {
      %broadcast_in_dim3A_66 = arith.constant 0.000000e+00 : f32
      %broadcast_in_dim3A_67 = vector.broadcast %broadcast_in_dim3A_66 : f32 to vector<2x600xf32>
      %swap3A_68 = arith.constant 0 : index
      %swap3A_69 = arith.constant 0 : index
      %swap3A_70 = vector.load %arg14[%swap3A_68, %swap3A_69] : memref<2x600xf32, #tpu.memory_space<vmem>>, vector<2x600xf32>
      tpu.vector_store %arg14[%swap3A_68, %swap3A_69], %broadcast_in_dim3A_67 {strides = array<i32>} : memref<2x600xf32, #tpu.memory_space<vmem>>, vector<2x600xf32>,
    } else {
    }
    %get3A_54 = arith.constant 0 : index
    %get3A_55 = arith.constant 0 : index
    %get3A_56 = vector.load %arg14[%get3A_54, %get3A_55] : memref<2x600xf32, #tpu.memory_space<vmem>>, vector<2x600xf32>
    %reduce_sum3A = arith.constant dense<0.000000e+00> : vector<600xf32>
    %reduce_sum3A_57 = vector.multi_reduction <add>, %add3A_49, %reduce_sum3A [0] : vector<1000x600xf32> to vector<600xf32>
    %mul3A = arith.mulf %add3A_49, %add3A_49 : vector<1000x600xf32>
    %reduce_sum3A_58 = arith.constant dense<0.000000e+00> : vector<600xf32>
    %reduce_sum3A_59 = vector.multi_reduction <add>, %mul3A, %reduce_sum3A_58 [0] : vector<1000x600xf32> to vector<600xf32>
    %stack3A = vector.shape_cast %reduce_sum3A_57 : vector<600xf32> to vector<1x600xf32>
    %stack3A_60 = vector.shape_cast %reduce_sum3A_59 : vector<600xf32> to vector<1x600xf32>
    %stack3A_61 = tpu.concatenate %stack3A, %stack3A_60 in 0 : vector<1x600xf32>, vector<1x600xf32> -> vector<2x600xf32>
    %add3A_62 = arith.addf %get3A_56, %stack3A_61 : vector<2x600xf32>
    %swap3A_63 = arith.constant 0 : index
    %swap3A_64 = arith.constant 0 : index
    %swap3A_65 = vector.load %arg14[%swap3A_63, %swap3A_64] : memref<2x600xf32, #tpu.memory_space<vmem>>, vector<2x600xf32>
    tpu.vector_store %arg14[%swap3A_63, %swap3A_64], %add3A_62 {strides = array<i32>} : memref<2x600xf32, #tpu.memory_space<vmem>>, vector<2x600xf32>,
    return
  }
  func.func @transform_0(%arg0: i32) -> (i32, i32) {
    %c0_i32 = arith.constant 0 : i32
    %c0_i32_0 = arith.constant 0 : i32
    return %arg0, %c0_i32 : i32, i32
  }
  func.func @transform_1(%arg0: i32) -> (i32, i32) {
    %c0_i32 = arith.constant 0 : i32
    %c0_i32_0 = arith.constant 0 : i32
    return %arg0, %c0_i32 : i32, i32
  }
  func.func @transform_2(%arg0: i32) -> (i32, i32) {
    %c0_i32 = arith.constant 0 : i32
    %c0_i32_0 = arith.constant 0 : i32
    return %arg0, %c0_i32 : i32, i32
  }
  func.func @transform_3(%arg0: i32) -> (i32, i32) {
    %c0_i32 = arith.constant 0 : i32
    %c0_i32_0 = arith.constant 0 : i32
    return %arg0, %c0_i32 : i32, i32
  }
  func.func @transform_4(%arg0: i32) -> (i32, i32) {
    %c0_i32 = arith.constant 0 : i32
    %c0_i32_0 = arith.constant 0 : i32
    return %arg0, %c0_i32 : i32, i32
  }
  func.func @transform_5(%arg0: i32) -> (i32, i32) {
    %c0_i32 = arith.constant 0 : i32
    %c0_i32_0 = arith.constant 0 : i32
    return %arg0, %c0_i32 : i32, i32
  }
  func.func @transform_6(%arg0: i32) -> (i32, i32) {
    %c0_i32 = arith.constant 0 : i32
    %c0_i32_0 = arith.constant 0 : i32
    return %arg0, %c0_i32 : i32, i32
  }
  func.func @transform_7(%arg0: i32) -> (i32, i32) {
    %c0_i32 = arith.constant 0 : i32
    %c0_i32_0 = arith.constant 0 : i32
    return %arg0, %c0_i32 : i32, i32
  }
  func.func @transform_8(%arg0: i32) -> (i32, i32) {
    %c0_i32 = arith.constant 0 : i32
    %c0_i32_0 = arith.constant 0 : i32
    %c0_i32_1 = arith.constant 0 : i32
    return %c0_i32, %c0_i32_0 : i32, i32
  }
  func.func @transform_9(%arg0: i32) -> (i32, i32) {
    %c0_i32 = arith.constant 0 : i32
    %c0_i32_0 = arith.constant 0 : i32
    %c0_i32_1 = arith.constant 0 : i32
    return %c0_i32, %c0_i32_0 : i32, i32
  }
  func.func @transform_10(%arg0: i32) -> (i32, i32) {
    %c0_i32 = arith.constant 0 : i32
    %c0_i32_0 = arith.constant 0 : i32
    %c0_i32_1 = arith.constant 0 : i32
    return %c0_i32, %c0_i32_0 : i32, i32
  }
  func.func @transform_11(%arg0: i32) -> (i32, i32) {
    %c0_i32 = arith.constant 0 : i32
    %c0_i32_0 = arith.constant 0 : i32
    %c0_i32_1 = arith.constant 0 : i32
    return %c0_i32, %c0_i32_0 : i32, i32
  }
  func.func @transform_12(%arg0: i32) -> (i32, i32) {
    %c0_i32 = arith.constant 0 : i32
    %c0_i32_0 = arith.constant 0 : i32
    return %arg0, %c0_i32 : i32, i32
  }
  func.func @transform_13(%arg0: i32) -> (i32, i32) {
    %c0_i32 = arith.constant 0 : i32
    %c0_i32_0 = arith.constant 0 : i32
    %c0_i32_1 = arith.constant 0 : i32
    return %c0_i32, %c0_i32_0 : i32, i32
  }
}

module attributes {stable_mosaic.version = 14 : i64} {
  func.func @_var_body(%arg0: i32, %arg1: memref<1000x600xf32, #tpu.memory_space<vmem>>, %arg2: memref<2x600xf32, #tpu.memory_space<vmem>>, %arg3: memref<1x600xf32, #tpu.memory_space<vmem>>) attributes {dimension_semantics = [#tpu.dimension_semantics<arbitrary>], iteration_bounds = array<i64: 10>, scalar_prefetch = 0 : i64, scratch_operands = 0 : i64, tpu.core_type = #tpu.core_type<tc>, window_params = [{transform_indices = @transform_0, window_bounds = array<i64: 1000, 600>}, {pipeline_mode = #tpu.pipeline_mode<synchronous>, transform_indices = @transform_1, window_bounds = array<i64: 2, 600>}, {pipeline_mode = #tpu.pipeline_mode<synchronous>, transform_indices = @transform_2, window_bounds = array<i64: 1, 600>}]} {
    %get3A = arith.constant 0 : index
    %get3A_0 = arith.constant 0 : index
    %get3A_1 = vector.load %arg2[%get3A, %get3A_0] : memref<2x600xf32, #tpu.memory_space<vmem>>, vector<2x600xf32>
    %slice3A = vector.extract_strided_slice %get3A_1 {offsets = [0, 0], sizes = [1, 600], strides = [1, 1]} : vector<2x600xf32> to vector<1x600xf32>
    %div3A = arith.constant 1.000000e+04 : f32
    %div3A_2 = vector.broadcast %div3A : f32 to vector<1x600xf32>
    %div3A_3 = arith.divf %slice3A, %div3A_2 : vector<1x600xf32>
    %get3A_4 = arith.constant 0 : index
    %get3A_5 = arith.constant 0 : index
    %get3A_6 = vector.load %arg1[%get3A_4, %get3A_5] : memref<1000x600xf32, #tpu.memory_space<vmem>>, vector<1000x600xf32>
    %sub3A = vector.broadcast %div3A_3 : vector<1x600xf32> to vector<1000x600xf32>
    %sub3A_7 = arith.subf %get3A_6, %sub3A : vector<1000x600xf32>
    %eq3A = arith.constant 0 : i32
    %eq3A_8 = arith.cmpi eq, %arg0, %eq3A : i32
    %convert_element_type3A = arith.extui %eq3A_8 : i1 to i32
    %cond3A = arith.constant 0 : i32
    %cond3A_9 = arith.cmpi ne, %convert_element_type3A, %cond3A : i32
    scf.if %cond3A_9 {
      %broadcast_in_dim3A_16 = arith.constant 0.000000e+00 : f32
      %broadcast_in_dim3A_17 = vector.broadcast %broadcast_in_dim3A_16 : f32 to vector<1x600xf32>
      %swap3A_18 = arith.constant 0 : index
      %swap3A_19 = arith.constant 0 : index
      %swap3A_20 = vector.load %arg3[%swap3A_18, %swap3A_19] : memref<1x600xf32, #tpu.memory_space<vmem>>, vector<1x600xf32>
      tpu.vector_store %arg3[%swap3A_18, %swap3A_19], %broadcast_in_dim3A_17 {strides = array<i32>} : memref<1x600xf32, #tpu.memory_space<vmem>>, vector<1x600xf32>,
    } else {
    }
    %get3A_10 = arith.constant 0 : index
    %get3A_11 = arith.constant 0 : index
    %get3A_12 = vector.load %arg3[%get3A_10, %get3A_11] : memref<1x600xf32, #tpu.memory_space<vmem>>, vector<1x600xf32>
    %mul3A = arith.mulf %sub3A_7, %sub3A_7 : vector<1000x600xf32>
    %reduce_sum3A = arith.constant dense<0.000000e+00> : vector<600xf32>
    %reduce_sum3A_13 = vector.multi_reduction <add>, %mul3A, %reduce_sum3A [0] : vector<1000x600xf32> to vector<600xf32>
    %broadcast_in_dim3A = vector.shape_cast %reduce_sum3A_13 : vector<600xf32> to vector<1x600xf32>
    %add3A = arith.addf %get3A_12, %broadcast_in_dim3A : vector<1x600xf32>
    %swap3A = arith.constant 0 : index
    %swap3A_14 = arith.constant 0 : index
    %swap3A_15 = vector.load %arg3[%swap3A, %swap3A_14] : memref<1x600xf32, #tpu.memory_space<vmem>>, vector<1x600xf32>
    tpu.vector_store %arg3[%swap3A, %swap3A_14], %add3A {strides = array<i32>} : memref<1x600xf32, #tpu.memory_space<vmem>>, vector<1x600xf32>,
    return
  }
  func.func @transform_0(%arg0: i32) -> (i32, i32) {
    %c0_i32 = arith.constant 0 : i32
    %c0_i32_0 = arith.constant 0 : i32
    return %arg0, %c0_i32 : i32, i32
  }
  func.func @transform_1(%arg0: i32) -> (i32, i32) {
    %c0_i32 = arith.constant 0 : i32
    %c0_i32_0 = arith.constant 0 : i32
    %c0_i32_1 = arith.constant 0 : i32
    return %c0_i32, %c0_i32_0 : i32, i32
  }
  func.func @transform_2(%arg0: i32) -> (i32, i32) {
    %c0_i32 = arith.constant 0 : i32
    %c0_i32_0 = arith.constant 0 : i32
    %c0_i32_1 = arith.constant 0 : i32
    return %c0_i32, %c0_i32_0 : i32, i32
  }
}

module attributes {stable_mosaic.version = 14 : i64} {
  func.func @_lin2_body(%arg0: i32, %arg1: memref<1000x600xf32, #tpu.memory_space<vmem>>, %arg2: memref<2x600xf32, #tpu.memory_space<vmem>>, %arg3: memref<1x600xf32, #tpu.memory_space<vmem>>, %arg4: memref<1x600xf32, #tpu.memory_space<vmem>>, %arg5: memref<1x600xf32, #tpu.memory_space<vmem>>, %arg6: memref<600x320xf32, #tpu.memory_space<vmem>>, %arg7: memref<1x320xf32, #tpu.memory_space<vmem>>, %arg8: memref<1000x320xf32, #tpu.memory_space<vmem>>, %arg9: memref<2x320xf32, #tpu.memory_space<vmem>>) attributes {dimension_semantics = [#tpu.dimension_semantics<arbitrary>], iteration_bounds = array<i64: 10>, scalar_prefetch = 0 : i64, scratch_operands = 0 : i64, tpu.core_type = #tpu.core_type<tc>, window_params = [{transform_indices = @transform_0, window_bounds = array<i64: 1000, 600>}, {pipeline_mode = #tpu.pipeline_mode<synchronous>, transform_indices = @transform_1, window_bounds = array<i64: 2, 600>}, {pipeline_mode = #tpu.pipeline_mode<synchronous>, transform_indices = @transform_2, window_bounds = array<i64: 1, 600>}, {pipeline_mode = #tpu.pipeline_mode<synchronous>, transform_indices = @transform_3, window_bounds = array<i64: 1, 600>}, {pipeline_mode = #tpu.pipeline_mode<synchronous>, transform_indices = @transform_4, window_bounds = array<i64: 1, 600>}, {pipeline_mode = #tpu.pipeline_mode<synchronous>, transform_indices = @transform_5, window_bounds = array<i64: 600, 320>}, {pipeline_mode = #tpu.pipeline_mode<synchronous>, transform_indices = @transform_6, window_bounds = array<i64: 1, 320>}, {transform_indices = @transform_7, window_bounds = array<i64: 1000, 320>}, {pipeline_mode = #tpu.pipeline_mode<synchronous>, transform_indices = @transform_8, window_bounds = array<i64: 2, 320>}]} {
    %get3A = arith.constant 0 : index
    %get3A_0 = arith.constant 0 : index
    %get3A_1 = vector.load %arg2[%get3A, %get3A_0] : memref<2x600xf32, #tpu.memory_space<vmem>>, vector<2x600xf32>
    %slice3A = vector.extract_strided_slice %get3A_1 {offsets = [0, 0], sizes = [1, 600], strides = [1, 1]} : vector<2x600xf32> to vector<1x600xf32>
    %div3A = arith.constant 1.000000e+04 : f32
    %div3A_2 = vector.broadcast %div3A : f32 to vector<1x600xf32>
    %div3A_3 = arith.divf %slice3A, %div3A_2 : vector<1x600xf32>
    %get3A_4 = arith.constant 0 : index
    %get3A_5 = arith.constant 0 : index
    %get3A_6 = vector.load %arg3[%get3A_4, %get3A_5] : memref<1x600xf32, #tpu.memory_space<vmem>>, vector<1x600xf32>
    %div3A_7 = arith.constant 1.000000e+04 : f32
    %div3A_8 = vector.broadcast %div3A_7 : f32 to vector<1x600xf32>
    %div3A_9 = arith.divf %get3A_6, %div3A_8 : vector<1x600xf32>
    %get3A_10 = arith.constant 0 : index
    %get3A_11 = arith.constant 0 : index
    %get3A_12 = vector.load %arg1[%get3A_10, %get3A_11] : memref<1000x600xf32, #tpu.memory_space<vmem>>, vector<1000x600xf32>
    %sub3A = vector.broadcast %div3A_3 : vector<1x600xf32> to vector<1000x600xf32>
    %sub3A_13 = arith.subf %get3A_12, %sub3A : vector<1000x600xf32>
    %add3A = arith.constant 9.99999974E-6 : f32
    %add3A_14 = vector.broadcast %add3A : f32 to vector<1x600xf32>
    %add3A_15 = arith.addf %div3A_9, %add3A_14 : vector<1x600xf32>
    %rsqrt3A = math.rsqrt %add3A_15 : vector<1x600xf32>
    %mul3A = vector.broadcast %rsqrt3A : vector<1x600xf32> to vector<1000x600xf32>
    %mul3A_16 = arith.mulf %sub3A_13, %mul3A : vector<1000x600xf32>
    %get3A_17 = arith.constant 0 : index
    %get3A_18 = arith.constant 0 : index
    %get3A_19 = vector.load %arg4[%get3A_17, %get3A_18] : memref<1x600xf32, #tpu.memory_space<vmem>>, vector<1x600xf32>
    %mul3A_20 = vector.broadcast %get3A_19 : vector<1x600xf32> to vector<1000x600xf32>
    %mul3A_21 = arith.mulf %mul3A_16, %mul3A_20 : vector<1000x600xf32>
    %get3A_22 = arith.constant 0 : index
    %get3A_23 = arith.constant 0 : index
    %get3A_24 = vector.load %arg5[%get3A_22, %get3A_23] : memref<1x600xf32, #tpu.memory_space<vmem>>, vector<1x600xf32>
    %add3A_25 = vector.broadcast %get3A_24 : vector<1x600xf32> to vector<1000x600xf32>
    %add3A_26 = arith.addf %mul3A_21, %add3A_25 : vector<1000x600xf32>
    %max3A = arith.constant 0.000000e+00 : f32
    %max3A_27 = vector.broadcast %max3A : f32 to vector<1000x600xf32>
    %max3A_28 = arith.maximumf %add3A_26, %max3A_27 : vector<1000x600xf32>
    %get3A_29 = arith.constant 0 : index
    %get3A_30 = arith.constant 0 : index
    %get3A_31 = vector.load %arg6[%get3A_29, %get3A_30] : memref<600x320xf32, #tpu.memory_space<vmem>>, vector<600x320xf32>
    %dot_general3A = arith.constant dense<0.000000e+00> : vector<1000x320xf32>
    %dot_general3A_32 = tpu.matmul %max3A_28, %get3A_31, %dot_general3A {dimension_numbers = #tpu.dot_dimension_numbers<[1], [0], [0], [1], [0, 0, 1, 1], [], []>, transpose_lhs_hint = false} : vector<1000x600xf32>, vector<600x320xf32>, vector<1000x320xf32> -> vector<1000x320xf32>
    %get3A_33 = arith.constant 0 : index
    %get3A_34 = arith.constant 0 : index
    %get3A_35 = vector.load %arg7[%get3A_33, %get3A_34] : memref<1x320xf32, #tpu.memory_space<vmem>>, vector<1x320xf32>
    %add3A_36 = vector.broadcast %get3A_35 : vector<1x320xf32> to vector<1000x320xf32>
    %add3A_37 = arith.addf %dot_general3A_32, %add3A_36 : vector<1000x320xf32>
    %swap3A = arith.constant 0 : index
    %swap3A_38 = arith.constant 0 : index
    %swap3A_39 = vector.load %arg8[%swap3A, %swap3A_38] : memref<1000x320xf32, #tpu.memory_space<vmem>>, vector<1000x320xf32>
    tpu.vector_store %arg8[%swap3A, %swap3A_38], %add3A_37 {strides = array<i32>} : memref<1000x320xf32, #tpu.memory_space<vmem>>, vector<1000x320xf32>,
    %eq3A = arith.constant 0 : i32
    %eq3A_40 = arith.cmpi eq, %arg0, %eq3A : i32
    %convert_element_type3A = arith.extui %eq3A_40 : i1 to i32
    %cond3A = arith.constant 0 : i32
    %cond3A_41 = arith.cmpi ne, %convert_element_type3A, %cond3A : i32
    scf.if %cond3A_41 {
      %broadcast_in_dim3A = arith.constant 0.000000e+00 : f32
      %broadcast_in_dim3A_55 = vector.broadcast %broadcast_in_dim3A : f32 to vector<2x320xf32>
      %swap3A_56 = arith.constant 0 : index
      %swap3A_57 = arith.constant 0 : index
      %swap3A_58 = vector.load %arg9[%swap3A_56, %swap3A_57] : memref<2x320xf32, #tpu.memory_space<vmem>>, vector<2x320xf32>
      tpu.vector_store %arg9[%swap3A_56, %swap3A_57], %broadcast_in_dim3A_55 {strides = array<i32>} : memref<2x320xf32, #tpu.memory_space<vmem>>, vector<2x320xf32>,
    } else {
    }
    %get3A_42 = arith.constant 0 : index
    %get3A_43 = arith.constant 0 : index
    %get3A_44 = vector.load %arg9[%get3A_42, %get3A_43] : memref<2x320xf32, #tpu.memory_space<vmem>>, vector<2x320xf32>
    %reduce_sum3A = arith.constant dense<0.000000e+00> : vector<320xf32>
    %reduce_sum3A_45 = vector.multi_reduction <add>, %add3A_37, %reduce_sum3A [0] : vector<1000x320xf32> to vector<320xf32>
    %mul3A_46 = arith.mulf %add3A_37, %add3A_37 : vector<1000x320xf32>
    %reduce_sum3A_47 = arith.constant dense<0.000000e+00> : vector<320xf32>
    %reduce_sum3A_48 = vector.multi_reduction <add>, %mul3A_46, %reduce_sum3A_47 [0] : vector<1000x320xf32> to vector<320xf32>
    %stack3A = vector.shape_cast %reduce_sum3A_45 : vector<320xf32> to vector<1x320xf32>
    %stack3A_49 = vector.shape_cast %reduce_sum3A_48 : vector<320xf32> to vector<1x320xf32>
    %stack3A_50 = tpu.concatenate %stack3A, %stack3A_49 in 0 : vector<1x320xf32>, vector<1x320xf32> -> vector<2x320xf32>
    %add3A_51 = arith.addf %get3A_44, %stack3A_50 : vector<2x320xf32>
    %swap3A_52 = arith.constant 0 : index
    %swap3A_53 = arith.constant 0 : index
    %swap3A_54 = vector.load %arg9[%swap3A_52, %swap3A_53] : memref<2x320xf32, #tpu.memory_space<vmem>>, vector<2x320xf32>
    tpu.vector_store %arg9[%swap3A_52, %swap3A_53], %add3A_51 {strides = array<i32>} : memref<2x320xf32, #tpu.memory_space<vmem>>, vector<2x320xf32>,
    return
  }
  func.func @transform_0(%arg0: i32) -> (i32, i32) {
    %c0_i32 = arith.constant 0 : i32
    %c0_i32_0 = arith.constant 0 : i32
    return %arg0, %c0_i32 : i32, i32
  }
  func.func @transform_1(%arg0: i32) -> (i32, i32) {
    %c0_i32 = arith.constant 0 : i32
    %c0_i32_0 = arith.constant 0 : i32
    %c0_i32_1 = arith.constant 0 : i32
    return %c0_i32, %c0_i32_0 : i32, i32
  }
  func.func @transform_2(%arg0: i32) -> (i32, i32) {
    %c0_i32 = arith.constant 0 : i32
    %c0_i32_0 = arith.constant 0 : i32
    %c0_i32_1 = arith.constant 0 : i32
    return %c0_i32, %c0_i32_0 : i32, i32
  }
  func.func @transform_3(%arg0: i32) -> (i32, i32) {
    %c0_i32 = arith.constant 0 : i32
    %c0_i32_0 = arith.constant 0 : i32
    %c0_i32_1 = arith.constant 0 : i32
    return %c0_i32, %c0_i32_0 : i32, i32
  }
  func.func @transform_4(%arg0: i32) -> (i32, i32) {
    %c0_i32 = arith.constant 0 : i32
    %c0_i32_0 = arith.constant 0 : i32
    %c0_i32_1 = arith.constant 0 : i32
    return %c0_i32, %c0_i32_0 : i32, i32
  }
  func.func @transform_5(%arg0: i32) -> (i32, i32) {
    %c0_i32 = arith.constant 0 : i32
    %c0_i32_0 = arith.constant 0 : i32
    %c0_i32_1 = arith.constant 0 : i32
    return %c0_i32, %c0_i32_0 : i32, i32
  }
  func.func @transform_6(%arg0: i32) -> (i32, i32) {
    %c0_i32 = arith.constant 0 : i32
    %c0_i32_0 = arith.constant 0 : i32
    %c0_i32_1 = arith.constant 0 : i32
    return %c0_i32, %c0_i32_0 : i32, i32
  }
  func.func @transform_7(%arg0: i32) -> (i32, i32) {
    %c0_i32 = arith.constant 0 : i32
    %c0_i32_0 = arith.constant 0 : i32
    return %arg0, %c0_i32 : i32, i32
  }
  func.func @transform_8(%arg0: i32) -> (i32, i32) {
    %c0_i32 = arith.constant 0 : i32
    %c0_i32_0 = arith.constant 0 : i32
    %c0_i32_1 = arith.constant 0 : i32
    return %c0_i32, %c0_i32_0 : i32, i32
  }
}

module attributes {stable_mosaic.version = 14 : i64} {
  func.func @_var_body(%arg0: i32, %arg1: memref<1000x320xf32, #tpu.memory_space<vmem>>, %arg2: memref<2x320xf32, #tpu.memory_space<vmem>>, %arg3: memref<1x320xf32, #tpu.memory_space<vmem>>) attributes {dimension_semantics = [#tpu.dimension_semantics<arbitrary>], iteration_bounds = array<i64: 10>, scalar_prefetch = 0 : i64, scratch_operands = 0 : i64, tpu.core_type = #tpu.core_type<tc>, window_params = [{transform_indices = @transform_0, window_bounds = array<i64: 1000, 320>}, {pipeline_mode = #tpu.pipeline_mode<synchronous>, transform_indices = @transform_1, window_bounds = array<i64: 2, 320>}, {pipeline_mode = #tpu.pipeline_mode<synchronous>, transform_indices = @transform_2, window_bounds = array<i64: 1, 320>}]} {
    %get3A = arith.constant 0 : index
    %get3A_0 = arith.constant 0 : index
    %get3A_1 = vector.load %arg2[%get3A, %get3A_0] : memref<2x320xf32, #tpu.memory_space<vmem>>, vector<2x320xf32>
    %slice3A = vector.extract_strided_slice %get3A_1 {offsets = [0, 0], sizes = [1, 320], strides = [1, 1]} : vector<2x320xf32> to vector<1x320xf32>
    %div3A = arith.constant 1.000000e+04 : f32
    %div3A_2 = vector.broadcast %div3A : f32 to vector<1x320xf32>
    %div3A_3 = arith.divf %slice3A, %div3A_2 : vector<1x320xf32>
    %get3A_4 = arith.constant 0 : index
    %get3A_5 = arith.constant 0 : index
    %get3A_6 = vector.load %arg1[%get3A_4, %get3A_5] : memref<1000x320xf32, #tpu.memory_space<vmem>>, vector<1000x320xf32>
    %sub3A = vector.broadcast %div3A_3 : vector<1x320xf32> to vector<1000x320xf32>
    %sub3A_7 = arith.subf %get3A_6, %sub3A : vector<1000x320xf32>
    %eq3A = arith.constant 0 : i32
    %eq3A_8 = arith.cmpi eq, %arg0, %eq3A : i32
    %convert_element_type3A = arith.extui %eq3A_8 : i1 to i32
    %cond3A = arith.constant 0 : i32
    %cond3A_9 = arith.cmpi ne, %convert_element_type3A, %cond3A : i32
    scf.if %cond3A_9 {
      %broadcast_in_dim3A_16 = arith.constant 0.000000e+00 : f32
      %broadcast_in_dim3A_17 = vector.broadcast %broadcast_in_dim3A_16 : f32 to vector<1x320xf32>
      %swap3A_18 = arith.constant 0 : index
      %swap3A_19 = arith.constant 0 : index
      %swap3A_20 = vector.load %arg3[%swap3A_18, %swap3A_19] : memref<1x320xf32, #tpu.memory_space<vmem>>, vector<1x320xf32>
      tpu.vector_store %arg3[%swap3A_18, %swap3A_19], %broadcast_in_dim3A_17 {strides = array<i32>} : memref<1x320xf32, #tpu.memory_space<vmem>>, vector<1x320xf32>,
    } else {
    }
    %get3A_10 = arith.constant 0 : index
    %get3A_11 = arith.constant 0 : index
    %get3A_12 = vector.load %arg3[%get3A_10, %get3A_11] : memref<1x320xf32, #tpu.memory_space<vmem>>, vector<1x320xf32>
    %mul3A = arith.mulf %sub3A_7, %sub3A_7 : vector<1000x320xf32>
    %reduce_sum3A = arith.constant dense<0.000000e+00> : vector<320xf32>
    %reduce_sum3A_13 = vector.multi_reduction <add>, %mul3A, %reduce_sum3A [0] : vector<1000x320xf32> to vector<320xf32>
    %broadcast_in_dim3A = vector.shape_cast %reduce_sum3A_13 : vector<320xf32> to vector<1x320xf32>
    %add3A = arith.addf %get3A_12, %broadcast_in_dim3A : vector<1x320xf32>
    %swap3A = arith.constant 0 : index
    %swap3A_14 = arith.constant 0 : index
    %swap3A_15 = vector.load %arg3[%swap3A, %swap3A_14] : memref<1x320xf32, #tpu.memory_space<vmem>>, vector<1x320xf32>
    tpu.vector_store %arg3[%swap3A, %swap3A_14], %add3A {strides = array<i32>} : memref<1x320xf32, #tpu.memory_space<vmem>>, vector<1x320xf32>,
    return
  }
  func.func @transform_0(%arg0: i32) -> (i32, i32) {
    %c0_i32 = arith.constant 0 : i32
    %c0_i32_0 = arith.constant 0 : i32
    return %arg0, %c0_i32 : i32, i32
  }
  func.func @transform_1(%arg0: i32) -> (i32, i32) {
    %c0_i32 = arith.constant 0 : i32
    %c0_i32_0 = arith.constant 0 : i32
    %c0_i32_1 = arith.constant 0 : i32
    return %c0_i32, %c0_i32_0 : i32, i32
  }
  func.func @transform_2(%arg0: i32) -> (i32, i32) {
    %c0_i32 = arith.constant 0 : i32
    %c0_i32_0 = arith.constant 0 : i32
    %c0_i32_1 = arith.constant 0 : i32
    return %c0_i32, %c0_i32_0 : i32, i32
  }
}

module attributes {stable_mosaic.version = 14 : i64} {
  func.func @_post_body(%arg0: i32, %arg1: memref<1000x320xf32, #tpu.memory_space<vmem>>, %arg2: memref<2x320xf32, #tpu.memory_space<vmem>>, %arg3: memref<1x320xf32, #tpu.memory_space<vmem>>, %arg4: memref<1x320xf32, #tpu.memory_space<vmem>>, %arg5: memref<1x320xf32, #tpu.memory_space<vmem>>, %arg6: memref<1x1x1000xi32, #tpu.memory_space<vmem>>, %arg7: memref<1x1xf32, #tpu.memory_space<vmem>>, %arg8: memref<1000x320xf32, #tpu.memory_space<vmem>>, %arg9: memref<64x320xf32, #tpu.memory_space<vmem>>) attributes {dimension_semantics = [#tpu.dimension_semantics<arbitrary>], iteration_bounds = array<i64: 10>, scalar_prefetch = 0 : i64, scratch_operands = 0 : i64, tpu.core_type = #tpu.core_type<tc>, window_params = [{transform_indices = @transform_0, window_bounds = array<i64: 1000, 320>}, {pipeline_mode = #tpu.pipeline_mode<synchronous>, transform_indices = @transform_1, window_bounds = array<i64: 2, 320>}, {pipeline_mode = #tpu.pipeline_mode<synchronous>, transform_indices = @transform_2, window_bounds = array<i64: 1, 320>}, {pipeline_mode = #tpu.pipeline_mode<synchronous>, transform_indices = @transform_3, window_bounds = array<i64: 1, 320>}, {pipeline_mode = #tpu.pipeline_mode<synchronous>, transform_indices = @transform_4, window_bounds = array<i64: 1, 320>}, {transform_indices = @transform_5, window_bounds = array<i64: 1, 1, 1000>}, {pipeline_mode = #tpu.pipeline_mode<synchronous>, transform_indices = @transform_6, window_bounds = array<i64: 1, 1>}, {transform_indices = @transform_7, window_bounds = array<i64: 1000, 320>}, {pipeline_mode = #tpu.pipeline_mode<synchronous>, transform_indices = @transform_8, window_bounds = array<i64: 64, 320>}]} {
    %get3A = arith.constant 0 : index
    %get3A_0 = arith.constant 0 : index
    %get3A_1 = vector.load %arg2[%get3A, %get3A_0] : memref<2x320xf32, #tpu.memory_space<vmem>>, vector<2x320xf32>
    %slice3A = vector.extract_strided_slice %get3A_1 {offsets = [0, 0], sizes = [1, 320], strides = [1, 1]} : vector<2x320xf32> to vector<1x320xf32>
    %div3A = arith.constant 1.000000e+04 : f32
    %div3A_2 = vector.broadcast %div3A : f32 to vector<1x320xf32>
    %div3A_3 = arith.divf %slice3A, %div3A_2 : vector<1x320xf32>
    %get3A_4 = arith.constant 0 : index
    %get3A_5 = arith.constant 0 : index
    %get3A_6 = vector.load %arg3[%get3A_4, %get3A_5] : memref<1x320xf32, #tpu.memory_space<vmem>>, vector<1x320xf32>
    %div3A_7 = arith.constant 1.000000e+04 : f32
    %div3A_8 = vector.broadcast %div3A_7 : f32 to vector<1x320xf32>
    %div3A_9 = arith.divf %get3A_6, %div3A_8 : vector<1x320xf32>
    %get3A_10 = arith.constant 0 : index
    %get3A_11 = arith.constant 0 : index
    %get3A_12 = vector.load %arg1[%get3A_10, %get3A_11] : memref<1000x320xf32, #tpu.memory_space<vmem>>, vector<1000x320xf32>
    %sub3A = vector.broadcast %div3A_3 : vector<1x320xf32> to vector<1000x320xf32>
    %sub3A_13 = arith.subf %get3A_12, %sub3A : vector<1000x320xf32>
    %add3A = arith.constant 9.99999974E-6 : f32
    %add3A_14 = vector.broadcast %add3A : f32 to vector<1x320xf32>
    %add3A_15 = arith.addf %div3A_9, %add3A_14 : vector<1x320xf32>
    %rsqrt3A = math.rsqrt %add3A_15 : vector<1x320xf32>
    %mul3A = vector.broadcast %rsqrt3A : vector<1x320xf32> to vector<1000x320xf32>
    %mul3A_16 = arith.mulf %sub3A_13, %mul3A : vector<1000x320xf32>
    %get3A_17 = arith.constant 0 : index
    %get3A_18 = arith.constant 0 : index
    %get3A_19 = vector.load %arg4[%get3A_17, %get3A_18] : memref<1x320xf32, #tpu.memory_space<vmem>>, vector<1x320xf32>
    %mul3A_20 = vector.broadcast %get3A_19 : vector<1x320xf32> to vector<1000x320xf32>
    %mul3A_21 = arith.mulf %mul3A_16, %mul3A_20 : vector<1000x320xf32>
    %get3A_22 = arith.constant 0 : index
    %get3A_23 = arith.constant 0 : index
    %get3A_24 = vector.load %arg5[%get3A_22, %get3A_23] : memref<1x320xf32, #tpu.memory_space<vmem>>, vector<1x320xf32>
    %add3A_25 = vector.broadcast %get3A_24 : vector<1x320xf32> to vector<1000x320xf32>
    %add3A_26 = arith.addf %mul3A_21, %add3A_25 : vector<1000x320xf32>
    %get3A_27 = arith.constant 0 : index
    %get3A_28 = arith.constant 0 : index
    %get3A_29 = vector.load %arg7[%get3A_27, %get3A_28] : memref<1x1xf32, #tpu.memory_space<vmem>>, vector<1x1xf32>
    %gt3A = arith.constant 0.000000e+00 : f32
    %gt3A_30 = vector.broadcast %gt3A : f32 to vector<1x1xf32>
    %gt3A_31 = arith.cmpf ogt, %get3A_29, %gt3A_30 : vector<1x1xf32>
    %max3A = arith.constant 0.000000e+00 : f32
    %max3A_32 = vector.broadcast %max3A : f32 to vector<1000x320xf32>
    %max3A_33 = arith.maximumf %add3A_26, %max3A_32 : vector<1000x320xf32>
    %broadcast_in_dim3A = vector.shape_cast %gt3A_31 : vector<1x1xi1> to vector<1x1xi1>
    %broadcast_in_dim3A_34 = vector.broadcast %broadcast_in_dim3A : vector<1x1xi1> to vector<1000x320xi1>
    %select_n3A = arith.select %broadcast_in_dim3A_34, %max3A_33, %add3A_26 : vector<1000x320xi1>, vector<1000x320xf32>
    %swap3A = arith.constant 0 : index
    %swap3A_35 = arith.constant 0 : index
    %swap3A_36 = vector.load %arg8[%swap3A, %swap3A_35] : memref<1000x320xf32, #tpu.memory_space<vmem>>, vector<1000x320xf32>
    tpu.vector_store %arg8[%swap3A, %swap3A_35], %select_n3A {strides = array<i32>} : memref<1000x320xf32, #tpu.memory_space<vmem>>, vector<1000x320xf32>,
    %get3A_37 = arith.constant 0 : index
    %get3A_38 = arith.constant 0 : index
    %get3A_39 = arith.constant 0 : index
    %get3A_40 = vector.load %arg6[%get3A_37, %get3A_38, %get3A_39] : memref<1x1x1000xi32, #tpu.memory_space<vmem>>, vector<1x1x1000xi32>
    %reshape3A = vector.shape_cast %get3A_40 : vector<1x1x1000xi32> to vector<1x1000xi32>
    %iota3A = tpu.iota {dimensions = array<i32: 0>} : vector<64x1000xi32>
    %eq3A = vector.broadcast %reshape3A : vector<1x1000xi32> to vector<64x1000xi32>
    %eq3A_41 = arith.cmpi eq, %iota3A, %eq3A : vector<64x1000xi32>
    %convert_element_type3A = arith.extui %eq3A_41 : vector<64x1000xi1> to vector<64x1000xi32>
    %convert_element_type3A_42 = arith.sitofp %convert_element_type3A : vector<64x1000xi32> to vector<64x1000xf32>
    %dot_general3A = arith.constant dense<0.000000e+00> : vector<64x320xf32>
    %dot_general3A_43 = tpu.matmul %convert_element_type3A_42, %select_n3A, %dot_general3A {dimension_numbers = #tpu.dot_dimension_numbers<[1], [0], [0], [1], [0, 0, 1, 1], [], []>, precision = #tpu.contract_precision<fp32>, transpose_lhs_hint = false} : vector<64x1000xf32>, vector<1000x320xf32>, vector<64x320xf32> -> vector<64x320xf32>
    %eq3A_44 = arith.constant 0 : i32
    %eq3A_45 = arith.cmpi eq, %arg0, %eq3A_44 : i32
    %convert_element_type3A_46 = arith.extui %eq3A_45 : i1 to i32
    %cond3A = arith.constant 0 : i32
    %cond3A_47 = arith.cmpi ne, %convert_element_type3A_46, %cond3A : i32
    scf.if %cond3A_47 {
      %broadcast_in_dim3A_55 = arith.constant 0.000000e+00 : f32
      %broadcast_in_dim3A_56 = vector.broadcast %broadcast_in_dim3A_55 : f32 to vector<64x320xf32>
      %swap3A_57 = arith.constant 0 : index
      %swap3A_58 = arith.constant 0 : index
      %swap3A_59 = vector.load %arg9[%swap3A_57, %swap3A_58] : memref<64x320xf32, #tpu.memory_space<vmem>>, vector<64x320xf32>
      tpu.vector_store %arg9[%swap3A_57, %swap3A_58], %broadcast_in_dim3A_56 {strides = array<i32>} : memref<64x320xf32, #tpu.memory_space<vmem>>, vector<64x320xf32>,
    } else {
    }
    %get3A_48 = arith.constant 0 : index
    %get3A_49 = arith.constant 0 : index
    %get3A_50 = vector.load %arg9[%get3A_48, %get3A_49] : memref<64x320xf32, #tpu.memory_space<vmem>>, vector<64x320xf32>
    %add3A_51 = arith.addf %get3A_50, %dot_general3A_43 : vector<64x320xf32>
    %swap3A_52 = arith.constant 0 : index
    %swap3A_53 = arith.constant 0 : index
    %swap3A_54 = vector.load %arg9[%swap3A_52, %swap3A_53] : memref<64x320xf32, #tpu.memory_space<vmem>>, vector<64x320xf32>
    tpu.vector_store %arg9[%swap3A_52, %swap3A_53], %add3A_51 {strides = array<i32>} : memref<64x320xf32, #tpu.memory_space<vmem>>, vector<64x320xf32>,
    return
  }
  func.func @transform_0(%arg0: i32) -> (i32, i32) {
    %c0_i32 = arith.constant 0 : i32
    %c0_i32_0 = arith.constant 0 : i32
    return %arg0, %c0_i32 : i32, i32
  }
  func.func @transform_1(%arg0: i32) -> (i32, i32) {
    %c0_i32 = arith.constant 0 : i32
    %c0_i32_0 = arith.constant 0 : i32
    %c0_i32_1 = arith.constant 0 : i32
    return %c0_i32, %c0_i32_0 : i32, i32
  }
  func.func @transform_2(%arg0: i32) -> (i32, i32) {
    %c0_i32 = arith.constant 0 : i32
    %c0_i32_0 = arith.constant 0 : i32
    %c0_i32_1 = arith.constant 0 : i32
    return %c0_i32, %c0_i32_0 : i32, i32
  }
  func.func @transform_3(%arg0: i32) -> (i32, i32) {
    %c0_i32 = arith.constant 0 : i32
    %c0_i32_0 = arith.constant 0 : i32
    %c0_i32_1 = arith.constant 0 : i32
    return %c0_i32, %c0_i32_0 : i32, i32
  }
  func.func @transform_4(%arg0: i32) -> (i32, i32) {
    %c0_i32 = arith.constant 0 : i32
    %c0_i32_0 = arith.constant 0 : i32
    %c0_i32_1 = arith.constant 0 : i32
    return %c0_i32, %c0_i32_0 : i32, i32
  }
  func.func @transform_5(%arg0: i32) -> (i32, i32, i32) {
    %c0_i32 = arith.constant 0 : i32
    %c0_i32_0 = arith.constant 0 : i32
    %c0_i32_1 = arith.constant 0 : i32
    return %arg0, %c0_i32, %c0_i32_0 : i32, i32, i32
  }
  func.func @transform_6(%arg0: i32) -> (i32, i32) {
    %c0_i32 = arith.constant 0 : i32
    %c0_i32_0 = arith.constant 0 : i32
    %c0_i32_1 = arith.constant 0 : i32
    return %c0_i32, %c0_i32_0 : i32, i32
  }
  func.func @transform_7(%arg0: i32) -> (i32, i32) {
    %c0_i32 = arith.constant 0 : i32
    %c0_i32_0 = arith.constant 0 : i32
    return %arg0, %c0_i32 : i32, i32
  }
  func.func @transform_8(%arg0: i32) -> (i32, i32) {
    %c0_i32 = arith.constant 0 : i32
    %c0_i32_0 = arith.constant 0 : i32
    %c0_i32_1 = arith.constant 0 : i32
    return %c0_i32, %c0_i32_0 : i32, i32
  }
}

module attributes {stable_mosaic.version = 14 : i64} {
  func.func @_vmlp_body(%arg0: memref<64x320xf32, #tpu.memory_space<vmem>>, %arg1: memref<64x320xf32, #tpu.memory_space<vmem>>, %arg2: memref<64x320xf32, #tpu.memory_space<vmem>>, %arg3: memref<1x1xf32, #tpu.memory_space<vmem>>, %arg4: memref<1x1xf32, #tpu.memory_space<vmem>>, %arg5: memref<320x600xf32, #tpu.memory_space<vmem>>, %arg6: memref<1x600xf32, #tpu.memory_space<vmem>>, %arg7: memref<1x600xf32, #tpu.memory_space<vmem>>, %arg8: memref<1x600xf32, #tpu.memory_space<vmem>>, %arg9: memref<600x320xf32, #tpu.memory_space<vmem>>, %arg10: memref<1x320xf32, #tpu.memory_space<vmem>>, %arg11: memref<1x320xf32, #tpu.memory_space<vmem>>, %arg12: memref<1x320xf32, #tpu.memory_space<vmem>>, %arg13: memref<64x320xf32, #tpu.memory_space<vmem>>) attributes {dimension_semantics = [], scalar_prefetch = 0 : i64, scratch_operands = 0 : i64, tpu.core_type = #tpu.core_type<tc>} {
    %get3A = arith.constant 0 : index
    %get3A_0 = arith.constant 0 : index
    %get3A_1 = vector.load %arg0[%get3A, %get3A_0] : memref<64x320xf32, #tpu.memory_space<vmem>>, vector<64x320xf32>
    %get3A_2 = arith.constant 0 : index
    %get3A_3 = arith.constant 0 : index
    %get3A_4 = vector.load %arg1[%get3A_2, %get3A_3] : memref<64x320xf32, #tpu.memory_space<vmem>>, vector<64x320xf32>
    %add3A = arith.addf %get3A_1, %get3A_4 : vector<64x320xf32>
    %get3A_5 = arith.constant 0 : index
    %get3A_6 = arith.constant 0 : index
    %get3A_7 = vector.load %arg5[%get3A_5, %get3A_6] : memref<320x600xf32, #tpu.memory_space<vmem>>, vector<320x600xf32>
    %dot_general3A = arith.constant dense<0.000000e+00> : vector<64x600xf32>
    %dot_general3A_8 = tpu.matmul %add3A, %get3A_7, %dot_general3A {dimension_numbers = #tpu.dot_dimension_numbers<[1], [0], [0], [1], [0, 0, 1, 1], [], []>, transpose_lhs_hint = false} : vector<64x320xf32>, vector<320x600xf32>, vector<64x600xf32> -> vector<64x600xf32>
    %get3A_9 = arith.constant 0 : index
    %get3A_10 = arith.constant 0 : index
    %get3A_11 = vector.load %arg6[%get3A_9, %get3A_10] : memref<1x600xf32, #tpu.memory_space<vmem>>, vector<1x600xf32>
    %add3A_12 = vector.broadcast %get3A_11 : vector<1x600xf32> to vector<64x600xf32>
    %add3A_13 = arith.addf %dot_general3A_8, %add3A_12 : vector<64x600xf32>
    %reduce_sum3A = arith.constant dense<0.000000e+00> : vector<600xf32>
    %reduce_sum3A_14 = vector.multi_reduction <add>, %add3A_13, %reduce_sum3A [0] : vector<64x600xf32> to vector<600xf32>
    %broadcast_in_dim3A = vector.shape_cast %reduce_sum3A_14 : vector<600xf32> to vector<1x600xf32>
    %div3A = arith.constant 6.400000e+01 : f32
    %div3A_15 = vector.broadcast %div3A : f32 to vector<1x600xf32>
    %div3A_16 = arith.divf %broadcast_in_dim3A, %div3A_15 : vector<1x600xf32>
    %sub3A = vector.broadcast %div3A_16 : vector<1x600xf32> to vector<64x600xf32>
    %sub3A_17 = arith.subf %add3A_13, %sub3A : vector<64x600xf32>
    %sub3A_18 = vector.broadcast %div3A_16 : vector<1x600xf32> to vector<64x600xf32>
    %sub3A_19 = arith.subf %add3A_13, %sub3A_18 : vector<64x600xf32>
    %mul3A = arith.mulf %sub3A_17, %sub3A_19 : vector<64x600xf32>
    %reduce_sum3A_20 = arith.constant dense<0.000000e+00> : vector<600xf32>
    %reduce_sum3A_21 = vector.multi_reduction <add>, %mul3A, %reduce_sum3A_20 [0] : vector<64x600xf32> to vector<600xf32>
    %broadcast_in_dim3A_22 = vector.shape_cast %reduce_sum3A_21 : vector<600xf32> to vector<1x600xf32>
    %div3A_23 = arith.constant 6.400000e+01 : f32
    %div3A_24 = vector.broadcast %div3A_23 : f32 to vector<1x600xf32>
    %div3A_25 = arith.divf %broadcast_in_dim3A_22, %div3A_24 : vector<1x600xf32>
    %sub3A_26 = vector.broadcast %div3A_16 : vector<1x600xf32> to vector<64x600xf32>
    %sub3A_27 = arith.subf %add3A_13, %sub3A_26 : vector<64x600xf32>
    %add3A_28 = arith.constant 9.99999974E-6 : f32
    %add3A_29 = vector.broadcast %add3A_28 : f32 to vector<1x600xf32>
    %add3A_30 = arith.addf %div3A_25, %add3A_29 : vector<1x600xf32>
    %rsqrt3A = math.rsqrt %add3A_30 : vector<1x600xf32>
    %mul3A_31 = vector.broadcast %rsqrt3A : vector<1x600xf32> to vector<64x600xf32>
    %mul3A_32 = arith.mulf %sub3A_27, %mul3A_31 : vector<64x600xf32>
    %get3A_33 = arith.constant 0 : index
    %get3A_34 = arith.constant 0 : index
    %get3A_35 = vector.load %arg7[%get3A_33, %get3A_34] : memref<1x600xf32, #tpu.memory_space<vmem>>, vector<1x600xf32>
    %mul3A_36 = vector.broadcast %get3A_35 : vector<1x600xf32> to vector<64x600xf32>
    %mul3A_37 = arith.mulf %mul3A_32, %mul3A_36 : vector<64x600xf32>
    %get3A_38 = arith.constant 0 : index
    %get3A_39 = arith.constant 0 : index
    %get3A_40 = vector.load %arg8[%get3A_38, %get3A_39] : memref<1x600xf32, #tpu.memory_space<vmem>>, vector<1x600xf32>
    %add3A_41 = vector.broadcast %get3A_40 : vector<1x600xf32> to vector<64x600xf32>
    %add3A_42 = arith.addf %mul3A_37, %add3A_41 : vector<64x600xf32>
    %max3A = arith.constant 0.000000e+00 : f32
    %max3A_43 = vector.broadcast %max3A : f32 to vector<64x600xf32>
    %max3A_44 = arith.maximumf %add3A_42, %max3A_43 : vector<64x600xf32>
    %get3A_45 = arith.constant 0 : index
    %get3A_46 = arith.constant 0 : index
    %get3A_47 = vector.load %arg9[%get3A_45, %get3A_46] : memref<600x320xf32, #tpu.memory_space<vmem>>, vector<600x320xf32>
    %dot_general3A_48 = arith.constant dense<0.000000e+00> : vector<64x320xf32>
    %dot_general3A_49 = tpu.matmul %max3A_44, %get3A_47, %dot_general3A_48 {dimension_numbers = #tpu.dot_dimension_numbers<[1], [0], [0], [1], [0, 0, 1, 1], [], []>, transpose_lhs_hint = false} : vector<64x600xf32>, vector<600x320xf32>, vector<64x320xf32> -> vector<64x320xf32>
    %get3A_50 = arith.constant 0 : index
    %get3A_51 = arith.constant 0 : index
    %get3A_52 = vector.load %arg10[%get3A_50, %get3A_51] : memref<1x320xf32, #tpu.memory_space<vmem>>, vector<1x320xf32>
    %add3A_53 = vector.broadcast %get3A_52 : vector<1x320xf32> to vector<64x320xf32>
    %add3A_54 = arith.addf %dot_general3A_49, %add3A_53 : vector<64x320xf32>
    %reduce_sum3A_55 = arith.constant dense<0.000000e+00> : vector<320xf32>
    %reduce_sum3A_56 = vector.multi_reduction <add>, %add3A_54, %reduce_sum3A_55 [0] : vector<64x320xf32> to vector<320xf32>
    %broadcast_in_dim3A_57 = vector.shape_cast %reduce_sum3A_56 : vector<320xf32> to vector<1x320xf32>
    %div3A_58 = arith.constant 6.400000e+01 : f32
    %div3A_59 = vector.broadcast %div3A_58 : f32 to vector<1x320xf32>
    %div3A_60 = arith.divf %broadcast_in_dim3A_57, %div3A_59 : vector<1x320xf32>
    %sub3A_61 = vector.broadcast %div3A_60 : vector<1x320xf32> to vector<64x320xf32>
    %sub3A_62 = arith.subf %add3A_54, %sub3A_61 : vector<64x320xf32>
    %sub3A_63 = vector.broadcast %div3A_60 : vector<1x320xf32> to vector<64x320xf32>
    %sub3A_64 = arith.subf %add3A_54, %sub3A_63 : vector<64x320xf32>
    %mul3A_65 = arith.mulf %sub3A_62, %sub3A_64 : vector<64x320xf32>
    %reduce_sum3A_66 = arith.constant dense<0.000000e+00> : vector<320xf32>
    %reduce_sum3A_67 = vector.multi_reduction <add>, %mul3A_65, %reduce_sum3A_66 [0] : vector<64x320xf32> to vector<320xf32>
    %broadcast_in_dim3A_68 = vector.shape_cast %reduce_sum3A_67 : vector<320xf32> to vector<1x320xf32>
    %div3A_69 = arith.constant 6.400000e+01 : f32
    %div3A_70 = vector.broadcast %div3A_69 : f32 to vector<1x320xf32>
    %div3A_71 = arith.divf %broadcast_in_dim3A_68, %div3A_70 : vector<1x320xf32>
    %sub3A_72 = vector.broadcast %div3A_60 : vector<1x320xf32> to vector<64x320xf32>
    %sub3A_73 = arith.subf %add3A_54, %sub3A_72 : vector<64x320xf32>
    %add3A_74 = arith.constant 9.99999974E-6 : f32
    %add3A_75 = vector.broadcast %add3A_74 : f32 to vector<1x320xf32>
    %add3A_76 = arith.addf %div3A_71, %add3A_75 : vector<1x320xf32>
    %rsqrt3A_77 = math.rsqrt %add3A_76 : vector<1x320xf32>
    %mul3A_78 = vector.broadcast %rsqrt3A_77 : vector<1x320xf32> to vector<64x320xf32>
    %mul3A_79 = arith.mulf %sub3A_73, %mul3A_78 : vector<64x320xf32>
    %get3A_80 = arith.constant 0 : index
    %get3A_81 = arith.constant 0 : index
    %get3A_82 = vector.load %arg11[%get3A_80, %get3A_81] : memref<1x320xf32, #tpu.memory_space<vmem>>, vector<1x320xf32>
    %mul3A_83 = vector.broadcast %get3A_82 : vector<1x320xf32> to vector<64x320xf32>
    %mul3A_84 = arith.mulf %mul3A_79, %mul3A_83 : vector<64x320xf32>
    %get3A_85 = arith.constant 0 : index
    %get3A_86 = arith.constant 0 : index
    %get3A_87 = vector.load %arg12[%get3A_85, %get3A_86] : memref<1x320xf32, #tpu.memory_space<vmem>>, vector<1x320xf32>
    %add3A_88 = vector.broadcast %get3A_87 : vector<1x320xf32> to vector<64x320xf32>
    %add3A_89 = arith.addf %mul3A_84, %add3A_88 : vector<64x320xf32>
    %max3A_90 = arith.constant 0.000000e+00 : f32
    %max3A_91 = vector.broadcast %max3A_90 : f32 to vector<64x320xf32>
    %max3A_92 = arith.maximumf %add3A_89, %max3A_91 : vector<64x320xf32>
    %get3A_93 = arith.constant 0 : index
    %get3A_94 = arith.constant 0 : index
    %get3A_95 = vector.load %arg4[%get3A_93, %get3A_94] : memref<1x1xf32, #tpu.memory_space<vmem>>, vector<1x1xf32>
    %gt3A = arith.constant 0.000000e+00 : f32
    %gt3A_96 = vector.broadcast %gt3A : f32 to vector<1x1xf32>
    %gt3A_97 = arith.cmpf ogt, %get3A_95, %gt3A_96 : vector<1x1xf32>
    %get3A_98 = arith.constant 0 : index
    %get3A_99 = arith.constant 0 : index
    %get3A_100 = vector.load %arg1[%get3A_98, %get3A_99] : memref<64x320xf32, #tpu.memory_space<vmem>>, vector<64x320xf32>
    %broadcast_in_dim3A_101 = vector.shape_cast %gt3A_97 : vector<1x1xi1> to vector<1x1xi1>
    %broadcast_in_dim3A_102 = vector.broadcast %broadcast_in_dim3A_101 : vector<1x1xi1> to vector<64x320xi1>
    %select_n3A = arith.select %broadcast_in_dim3A_102, %max3A_92, %get3A_100 : vector<64x320xi1>, vector<64x320xf32>
    %get3A_103 = arith.constant 0 : index
    %get3A_104 = arith.constant 0 : index
    %get3A_105 = vector.load %arg3[%get3A_103, %get3A_104] : memref<1x1xf32, #tpu.memory_space<vmem>>, vector<1x1xf32>
    %gt3A_106 = arith.constant 0.000000e+00 : f32
    %gt3A_107 = vector.broadcast %gt3A_106 : f32 to vector<1x1xf32>
    %gt3A_108 = arith.cmpf ogt, %get3A_105, %gt3A_107 : vector<1x1xf32>
    %get3A_109 = arith.constant 0 : index
    %get3A_110 = arith.constant 0 : index
    %get3A_111 = vector.load %arg2[%get3A_109, %get3A_110] : memref<64x320xf32, #tpu.memory_space<vmem>>, vector<64x320xf32>
    %broadcast_in_dim3A_112 = vector.shape_cast %gt3A_108 : vector<1x1xi1> to vector<1x1xi1>
    %broadcast_in_dim3A_113 = vector.broadcast %broadcast_in_dim3A_112 : vector<1x1xi1> to vector<64x320xi1>
    %select_n3A_114 = arith.select %broadcast_in_dim3A_113, %get3A_111, %select_n3A : vector<64x320xi1>, vector<64x320xf32>
    %swap3A = arith.constant 0 : index
    %swap3A_115 = arith.constant 0 : index
    %swap3A_116 = vector.load %arg13[%swap3A, %swap3A_115] : memref<64x320xf32, #tpu.memory_space<vmem>>, vector<64x320xf32>
    tpu.vector_store %arg13[%swap3A, %swap3A_115], %select_n3A_114 {strides = array<i32>} : memref<64x320xf32, #tpu.memory_space<vmem>>, vector<64x320xf32>,
    return
  }
}

module attributes {stable_mosaic.version = 14 : i64} {
  func.func @_pred_body(%arg0: memref<64x320xf32, #tpu.memory_space<vmem>>, %arg1: memref<1x10000xi32, #tpu.memory_space<vmem>>, %arg2: memref<320x10xf32, #tpu.memory_space<vmem>>, %arg3: memref<1x10xf32, #tpu.memory_space<vmem>>, %arg4: memref<64x10xf32, #tpu.memory_space<vmem>>) attributes {dimension_semantics = [], scalar_prefetch = 0 : i64, scratch_operands = 0 : i64, tpu.core_type = #tpu.core_type<tc>} {
    %get3A = arith.constant 0 : index
    %get3A_0 = arith.constant 0 : index
    %get3A_1 = vector.load %arg1[%get3A, %get3A_0] : memref<1x10000xi32, #tpu.memory_space<vmem>>, vector<1x10000xi32>
    %iota3A = tpu.iota {dimensions = array<i32: 0>} : vector<64x10000xi32>
    %eq3A = vector.broadcast %get3A_1 : vector<1x10000xi32> to vector<64x10000xi32>
    %eq3A_2 = arith.cmpi eq, %iota3A, %eq3A : vector<64x10000xi32>
    %convert_element_type3A = arith.extui %eq3A_2 : vector<64x10000xi1> to vector<64x10000xi32>
    %convert_element_type3A_3 = arith.sitofp %convert_element_type3A : vector<64x10000xi32> to vector<64x10000xf32>
    %reduce_sum3A = arith.constant dense<0.000000e+00> : vector<64xf32>
    %reduce_sum3A_4 = vector.multi_reduction <add>, %convert_element_type3A_3, %reduce_sum3A [1] : vector<64x10000xf32> to vector<64xf32>
    %get3A_5 = arith.constant 0 : index
    %get3A_6 = arith.constant 0 : index
    %get3A_7 = vector.load %arg0[%get3A_5, %get3A_6] : memref<64x320xf32, #tpu.memory_space<vmem>>, vector<64x320xf32>
    %max3A = arith.constant 1.000000e+00 : f32
    %max3A_8 = vector.broadcast %max3A : f32 to vector<64xf32>
    %max3A_9 = arith.maximumf %reduce_sum3A_4, %max3A_8 : vector<64xf32>
    %broadcast_in_dim3A = vector.shape_cast %max3A_9 : vector<64xf32> to vector<64x1xf32>
    %div3A = vector.broadcast %broadcast_in_dim3A : vector<64x1xf32> to vector<64x320xf32>
    %div3A_10 = arith.divf %get3A_7, %div3A : vector<64x320xf32>
    %get3A_11 = arith.constant 0 : index
    %get3A_12 = arith.constant 0 : index
    %get3A_13 = vector.load %arg2[%get3A_11, %get3A_12] : memref<320x10xf32, #tpu.memory_space<vmem>>, vector<320x10xf32>
    %dot_general3A = arith.constant dense<0.000000e+00> : vector<64x10xf32>
    %dot_general3A_14 = tpu.matmul %div3A_10, %get3A_13, %dot_general3A {dimension_numbers = #tpu.dot_dimension_numbers<[1], [0], [0], [1], [0, 0, 1, 1], [], []>, transpose_lhs_hint = false} : vector<64x320xf32>, vector<320x10xf32>, vector<64x10xf32> -> vector<64x10xf32>
    %get3A_15 = arith.constant 0 : index
    %get3A_16 = arith.constant 0 : index
    %get3A_17 = vector.load %arg3[%get3A_15, %get3A_16] : memref<1x10xf32, #tpu.memory_space<vmem>>, vector<1x10xf32>
    %add3A = vector.broadcast %get3A_17 : vector<1x10xf32> to vector<64x10xf32>
    %add3A_18 = arith.addf %dot_general3A_14, %add3A : vector<64x10xf32>
    %swap3A = arith.constant 0 : index
    %swap3A_19 = arith.constant 0 : index
    %swap3A_20 = vector.load %arg4[%swap3A, %swap3A_19] : memref<64x10xf32, #tpu.memory_space<vmem>>, vector<64x10xf32>
    tpu.vector_store %arg4[%swap3A, %swap3A_19], %add3A_18 {strides = array<i32>} : memref<64x10xf32, #tpu.memory_space<vmem>>, vector<64x10xf32>,
    return
  }
}

</mosaic_0001>

<sc_bundles>
// kernel: closed_call.52.cloned.1.call-start
scs
__scs_entry_jumppad:
0x0: {  	(pc) =	sbr.rel $0x88, $3  }
0x1: {  	(tag) =	ssettag $0x0;
	lr =	simm.s32 $0x1  }
0x2: {  	[smem:$0x3F83] =	sst lr;
	_ =	strace $0xD0000000  }
0x3: {  	_ = 	snop  }
0x4: {  	_ = 	snop  }
0x5: {  	_ = 	snop  }
0x6: {  	_ = 	snop  }
0x7: {  	_ = 	snop  }
__scs_overlays_trampoline_lowered:
0x8: {  	[smem:$0x3F92] =	sst s0  }
0x9: {  	[smem:$0x3F93] =	sst s1  }
0xa: {  	[smem:$0x3F94] =	sst s2  }
0xb: {  	[smem:$0x3F95] =	sst s3  }
0xc: {  	[smem:$0x3F96] =	sst s4  }
0xd: {  	[smem:$0x3F97] =	sst s5  }
0xe: {  	[smem:$0x3F98] =	sst s6  }
0xf: {  	[smem:$0x3F99] =	sst s7  }
0x10: {  	[smem:$0x3F9A] =	sst s8  }
0x11: {  	[smem:$0x3F9B] =	sst s9;
	s0 =	simm.s32 @!p0 $0x0  }
0x12: {  	s1 =	sld [smem:$0x3F81];
	s0 =	simm.s32 @p0 $0x1  }
0x13: {  	[smem:$0x3F9C] =	sst s0;
	s0 =	simm.s32 @!p1 $0x0  }
0x14: {  	s2 =	sld [smem:$0x3F80];
	s0 =	simm.s32 @p1 $0x1  }
0x15: {  	[smem:$0x3F9D] =	sst s0;
	s0 =	simm.s32 @!p2 $0x0  }
0x16: {  	s3 =	sld [smem:$0x3FDB];
	s0 =	simm.s32 @p2 $0x1  }
0x17: {  	s4 =	simm.s32 $0x1BF5;
	[smem:$0x3F9F] =	sst s0  }
0x18: {  	s0 =	sld [smem:$0x3F82];
	_ =	swait.ge [sflag:s4], $0x0  }
0x19: {  	s7 =	sld [smem:$0x3F83]  }
0x1a: {  	s8 =	sadd.s32 $0xFFFFE003, lr  }
0x1b: {  	s9 =	sadd.s32 $0xFFFFFEF7, lr;
	s5 =	simm.s32 $0xFFFFFFFF;
	p2 =	slt.u32 s8, $0xFFFFF086  }
0x1c: {  	p1 =	slt.u32 s9, $0xF7A;
	s5 =	simm.s32 @!p2 $0x0  }
0x1d: {  	s5 =	simm.s32 @p1 $0x1;
	p0 =	seq.s32 s7, s2  }
0x1e: {  	s7 =	smul.u32 @!p0 $0xF7A, s2;
	p2 =	seq.s32 @!p0 s5, $0x0  }
0x1f: {  	s9 =	smul.u32 $0xF7A, s1;
	s8 =	simm.s32 @!p0 $0x1BF5;
	p2 =	por !p2, p0  }
0x20: {  	[sflag:s8] =	ssyncset.s32 @!p0 $0xFFFFF086;
	s6 =	sadd.s32 @!p0 s3, s7;
	s7 =	simm.s32 @!p0 $0x108  }
0x21: {  	s3 =	sadd.s32 s3, s9;
	s6 =	sadd.s32 @!p0 $0x88, s6;
	s7 =	simm.s32 @p2 $0x1082  }
0x22: {  	[simem:s7], [sflag:s8] =	dma.local @!p0 [hbm:s6], $0xF7A  }
0x23: {  	s9 =	sor.u32 $0xD0000000, s2;
	s6 =	simm.s32 $0x108;
	_ =	swait.ge @!p0 [sflag:s8], $0x0  }
0x24: {  	s3 =	sadd.s32 $0x88, s3;
	s6 =	simm.s32 @!p1 $0x1082;
	[sflag:s4] =	ssyncset.s32 $0xFFFFF086  }
0x25: {  	[simem:s6], [sflag:s4] =	dma.local [hbm:s3], $0xF7A  }
0x26: {  	[smem:$0x3F83] =	sst s1;
	(tag) =	ssettag s2;
	_ =	strace s9  }
0x27: {  	s1 =	sld [smem:$0x3F93]  }
0x28: {  	s2 =	sld [smem:$0x3F94]  }
0x29: {  	s4 =	sld [smem:$0x3F96]  }
0x2a: {  	p0 =	seq.s32 s5, $0x0;
	s5 =	sld [smem:$0x3F97]  }
0x2b: {  	s6 =	sld [smem:$0x3F98]  }
0x2c: {  	s7 =	sld [smem:$0x3F99]  }
0x2d: {  	s3 =	simm.s32 $0x108;
	s8 =	sld [smem:$0x3F9A]  }
0x2e: {  	s3 =	simm.s32 @!p0 $0x1082;
	s9 =	sld [smem:$0x3F9B]  }
0x2f: {  	lr =	sadd.s32 s0, s3;
	s0 =	sld [smem:$0x3F92]  }
0x30: {  	s3 =	sld [smem:$0x3F95]  }
0x31: {  	[smem:$0x3F9E] =	sst s10  }
0x32: {  	s10 =	sld [smem:$0x3F9C];
	_ =	sdelay $0x3  }
0x33: {  	p0 =	seq.s32 s10, $0x1;
	s10 =	sld [smem:$0x3F9E];
	_ =	sdelay $0x3  }
0x34: {  	[smem:$0x3F9E] =	sst s10  }
0x35: {  	s10 =	sld [smem:$0x3F9D];
	_ =	sdelay $0x3  }
0x36: {  	p1 =	seq.s32 s10, $0x1;
	s10 =	sld [smem:$0x3F9E];
	_ =	sdelay $0x3  }
0x37: {  	[smem:$0x3F9E] =	sst s10  }
0x38: {  	s10 =	sld [smem:$0x3F9F]  }
0x39: {  	_ = 	snop;
	(pc) =	sbr.ind lr, $3  }
0x3a: {  	_ = 	snop  }
0x3b: {  	_ = 	snop  }
0x3c: {  	p2 =	seq.s32 s10, $0x1;
	s10 =	sld [smem:$0x3F9E]  }
0x3d: {  	_ =	shalt  }
0x3e: {  	_ =	shalt  }
0x3f: {  	_ =	shalt  }
0x40: {  	_ =	shalt  }
0x41: {  	_ =	shalt  }
0x42: {  	_ =	shalt  }
0x43: {  	_ =	shalt  }
0x44: {  	_ =	shalt  }
0x45: {  	_ =	shalt  }
0x46: {  	_ =	shalt  }
0x47: {  	_ =	shalt  }
0x48: {  	_ =	shalt  }
0x49: {  	_ =	shalt  }
0x4a: {  	_ =	shalt  }
0x4b: {  	_ =	shalt  }
0x4c: {  	_ =	shalt  }
0x4d: {  	_ =	shalt  }
0x4e: {  	_ =	shalt  }
0x4f: {  	_ =	shalt  }
0x50: {  	_ =	shalt  }
0x51: {  	_ =	shalt  }
0x52: {  	_ =	shalt  }
0x53: {  	_ =	shalt  }
0x54: {  	_ =	shalt  }
0x55: {  	_ =	shalt  }
0x56: {  	_ =	shalt  }
0x57: {  	_ =	shalt  }
0x58: {  	_ =	shalt  }
0x59: {  	_ =	shalt  }
0x5a: {  	_ =	shalt  }
0x5b: {  	_ =	shalt  }
0x5c: {  	_ =	shalt  }
0x5d: {  	_ =	shalt  }
0x5e: {  	_ =	shalt  }
0x5f: {  	_ =	shalt  }
0x60: {  	_ =	shalt  }
0x61: {  	_ =	shalt  }
0x62: {  	_ =	shalt  }
0x63: {  	_ =	shalt  }
0x64: {  	_ =	shalt  }
0x65: {  	_ =	shalt  }
0x66: {  	_ =	shalt  }
0x67: {  	_ =	shalt  }
0x68: {  	_ =	shalt  }
0x69: {  	_ =	shalt  }
0x6a: {  	_ =	shalt  }
0x6b: {  	_ =	shalt  }
0x6c: {  	_ =	shalt  }
0x6d: {  	_ =	shalt  }
0x6e: {  	_ =	shalt  }
0x6f: {  	_ =	shalt  }
0x70: {  	_ =	shalt  }
0x71: {  	_ =	shalt  }
0x72: {  	_ =	shalt  }
0x73: {  	_ =	shalt  }
0x74: {  	_ =	shalt  }
0x75: {  	_ =	shalt  }
0x76: {  	_ =	shalt  }
0x77: {  	_ =	shalt  }
0x78: {  	_ =	shalt  }
0x79: {  	_ =	shalt  }
0x7a: {  	_ =	shalt  }
0x7b: {  	_ =	shalt  }
0x7c: {  	_ =	shalt  }
0x7d: {  	_ =	shalt  }
0x7e: {  	_ =	shalt  }
0x7f: {  	_ =	shalt  }
0x80: {  	_ =	shalt  }
0x81: {  	_ =	shalt  }
0x82: {  	_ =	shalt  }
0x83: {  	_ =	shalt  }
0x84: {  	_ =	shalt  }
0x85: {  	_ =	shalt  }
0x86: {  	_ =	shalt  }
0x87: {  	_ =	shalt  }
.Lfunc_end0:
.L_simem_size_0:
called_computation_lowered:
.L_overlay_start_0:
0x88: {  	s2 =	sld [smem:$0x3FD9]  }
0x89: {  	s3 =	sld [smem:$0x3FFE];
	_ =	sdelay $0x1  }
0x8a: {  	s1 =	srdreg.scid  }
0x8b: {  	s0 =	sand.u32 $0x1, s1  }
0x8c: {  	s16 =	sshll.u32 s0, $0xA;
	s2 =	sadd.s32 s3, s2  }
0x8d: {  	s2 =	sadd.s32 s2, s16  }
0x8e: {  	[smem:$0x3FAA] =	sst s2  }
0x8f: {  	_ = 	snop  }
0x90: {  	(tm) =	ssettm $0x1  }
0x91: {  	s17 =	sld [smem:$0x3FFB];
	_ =	sdelay $0x3  }
0x92: {  	_ =	strace s17  }
0x93: {  	s2 =	sld [smem:$0x3FFC];
	_ =	sdelay $0x3  }
0x94: {  	_ =	strace s2  }
0x95: {  	s2 =	sld [smem:$0x3FFD];
	_ =	sdelay $0x3  }
0x96: {  	_ =	strace s2  }
0x97: {  	_ =	strace $0x8FFFFFFF  }
0x98: {  	s18 =	sld [smem:$0x3FDB];
	_ =	sdelay $0x1  }
0x99: {  	s19 =	simm.s32 $_scs_section_size  }
0x9a: {  	s4 =	simm.s32 $_size__tile_overlayer_lowered;
	s5 =	simm.s32 $_tile_overlayer_lowered  }
0x9b: {  	s22 =	simm.s32 $0x1BFF;
	s21 =	sshll.u32 s5, $0x1;
	s2 =	sadd.s32 s19, s18  }
0x9c: {  	s6 =	simm.s32 $0x0;
	s20 =	sshll.u32 s4, $0x1;
	s4 =	sadd.s32 s21, s2  }
0x9d: {  	[timem:s6], [sflag:s22] =	dma.local [hbm:s4], s20  }
0x9e: {  	_ =	swait.ge [sflag:s22], s20  }
0x9f: {  	s3 =	ssub.s32 $0x0, s20;
	[sflag:s22] =	ssyncset.done $0x0  }
0xa0: {  	[sflag:s22] =	ssyncadd.s32 s3;
	_ =	sdelay $0x1  }
0xa1: {  	s23 =	simm.s32 $0x1B8B  }
0xa2: {  	_ =	swait.ge [sflag:s23], $0x1  }
0xa3: {  	[sflag:s23] =	ssyncset.done $0x0  }
0xa4: {  	s25 =	simm.s32 $0x1B8E;
	s24 =	sld [smem:$0x3FFE];
	[sflag:s23] =	ssyncadd.s32 $0xFFFFFFFF  }
0xa5: {  	s26 =	simm.s32 $execute0_lowered;
	[smem:$0x3FD2] =	sst s25  }
0xa6: {  	s4 =	sshll.u32 s26, $0x1;
	_ =	strace $0x80000046;
	[dreg:$0x1] =	wrdreg $0xFFFFFFFF  }
0xa7: {  	s28 =	simm.s32 $_size_execute0_lowered;
	s2 =	sadd.s32 s2, s4;
	[dreg:$0x0] =	wrdreg $0x0  }
0xa8: {  	s4 =	sshll.u32 s28, $0x1;
	[dreg:$0x2] =	wrdreg s2  }
0xa9: {  	[dreg:$0x3] =	wrdreg s4  }
0xaa: {  	[dreg:$0x4] =	wrdreg $0xC0  }
0xab: {  	_ =	task [dreg:s6], $0x5FFFF  }
0xac: {  	[dreg:$0x1] =	wrdreg $0xFFFFFFFF  }
0xad: {  	[dreg:$0x0] =	wrdreg $0x60  }
0xae: {  	[dreg:$0x2] =	wrdreg s24  }
0xaf: {  	[dreg:$0x3] =	wrdreg $0x11BC00  }
0xb0: {  	[dreg:$0x4] =	wrdreg $0x9  }
0xb1: {  	_ =	task.clear_ibuf [dreg:s6], $0x5FFFF;
	_ =	strace $0x90000046  }
0xb2: {  	s29 =	simm.s32 $0x9;
	_ =	strace $0x80000048  }
0xb3: {  	_ =	swait.ge [sflag:s29], $0x1  }
0xb4: {  	[sflag:s29] =	ssyncadd.s32 $0xFFFFFFFF  }
0xb5: {  	_ =	strace $0x90000048  }
0xb6: {  	_ =	sfence  }
0xb7: {  	s30 =	sld [smem:$0x0];
	_ =	sdelay $0x2  }
0xb8: {  	s31 =	sshll.u32 s1, $0xD;
	s1 =	sshrl.u32 s1, $0x2  }
0xb9: {  	s3 =	sand.u32 $0x4000, s31;
	s1 =	sadd.s32 s1, s30  }
0xba: {  	s0 =	sor.u32 s3, s0;
	s1 =	sshll.u32 s1, $0x11  }
0xbb: {  	s0 =	sor.u32 s1, s0  }
0xbc: {  	s0 =	sadd.s32 $0x8F2B, s0  }
0xbd: {  	[sflag:s0] =	ssyncadd.remote.s32 $0x1  }
0xbe: {  	_ =	sfence.sel $0xFFFF  }
0xbf: {  	[dreg:$0x0] =	wrdreg $0xFFFFFFFF;
	(pc) =	sbr.abs _section_cstart, $3  }
0xc0: {  	[dreg:$0x1] =	wrdreg $0xFFFFFFFF  }
0xc1: {  	_ =	task.clear_ibuf [dreg:s6], $0x2FFFF;
	_ =	strace $0x9FFFFFFF  }
0xc2: {  	(tm) =	ssettm $0x7FFFFFFF  }
0xc3: {  	_ =	shalt  }
tec
execute0_lowered:
.L_overlay_start_1:
0x0: {  	(tag) =	ssettag $0x1  }
0x1: {  	s0 =	rddreg [dreg:$0x0]  }
0x2: {  	s1 =	rddreg [dreg:$0x1];
	s3 =	simm.s32 $0x0;
	s2 =	stileid.u32  }
0x3: {  	s10 =	srdreg.scid;
	s17 =	simm.s32 $0x6;
	s19 =	simm.s32 $0x11940  }
0x4: {  	s20 =	simm.s32 $0x50;
	s21 =	simm.s32 $0x9C40;
	s28 =	simm.s32 $0x2  }
0x5: {  	s29 =	simm.s32 $0x3;
	s30 =	simm.s32 $0x4;
	s4 =	sadd.s32 $0x103200, s0  }
0x6: {  	s31 =	simm.s32 $0x5;
	s5 =	sadd.s32 $0x11BA00, s0;
	s9 =	smul.u32 $0x9C4, s2  }
0x7: {  	[smem:$0x7FF] =	sst s3;
	s6 =	sadd.s32 $0x134200, s0;
	s7 =	smul.u32 $0x1900, s2  }
0x8: {  	s8 =	sadd.s32 $0x14CA00, s0;
	s10 =	sand.u32 $0x1, s10;
	s11 =	sadd.s32 $0x17E200, s0  }
0x9: {  	s14 =	smul.u32 $0x32000, s2;
	_ =	strace $0x80000047;
	[dreg:$0x3] =	wrdreg s11  }
0xa: {  	s22 =	ssub.s32 $0x2, s10;
	p0 =	seq.s32 s10, $0x1;
	s9 =	sadd.s32 s9, s0  }
0xb: {  	s13 =	sadd.s32 s7, s0;
	s0 =	sadd.s32 $0x1B0200, s0;
	s23 =	sshrl.u32 s22, $0x1  }
0xc: {  	s25 =	sshrl.u32 s14, $0x2;
	[dreg:$0x4] =	wrdreg s0;
	s0 =	ssub.s32 s22, s23  }
.Ltmp0:
0xd: {  	s11 =	sadd.s32 $0xE2E00, s9;
	s12 =	sadd.s32 $0xECC00, s9;
	(pc) =	sbr.rel .LBB2_1-.Ltmp0, $4  }
0xe: {  	s24 =	sadd.s32 $0x165200, s13;
	s14 =	sadd.s32 s25, s1;
	s26 =	sadd.s32 $0x197200, s13  }
0xf: {  	s22 =	simm.s32 $0xB540;
	s23 =	simm.s32 $0xCE40;
	[dreg:$0x5] =	wrdreg s24  }
0x10: {  	s25 =	simm.s32 $0x10040;
	[dreg:$0x6] =	wrdreg s26;
	s16 =	smax.u32 s0, $0x1  }
0x11: {  	v0 =	vimm.f32 $0.0e+00;
	s24 =	simm.s32 $0xE740;
	s26 =	simm.s32 $0x1;
	s0 =	simm.s32 $0x0  }
.LBB2_19:
0x12: {  	s9 =	sshra.s32 s13, $0x2;
	[sflag:s17] =	ssyncadd.s32 $0xFFFFE700  }
0x13: {  	[tilespmem:s21], [sflag:$0x1] =	stream.indirect.gather [hbm4b:s8+s20], $0x50, s9, s20, $0xb8;
	[tilespmem:$0x1E3C0] =	vst v63  }
0x14: {  	s10 =	sadd.s32 $0x50, s9  }
0x15: {  	[tilespmem:s22], [sflag:$0x2] =	stream.indirect.gather [hbm4b:s8+s20], $0x50, s10, s20, $0xb8;
	[tilespmem:$0x1E3C0] =	vst v63  }
0x16: {  	s15 =	sadd.s32 $0xA0, s9  }
0x17: {  	[tilespmem:s23], [sflag:$0x3] =	stream.indirect.gather [hbm4b:s8+s20], $0x50, s15, s20, $0xb8;
	[tilespmem:$0x1E3C0] =	vst v63  }
0x18: {  	s13 =	sadd.s32 $0xF0, s9  }
0x19: {  	[tilespmem:s24], [sflag:$0x4] =	stream.indirect.gather [hbm4b:s8+s20], $0x50, s13, s20, $0xb8;
	[tilespmem:$0x1E3C0] =	vst v63  }
0x1a: {  	s15 =	sadd.s32 $0x140, s9  }
0x1b: {  	[tilespmem:s25], [sflag:$0x5] =	stream.indirect.gather [hbm4b:s8+s20], $0x50, s15, s20, $0xb8;
	[tilespmem:$0x1E3C0] =	vst v63  }
0x1c: {  	_ =	swait.ge [sflag:s26], $0x1900  }
0x1d: {  	[sflag:s26] =	ssyncset.done $0x0  }
0x1e: {  	s13 =	sadd.s32 $0x4E20, s9;
	[sflag:s26] =	ssyncadd.s32 $0xFFFFE700  }
0x1f: {  	[spmem:s1] =	stream.indirect.scatter.add.f32 [tilespmem:s21], [sflag:$0x6], $0x50, s13, s20, $0xb8;
	[tilespmem:$0x1E3C0] =	vst v63  }
0x20: {  	_ =	swait.ge [sflag:s17], $0x1900  }
0x21: {  	[sflag:s17] =	ssyncset.done $0x0  }
0x22: {  	[sflag:s17] =	ssyncadd.s32 $0xFFFFE700  }
0x23: {  	_ =	swait.ge [sflag:s28], $0x1900  }
0x24: {  	[sflag:s28] =	ssyncset.done $0x0  }
0x25: {  	s15 =	sadd.s32 $0x4E70, s9;
	[sflag:s28] =	ssyncadd.s32 $0xFFFFE700  }
0x26: {  	[spmem:s1] =	stream.indirect.scatter.add.f32 [tilespmem:s22], [sflag:$0x6], $0x50, s15, s20, $0xb8;
	[tilespmem:$0x1E3C0] =	vst v63  }
0x27: {  	_ =	swait.ge [sflag:s17], $0x1900  }
0x28: {  	[sflag:s17] =	ssyncset.done $0x0  }
0x29: {  	[sflag:s17] =	ssyncadd.s32 $0xFFFFE700  }
0x2a: {  	_ =	swait.ge [sflag:s29], $0x1900  }
0x2b: {  	[sflag:s29] =	ssyncset.done $0x0  }
0x2c: {  	s13 =	sadd.s32 $0x4EC0, s9;
	[sflag:s29] =	ssyncadd.s32 $0xFFFFE700  }
0x2d: {  	[spmem:s1] =	stream.indirect.scatter.add.f32 [tilespmem:s23], [sflag:$0x6], $0x50, s13, s20, $0xb8;
	[tilespmem:$0x1E3C0] =	vst v63  }
0x2e: {  	_ =	swait.ge [sflag:s17], $0x1900  }
0x2f: {  	[sflag:s17] =	ssyncset.done $0x0  }
0x30: {  	[sflag:s17] =	ssyncadd.s32 $0xFFFFE700  }
0x31: {  	_ =	swait.ge [sflag:s30], $0x1900  }
0x32: {  	[sflag:s30] =	ssyncset.done $0x0  }
0x33: {  	s15 =	sadd.s32 $0x4F10, s9;
	[sflag:s30] =	ssyncadd.s32 $0xFFFFE700  }
0x34: {  	[spmem:s1] =	stream.indirect.scatter.add.f32 [tilespmem:s24], [sflag:$0x6], $0x50, s15, s20, $0xb8;
	[tilespmem:$0x1E3C0] =	vst v63  }
0x35: {  	_ =	swait.ge [sflag:s17], $0x1900  }
0x36: {  	[sflag:s17] =	ssyncset.done $0x0  }
0x37: {  	[sflag:s17] =	ssyncadd.s32 $0xFFFFE700  }
0x38: {  	_ =	swait.ge [sflag:s31], $0x1900  }
0x39: {  	[sflag:s31] =	ssyncset.done $0x0  }
0x3a: {  	s9 =	sadd.s32 $0x4F60, s9;
	[sflag:s31] =	ssyncadd.s32 $0xFFFFE700  }
0x3b: {  	[spmem:s1] =	stream.indirect.scatter.add.f32 [tilespmem:s25], [sflag:$0x6], $0x50, s9, s20, $0xb8;
	[tilespmem:$0x1E3C0] =	vst v63  }
0x3c: {  	_ =	swait.ge [sflag:s17], $0x1900  }
0x3d: {  	[sflag:s17] =	ssyncset.done $0x0  }
0x3e: {  	s9 =	rddreg [dreg:$0x4];
	[sflag:s17] =	ssyncadd.s32 $0xFFFFE700  }
.LBB2_20:
0x3f: {  	s0 =	sadd.s32 $0x1, s0  }
0x40: {  	s9 =	sadd.s32 s9, s7;
	p1 =	sne.s32 s0, s16  }
.Ltmp1:
0x41: {  	[bflag:$0x0] =	sbarrier.arrive $0xFFFF;
	s10 =	sshrl.u32 s14, $0x3;
	(pc) =	sbr.rel @!p1 .LBB2_21-.Ltmp1, $4  }
0x42: {  	[hbm:s9], [sflag:s18] =	dma.local [spmem:s10], $0x1900  }
0x43: {  	_ =	swait.ge [sflag:s17], $0x1900  }
0x44: {  	[sflag:s17] =	ssyncset.done $0x0  }
0x45: {  	[sflag:s17] =	ssyncadd.s32 $0xFFFFE700  }
.LBB2_1:
0x46: {  	[tilespmem:$0x11940] =	vst v0  }
0x47: {  	[tilespmem:$0x11950] =	vst v0  }
0x48: {  	[tilespmem:$0x11960] =	vst v0  }
0x49: {  	[tilespmem:$0x11970] =	vst v0  }
0x4a: {  	[tilespmem:$0x11980] =	vst v0  }
0x4b: {  	[tilespmem:$0x11990] =	vst v0  }
0x4c: {  	[tilespmem:$0x119A0] =	vst v0  }
0x4d: {  	[tilespmem:$0x119B0] =	vst v0  }
0x4e: {  	[tilespmem:$0x119C0] =	vst v0  }
0x4f: {  	[tilespmem:$0x119D0] =	vst v0  }
0x50: {  	[tilespmem:$0x119E0] =	vst v0  }
0x51: {  	[tilespmem:$0x119F0] =	vst v0  }
0x52: {  	[tilespmem:$0x11A00] =	vst v0  }
0x53: {  	[tilespmem:$0x11A10] =	vst v0  }
0x54: {  	[tilespmem:$0x11A20] =	vst v0  }
0x55: {  	[tilespmem:$0x11A30] =	vst v0  }
0x56: {  	[tilespmem:$0x11A40] =	vst v0  }
0x57: {  	[tilespmem:$0x11A50] =	vst v0  }
0x58: {  	[tilespmem:$0x11A60] =	vst v0  }
0x59: {  	[tilespmem:$0x11A70] =	vst v0  }
0x5a: {  	[tilespmem:$0x11A80] =	vst v0  }
0x5b: {  	[tilespmem:$0x11A90] =	vst v0  }
0x5c: {  	[tilespmem:$0x11AA0] =	vst v0  }
0x5d: {  	[tilespmem:$0x11AB0] =	vst v0  }
0x5e: {  	[tilespmem:$0x11AC0] =	vst v0  }
0x5f: {  	[tilespmem:$0x11AD0] =	vst v0  }
0x60: {  	[tilespmem:$0x11AE0] =	vst v0  }
0x61: {  	[tilespmem:$0x11AF0] =	vst v0  }
0x62: {  	[tilespmem:$0x11B00] =	vst v0  }
0x63: {  	[tilespmem:$0x11B10] =	vst v0  }
0x64: {  	[tilespmem:$0x11B20] =	vst v0  }
0x65: {  	[tilespmem:$0x11B30] =	vst v0  }
0x66: {  	[tilespmem:$0x11B40] =	vst v0  }
0x67: {  	[tilespmem:$0x11B50] =	vst v0  }
0x68: {  	[tilespmem:$0x11B60] =	vst v0  }
0x69: {  	[tilespmem:$0x11B70] =	vst v0  }
0x6a: {  	[tilespmem:$0x11B80] =	vst v0  }
0x6b: {  	[tilespmem:$0x11B90] =	vst v0  }
0x6c: {  	[tilespmem:$0x11BA0] =	vst v0  }
0x6d: {  	[tilespmem:$0x11BB0] =	vst v0  }
0x6e: {  	[tilespmem:s3], [sflag:$0x6] =	stream.linear.gather [hbm4b:s11+s3], $0x4E20, $0x38;
	[tilespmem:$0x1E3C0] =	vst v63  }
0x6f: {  	_ =	swait.ge [sflag:s17], $0x4E20  }
0x70: {  	[sflag:s17] =	ssyncset.done $0x0  }
.Ltmp2:
0x71: {  	s9 =	simm.s32 $0x4E20;
	[sflag:s17] =	ssyncadd.s32 $0xFFFFB1E0;
	(pc) =	sbr.rel @!p0 .LBB2_2-.Ltmp2, $4  }
0x72: {  	[tilespmem:s9], [sflag:$0x6] =	stream.linear.gather [hbm4b:s12+s3], $0x4E20, $0x38;
	[tilespmem:$0x1E3C0] =	vst v63  }
0x73: {  	_ =	swait.ge [sflag:s17], $0x4E20  }
0x74: {  	s18 =	sshra.s32 s3, $0x2;
	[sflag:s17] =	ssyncset.done $0x0  }
0x75: {  	s9 =	sadd.s32 s18, s14;
	[sflag:s17] =	ssyncadd.s32 $0xFFFFB1E0  }
0x76: {  	[spmem:s9] =	stream.linear.scatter [tilespmem:s19], [sflag:$0x6], $0x280, $0x38;
	[tilespmem:$0x1E3C0] =	vst v63  }
0x77: {  	s9 =	sadd.s32 $0xA00, s3;
	_ =	swait.ge [sflag:s17], $0x280  }
.LBB2_12:
0x78: {  	s10 =	sshra.s32 s9, $0x2;
	[sflag:s17] =	ssyncset.done $0x0;
	p1 =	sne.s32 s9, $0x31600  }
.Ltmp3:
0x79: {  	s10 =	sadd.s32 s10, s14;
	[sflag:s17] =	ssyncadd.s32 $0xFFFFFD80;
	(pc) =	sbr.rel @p1 .LBB2_12-.Ltmp3, $3  }
0x7a: {  	[spmem:s10] =	stream.linear.scatter [tilespmem:s19], [sflag:$0x6], $0x280, $0x38;
	[tilespmem:$0x1E3C0] =	vst v63  }
0x7b: {  	s9 =	sadd.s32 $0xA00, s9;
	_ =	sdelay $0x1  }
0x7c: {  	_ =	swait.ge [sflag:s17], $0x280  }
0x7d: {  	[sflag:s17] =	ssyncset.done $0x0  }
0x7e: {  	[sflag:s17] =	ssyncadd.s32 $0xFFFFFD80  }
0x7f: {  	s9 =	simm.s32 $0x0;
	[bflag:$0x0] =	sbarrier.arrive $0xFFFF  }
0x80: {  	[tilespmem:s21], [sflag:$0x1] =	stream.indirect.gather [hbm4b:s6+s20], $0x50, s9, s20, $0xb8;
	[tilespmem:$0x1E3C0] =	vst v63  }
0x81: {  	s18 =	simm.s32 $0x50  }
0x82: {  	[tilespmem:s22], [sflag:$0x2] =	stream.indirect.gather [hbm4b:s6+s20], $0x50, s18, s20, $0xb8;
	[tilespmem:$0x1E3C0] =	vst v63  }
0x83: {  	s10 =	simm.s32 $0xA0  }
0x84: {  	[tilespmem:s23], [sflag:$0x3] =	stream.indirect.gather [hbm4b:s6+s20], $0x50, s10, s20, $0xb8;
	[tilespmem:$0x1E3C0] =	vst v63  }
0x85: {  	s13 =	simm.s32 $0xF0  }
0x86: {  	[tilespmem:s24], [sflag:$0x4] =	stream.indirect.gather [hbm4b:s6+s20], $0x50, s13, s20, $0xb8;
	[tilespmem:$0x1E3C0] =	vst v63  }
0x87: {  	s15 =	simm.s32 $0x140  }
0x88: {  	[tilespmem:s25], [sflag:$0x5] =	stream.indirect.gather [hbm4b:s6+s20], $0x50, s15, s20, $0xb8;
	[tilespmem:$0x1E3C0] =	vst v63  }
0x89: {  	_ =	swait.ge [sflag:s26], $0x1900  }
0x8a: {  	[sflag:s26] =	ssyncset.done $0x0  }
0x8b: {  	s18 =	simm.s32 $0x4E20;
	[sflag:s26] =	ssyncadd.s32 $0xFFFFE700  }
0x8c: {  	[spmem:s1] =	stream.indirect.scatter.add.f32 [tilespmem:s21], [sflag:$0x6], $0x50, s18, s20, $0xb8;
	[tilespmem:$0x1E3C0] =	vst v63  }
0x8d: {  	_ =	swait.ge [sflag:s17], $0x1900  }
0x8e: {  	[sflag:s17] =	ssyncset.done $0x0  }
0x8f: {  	[sflag:s17] =	ssyncadd.s32 $0xFFFFE700  }
0x90: {  	_ =	swait.ge [sflag:s28], $0x1900  }
0x91: {  	[sflag:s28] =	ssyncset.done $0x0  }
0x92: {  	s10 =	simm.s32 $0x4E70;
	[sflag:s28] =	ssyncadd.s32 $0xFFFFE700  }
0x93: {  	[spmem:s1] =	stream.indirect.scatter.add.f32 [tilespmem:s22], [sflag:$0x6], $0x50, s10, s20, $0xb8;
	[tilespmem:$0x1E3C0] =	vst v63  }
0x94: {  	_ =	swait.ge [sflag:s17], $0x1900  }
0x95: {  	[sflag:s17] =	ssyncset.done $0x0  }
0x96: {  	[sflag:s17] =	ssyncadd.s32 $0xFFFFE700  }
0x97: {  	_ =	swait.ge [sflag:s29], $0x1900  }
0x98: {  	[sflag:s29] =	ssyncset.done $0x0  }
0x99: {  	s13 =	simm.s32 $0x4EC0;
	[sflag:s29] =	ssyncadd.s32 $0xFFFFE700  }
0x9a: {  	[spmem:s1] =	stream.indirect.scatter.add.f32 [tilespmem:s23], [sflag:$0x6], $0x50, s13, s20, $0xb8;
	[tilespmem:$0x1E3C0] =	vst v63  }
0x9b: {  	_ =	swait.ge [sflag:s17], $0x1900  }
0x9c: {  	[sflag:s17] =	ssyncset.done $0x0  }
0x9d: {  	[sflag:s17] =	ssyncadd.s32 $0xFFFFE700  }
0x9e: {  	_ =	swait.ge [sflag:s30], $0x1900  }
0x9f: {  	[sflag:s30] =	ssyncset.done $0x0  }
0xa0: {  	s15 =	simm.s32 $0x4F10;
	[sflag:s30] =	ssyncadd.s32 $0xFFFFE700  }
0xa1: {  	[spmem:s1] =	stream.indirect.scatter.add.f32 [tilespmem:s24], [sflag:$0x6], $0x50, s15, s20, $0xb8;
	[tilespmem:$0x1E3C0] =	vst v63  }
0xa2: {  	_ =	swait.ge [sflag:s17], $0x1900  }
0xa3: {  	[sflag:s17] =	ssyncset.done $0x0  }
0xa4: {  	[sflag:s17] =	ssyncadd.s32 $0xFFFFE700  }
0xa5: {  	_ =	swait.ge [sflag:s31], $0x1900  }
0xa6: {  	[sflag:s31] =	ssyncset.done $0x0  }
0xa7: {  	s18 =	simm.s32 $0x4F60;
	[sflag:s31] =	ssyncadd.s32 $0xFFFFE700  }
0xa8: {  	[spmem:s1] =	stream.indirect.scatter.add.f32 [tilespmem:s25], [sflag:$0x6], $0x50, s18, s20, $0xb8;
	[tilespmem:$0x1E3C0] =	vst v63  }
0xa9: {  	_ =	swait.ge [sflag:s17], $0x1900  }
0xaa: {  	s10 =	simm.s32 $0xC80;
	s13 =	simm.s32 $0x640;
	[sflag:s17] =	ssyncset.done $0x0  }
.LBB2_14:
0xab: {  	s15 =	sshra.s32 s13, $0x2  }
0xac: {  	[sflag:s17] =	ssyncadd.s32 $0xFFFFE700;
	s13 =	smov.u32 s10;
	s9 =	sadd.s32 $0x640, s10  }
0xad: {  	[tilespmem:s21], [sflag:$0x1] =	stream.indirect.gather [hbm4b:s6+s20], $0x50, s15, s20, $0xb8;
	[tilespmem:$0x1E3C0] =	vst v63  }
0xae: {  	p1 =	sne.s32 s10, $0x13240;
	s10 =	sadd.s32 $0x50, s15  }
0xaf: {  	[tilespmem:s22], [sflag:$0x2] =	stream.indirect.gather [hbm4b:s6+s20], $0x50, s10, s20, $0xb8;
	[tilespmem:$0x1E3C0] =	vst v63  }
0xb0: {  	s10 =	sadd.s32 $0xA0, s15  }
0xb1: {  	[tilespmem:s23], [sflag:$0x3] =	stream.indirect.gather [hbm4b:s6+s20], $0x50, s10, s20, $0xb8;
	[tilespmem:$0x1E3C0] =	vst v63  }
0xb2: {  	s10 =	sadd.s32 $0xF0, s15  }
0xb3: {  	[tilespmem:s24], [sflag:$0x4] =	stream.indirect.gather [hbm4b:s6+s20], $0x50, s10, s20, $0xb8;
	[tilespmem:$0x1E3C0] =	vst v63  }
0xb4: {  	s10 =	sadd.s32 $0x140, s15  }
0xb5: {  	[tilespmem:s25], [sflag:$0x5] =	stream.indirect.gather [hbm4b:s6+s20], $0x50, s10, s20, $0xb8;
	[tilespmem:$0x1E3C0] =	vst v63  }
0xb6: {  	_ =	swait.ge [sflag:s26], $0x1900  }
0xb7: {  	[sflag:s26] =	ssyncset.done $0x0  }
0xb8: {  	s10 =	sadd.s32 $0x4E20, s15;
	[sflag:s26] =	ssyncadd.s32 $0xFFFFE700  }
0xb9: {  	[spmem:s1] =	stream.indirect.scatter.add.f32 [tilespmem:s21], [sflag:$0x6], $0x50, s10, s20, $0xb8;
	[tilespmem:$0x1E3C0] =	vst v63  }
0xba: {  	_ =	swait.ge [sflag:s17], $0x1900  }
0xbb: {  	[sflag:s17] =	ssyncset.done $0x0  }
0xbc: {  	[sflag:s17] =	ssyncadd.s32 $0xFFFFE700  }
0xbd: {  	_ =	swait.ge [sflag:s28], $0x1900  }
0xbe: {  	[sflag:s28] =	ssyncset.done $0x0  }
0xbf: {  	s10 =	sadd.s32 $0x4E70, s15;
	[sflag:s28] =	ssyncadd.s32 $0xFFFFE700  }
0xc0: {  	[spmem:s1] =	stream.indirect.scatter.add.f32 [tilespmem:s22], [sflag:$0x6], $0x50, s10, s20, $0xb8;
	[tilespmem:$0x1E3C0] =	vst v63  }
0xc1: {  	_ =	swait.ge [sflag:s17], $0x1900  }
0xc2: {  	[sflag:s17] =	ssyncset.done $0x0  }
0xc3: {  	[sflag:s17] =	ssyncadd.s32 $0xFFFFE700  }
0xc4: {  	_ =	swait.ge [sflag:s29], $0x1900  }
0xc5: {  	[sflag:s29] =	ssyncset.done $0x0  }
0xc6: {  	s10 =	sadd.s32 $0x4EC0, s15;
	[sflag:s29] =	ssyncadd.s32 $0xFFFFE700  }
0xc7: {  	[spmem:s1] =	stream.indirect.scatter.add.f32 [tilespmem:s23], [sflag:$0x6], $0x50, s10, s20, $0xb8;
	[tilespmem:$0x1E3C0] =	vst v63  }
0xc8: {  	_ =	swait.ge [sflag:s17], $0x1900  }
0xc9: {  	[sflag:s17] =	ssyncset.done $0x0  }
0xca: {  	[sflag:s17] =	ssyncadd.s32 $0xFFFFE700  }
0xcb: {  	_ =	swait.ge [sflag:s30], $0x1900  }
0xcc: {  	[sflag:s30] =	ssyncset.done $0x0  }
0xcd: {  	s10 =	sadd.s32 $0x4F10, s15;
	[sflag:s30] =	ssyncadd.s32 $0xFFFFE700  }
0xce: {  	[spmem:s1] =	stream.indirect.scatter.add.f32 [tilespmem:s24], [sflag:$0x6], $0x50, s10, s20, $0xb8;
	[tilespmem:$0x1E3C0] =	vst v63  }
0xcf: {  	_ =	swait.ge [sflag:s17], $0x1900  }
0xd0: {  	[sflag:s17] =	ssyncset.done $0x0  }
0xd1: {  	[sflag:s17] =	ssyncadd.s32 $0xFFFFE700  }
0xd2: {  	_ =	swait.ge [sflag:s31], $0x1900  }
.Ltmp4:
0xd3: {  	[sflag:s31] =	ssyncset.done $0x0;
	(pc) =	sbr.rel @p1 .LBB2_14-.Ltmp4, $4  }
0xd4: {  	s10 =	sadd.s32 $0x4F60, s15;
	[sflag:s31] =	ssyncadd.s32 $0xFFFFE700  }
0xd5: {  	[spmem:s1] =	stream.indirect.scatter.add.f32 [tilespmem:s25], [sflag:$0x6], $0x50, s10, s20, $0xb8;
	[tilespmem:$0x1E3C0] =	vst v63  }
0xd6: {  	_ =	swait.ge [sflag:s17], $0x1900  }
0xd7: {  	s10 =	smov.u32 s9;
	[sflag:s17] =	ssyncset.done $0x0  }
0xd8: {  	s9 =	sshra.s32 s13, $0x2;
	[sflag:s17] =	ssyncadd.s32 $0xFFFFE700  }
0xd9: {  	[tilespmem:s21], [sflag:$0x1] =	stream.indirect.gather [hbm4b:s6+s20], $0x50, s9, s20, $0xb8;
	[tilespmem:$0x1E3C0] =	vst v63  }
0xda: {  	s10 =	sadd.s32 $0x50, s9  }
0xdb: {  	[tilespmem:s22], [sflag:$0x2] =	stream.indirect.gather [hbm4b:s6+s20], $0x50, s10, s20, $0xb8;
	[tilespmem:$0x1E3C0] =	vst v63  }
0xdc: {  	s15 =	sadd.s32 $0xA0, s9  }
0xdd: {  	[tilespmem:s23], [sflag:$0x3] =	stream.indirect.gather [hbm4b:s6+s20], $0x50, s15, s20, $0xb8;
	[tilespmem:$0x1E3C0] =	vst v63  }
0xde: {  	s18 =	sadd.s32 $0xF0, s9  }
0xdf: {  	[tilespmem:s24], [sflag:$0x4] =	stream.indirect.gather [hbm4b:s6+s20], $0x50, s18, s20, $0xb8;
	[tilespmem:$0x1E3C0] =	vst v63  }
0xe0: {  	s13 =	sadd.s32 $0x140, s9  }
0xe1: {  	[tilespmem:s25], [sflag:$0x5] =	stream.indirect.gather [hbm4b:s6+s20], $0x50, s13, s20, $0xb8;
	[tilespmem:$0x1E3C0] =	vst v63  }
0xe2: {  	_ =	swait.ge [sflag:s26], $0x1900  }
0xe3: {  	[sflag:s26] =	ssyncset.done $0x0  }
0xe4: {  	s15 =	sadd.s32 $0x4E20, s9;
	[sflag:s26] =	ssyncadd.s32 $0xFFFFE700  }
0xe5: {  	[spmem:s1] =	stream.indirect.scatter.add.f32 [tilespmem:s21], [sflag:$0x6], $0x50, s15, s20, $0xb8;
	[tilespmem:$0x1E3C0] =	vst v63  }
0xe6: {  	_ =	swait.ge [sflag:s17], $0x1900  }
0xe7: {  	[sflag:s17] =	ssyncset.done $0x0  }
0xe8: {  	[sflag:s17] =	ssyncadd.s32 $0xFFFFE700  }
0xe9: {  	_ =	swait.ge [sflag:s28], $0x1900  }
0xea: {  	[sflag:s28] =	ssyncset.done $0x0  }
0xeb: {  	s18 =	sadd.s32 $0x4E70, s9;
	[sflag:s28] =	ssyncadd.s32 $0xFFFFE700  }
0xec: {  	[spmem:s1] =	stream.indirect.scatter.add.f32 [tilespmem:s22], [sflag:$0x6], $0x50, s18, s20, $0xb8;
	[tilespmem:$0x1E3C0] =	vst v63  }
0xed: {  	_ =	swait.ge [sflag:s17], $0x1900  }
0xee: {  	[sflag:s17] =	ssyncset.done $0x0  }
0xef: {  	[sflag:s17] =	ssyncadd.s32 $0xFFFFE700  }
0xf0: {  	_ =	swait.ge [sflag:s29], $0x1900  }
0xf1: {  	[sflag:s29] =	ssyncset.done $0x0  }
0xf2: {  	s13 =	sadd.s32 $0x4EC0, s9;
	[sflag:s29] =	ssyncadd.s32 $0xFFFFE700  }
0xf3: {  	[spmem:s1] =	stream.indirect.scatter.add.f32 [tilespmem:s23], [sflag:$0x6], $0x50, s13, s20, $0xb8;
	[tilespmem:$0x1E3C0] =	vst v63  }
0xf4: {  	_ =	swait.ge [sflag:s17], $0x1900  }
0xf5: {  	[sflag:s17] =	ssyncset.done $0x0  }
0xf6: {  	[sflag:s17] =	ssyncadd.s32 $0xFFFFE700  }
0xf7: {  	_ =	swait.ge [sflag:s30], $0x1900  }
0xf8: {  	[sflag:s30] =	ssyncset.done $0x0  }
0xf9: {  	s15 =	sadd.s32 $0x4F10, s9;
	[sflag:s30] =	ssyncadd.s32 $0xFFFFE700  }
0xfa: {  	[spmem:s1] =	stream.indirect.scatter.add.f32 [tilespmem:s24], [sflag:$0x6], $0x50, s15, s20, $0xb8;
	[tilespmem:$0x1E3C0] =	vst v63  }
0xfb: {  	_ =	swait.ge [sflag:s17], $0x1900  }
0xfc: {  	[sflag:s17] =	ssyncset.done $0x0  }
0xfd: {  	[sflag:s17] =	ssyncadd.s32 $0xFFFFE700  }
0xfe: {  	_ =	swait.ge [sflag:s31], $0x1900  }
0xff: {  	[sflag:s31] =	ssyncset.done $0x0  }
0x100: {  	s9 =	sadd.s32 $0x4F60, s9;
	[sflag:s31] =	ssyncadd.s32 $0xFFFFE700  }
0x101: {  	[spmem:s1] =	stream.indirect.scatter.add.f32 [tilespmem:s25], [sflag:$0x6], $0x50, s9, s20, $0xb8;
	[tilespmem:$0x1E3C0] =	vst v63  }
0x102: {  	_ =	swait.ge [sflag:s17], $0x1900  }
0x103: {  	[sflag:s17] =	ssyncset.done $0x0  }
0x104: {  	[sflag:s17] =	ssyncadd.s32 $0xFFFFE700  }
0x105: {  	s18 =	sshll.u32 s2, $0x6;
	[bflag:$0x0] =	sbarrier.arrive $0xFFFF  }
0x106: {  	s10 =	sshrl.u32 s14, $0x3;
	s18 =	sor.u32 $0x1C06, s18;
	s13 =	rddreg [dreg:$0x6]  }
0x107: {  	[hbm:s13], [sflag:s18] =	dma.local [spmem:s10], $0x1900  }
0x108: {  	_ =	swait.ge [sflag:s17], $0x1900  }
0x109: {  	[sflag:s17] =	ssyncset.done $0x0  }
0x10a: {  	s15 =	sadd.s32 $0x0, s14;
	[sflag:s17] =	ssyncadd.s32 $0xFFFFE700  }
0x10b: {  	[spmem:s15] =	stream.linear.scatter [tilespmem:s19], [sflag:$0x6], $0x280, $0x38;
	[tilespmem:$0x1E3C0] =	vst v63  }
0x10c: {  	s9 =	simm.s32 $0xA00;
	_ =	swait.ge [sflag:s17], $0x280  }
.LBB2_16:
0x10d: {  	s10 =	sshra.s32 s9, $0x2;
	[sflag:s17] =	ssyncset.done $0x0;
	p1 =	sne.s32 s9, $0x31600  }
.Ltmp5:
0x10e: {  	s10 =	sadd.s32 s10, s14;
	[sflag:s17] =	ssyncadd.s32 $0xFFFFFD80;
	(pc) =	sbr.rel @p1 .LBB2_16-.Ltmp5, $3  }
0x10f: {  	[spmem:s10] =	stream.linear.scatter [tilespmem:s19], [sflag:$0x6], $0x280, $0x38;
	[tilespmem:$0x1E3C0] =	vst v63  }
0x110: {  	s9 =	sadd.s32 $0xA00, s9;
	_ =	sdelay $0x1  }
0x111: {  	_ =	swait.ge [sflag:s17], $0x280  }
0x112: {  	[sflag:s17] =	ssyncset.done $0x0  }
0x113: {  	[sflag:s17] =	ssyncadd.s32 $0xFFFFFD80  }
0x114: {  	s9 =	simm.s32 $0x0;
	[bflag:$0x0] =	sbarrier.arrive $0xFFFF  }
0x115: {  	[tilespmem:s21], [sflag:$0x1] =	stream.indirect.gather [hbm4b:s8+s20], $0x50, s9, s20, $0xb8;
	[tilespmem:$0x1E3C0] =	vst v63  }
0x116: {  	s10 =	simm.s32 $0x50  }
0x117: {  	[tilespmem:s22], [sflag:$0x2] =	stream.indirect.gather [hbm4b:s8+s20], $0x50, s10, s20, $0xb8;
	[tilespmem:$0x1E3C0] =	vst v63  }
0x118: {  	s13 =	simm.s32 $0xA0  }
0x119: {  	[tilespmem:s23], [sflag:$0x3] =	stream.indirect.gather [hbm4b:s8+s20], $0x50, s13, s20, $0xb8;
	[tilespmem:$0x1E3C0] =	vst v63  }
0x11a: {  	s15 =	simm.s32 $0xF0  }
0x11b: {  	[tilespmem:s24], [sflag:$0x4] =	stream.indirect.gather [hbm4b:s8+s20], $0x50, s15, s20, $0xb8;
	[tilespmem:$0x1E3C0] =	vst v63  }
0x11c: {  	s10 =	simm.s32 $0x140  }
0x11d: {  	[tilespmem:s25], [sflag:$0x5] =	stream.indirect.gather [hbm4b:s8+s20], $0x50, s10, s20, $0xb8;
	[tilespmem:$0x1E3C0] =	vst v63  }
0x11e: {  	_ =	swait.ge [sflag:s26], $0x1900  }
0x11f: {  	[sflag:s26] =	ssyncset.done $0x0  }
0x120: {  	s13 =	simm.s32 $0x4E20;
	[sflag:s26] =	ssyncadd.s32 $0xFFFFE700  }
0x121: {  	[spmem:s1] =	stream.indirect.scatter.add.f32 [tilespmem:s21], [sflag:$0x6], $0x50, s13, s20, $0xb8;
	[tilespmem:$0x1E3C0] =	vst v63  }
0x122: {  	_ =	swait.ge [sflag:s17], $0x1900  }
0x123: {  	[sflag:s17] =	ssyncset.done $0x0  }
0x124: {  	[sflag:s17] =	ssyncadd.s32 $0xFFFFE700  }
0x125: {  	_ =	swait.ge [sflag:s28], $0x1900  }
0x126: {  	[sflag:s28] =	ssyncset.done $0x0  }
0x127: {  	s15 =	simm.s32 $0x4E70;
	[sflag:s28] =	ssyncadd.s32 $0xFFFFE700  }
0x128: {  	[spmem:s1] =	stream.indirect.scatter.add.f32 [tilespmem:s22], [sflag:$0x6], $0x50, s15, s20, $0xb8;
	[tilespmem:$0x1E3C0] =	vst v63  }
0x129: {  	_ =	swait.ge [sflag:s17], $0x1900  }
0x12a: {  	[sflag:s17] =	ssyncset.done $0x0  }
0x12b: {  	[sflag:s17] =	ssyncadd.s32 $0xFFFFE700  }
0x12c: {  	_ =	swait.ge [sflag:s29], $0x1900  }
0x12d: {  	[sflag:s29] =	ssyncset.done $0x0  }
0x12e: {  	s10 =	simm.s32 $0x4EC0;
	[sflag:s29] =	ssyncadd.s32 $0xFFFFE700  }
0x12f: {  	[spmem:s1] =	stream.indirect.scatter.add.f32 [tilespmem:s23], [sflag:$0x6], $0x50, s10, s20, $0xb8;
	[tilespmem:$0x1E3C0] =	vst v63  }
0x130: {  	_ =	swait.ge [sflag:s17], $0x1900  }
0x131: {  	[sflag:s17] =	ssyncset.done $0x0  }
0x132: {  	[sflag:s17] =	ssyncadd.s32 $0xFFFFE700  }
0x133: {  	_ =	swait.ge [sflag:s30], $0x1900  }
0x134: {  	[sflag:s30] =	ssyncset.done $0x0  }
0x135: {  	s13 =	simm.s32 $0x4F10;
	[sflag:s30] =	ssyncadd.s32 $0xFFFFE700  }
0x136: {  	[spmem:s1] =	stream.indirect.scatter.add.f32 [tilespmem:s24], [sflag:$0x6], $0x50, s13, s20, $0xb8;
	[tilespmem:$0x1E3C0] =	vst v63  }
0x137: {  	_ =	swait.ge [sflag:s17], $0x1900  }
0x138: {  	[sflag:s17] =	ssyncset.done $0x0  }
0x139: {  	[sflag:s17] =	ssyncadd.s32 $0xFFFFE700  }
0x13a: {  	_ =	swait.ge [sflag:s31], $0x1900  }
0x13b: {  	[sflag:s31] =	ssyncset.done $0x0  }
0x13c: {  	s15 =	simm.s32 $0x4F60;
	[sflag:s31] =	ssyncadd.s32 $0xFFFFE700  }
0x13d: {  	[spmem:s1] =	stream.indirect.scatter.add.f32 [tilespmem:s25], [sflag:$0x6], $0x50, s15, s20, $0xb8;
	[tilespmem:$0x1E3C0] =	vst v63  }
0x13e: {  	_ =	swait.ge [sflag:s17], $0x1900  }
0x13f: {  	s10 =	simm.s32 $0xC80;
	s13 =	simm.s32 $0x640;
	[sflag:s17] =	ssyncset.done $0x0  }
.LBB2_18:
0x140: {  	s15 =	sshra.s32 s13, $0x2  }
0x141: {  	[sflag:s17] =	ssyncadd.s32 $0xFFFFE700;
	s13 =	smov.u32 s10;
	s9 =	sadd.s32 $0x640, s10  }
0x142: {  	[tilespmem:s21], [sflag:$0x1] =	stream.indirect.gather [hbm4b:s8+s20], $0x50, s15, s20, $0xb8;
	[tilespmem:$0x1E3C0] =	vst v63  }
0x143: {  	p1 =	sne.s32 s10, $0x13240;
	s10 =	sadd.s32 $0x50, s15  }
0x144: {  	[tilespmem:s22], [sflag:$0x2] =	stream.indirect.gather [hbm4b:s8+s20], $0x50, s10, s20, $0xb8;
	[tilespmem:$0x1E3C0] =	vst v63  }
0x145: {  	s10 =	sadd.s32 $0xA0, s15  }
0x146: {  	[tilespmem:s23], [sflag:$0x3] =	stream.indirect.gather [hbm4b:s8+s20], $0x50, s10, s20, $0xb8;
	[tilespmem:$0x1E3C0] =	vst v63  }
0x147: {  	s10 =	sadd.s32 $0xF0, s15  }
0x148: {  	[tilespmem:s24], [sflag:$0x4] =	stream.indirect.gather [hbm4b:s8+s20], $0x50, s10, s20, $0xb8;
	[tilespmem:$0x1E3C0] =	vst v63  }
0x149: {  	s10 =	sadd.s32 $0x140, s15  }
0x14a: {  	[tilespmem:s25], [sflag:$0x5] =	stream.indirect.gather [hbm4b:s8+s20], $0x50, s10, s20, $0xb8;
	[tilespmem:$0x1E3C0] =	vst v63  }
0x14b: {  	_ =	swait.ge [sflag:s26], $0x1900  }
0x14c: {  	[sflag:s26] =	ssyncset.done $0x0  }
0x14d: {  	s10 =	sadd.s32 $0x4E20, s15;
	[sflag:s26] =	ssyncadd.s32 $0xFFFFE700  }
0x14e: {  	[spmem:s1] =	stream.indirect.scatter.add.f32 [tilespmem:s21], [sflag:$0x6], $0x50, s10, s20, $0xb8;
	[tilespmem:$0x1E3C0] =	vst v63  }
0x14f: {  	_ =	swait.ge [sflag:s17], $0x1900  }
0x150: {  	[sflag:s17] =	ssyncset.done $0x0  }
0x151: {  	[sflag:s17] =	ssyncadd.s32 $0xFFFFE700  }
0x152: {  	_ =	swait.ge [sflag:s28], $0x1900  }
0x153: {  	[sflag:s28] =	ssyncset.done $0x0  }
0x154: {  	s10 =	sadd.s32 $0x4E70, s15;
	[sflag:s28] =	ssyncadd.s32 $0xFFFFE700  }
0x155: {  	[spmem:s1] =	stream.indirect.scatter.add.f32 [tilespmem:s22], [sflag:$0x6], $0x50, s10, s20, $0xb8;
	[tilespmem:$0x1E3C0] =	vst v63  }
0x156: {  	_ =	swait.ge [sflag:s17], $0x1900  }
0x157: {  	[sflag:s17] =	ssyncset.done $0x0  }
0x158: {  	[sflag:s17] =	ssyncadd.s32 $0xFFFFE700  }
0x159: {  	_ =	swait.ge [sflag:s29], $0x1900  }
0x15a: {  	[sflag:s29] =	ssyncset.done $0x0  }
0x15b: {  	s10 =	sadd.s32 $0x4EC0, s15;
	[sflag:s29] =	ssyncadd.s32 $0xFFFFE700  }
0x15c: {  	[spmem:s1] =	stream.indirect.scatter.add.f32 [tilespmem:s23], [sflag:$0x6], $0x50, s10, s20, $0xb8;
	[tilespmem:$0x1E3C0] =	vst v63  }
0x15d: {  	_ =	swait.ge [sflag:s17], $0x1900  }
0x15e: {  	[sflag:s17] =	ssyncset.done $0x0  }
0x15f: {  	[sflag:s17] =	ssyncadd.s32 $0xFFFFE700  }
0x160: {  	_ =	swait.ge [sflag:s30], $0x1900  }
0x161: {  	[sflag:s30] =	ssyncset.done $0x0  }
0x162: {  	s10 =	sadd.s32 $0x4F10, s15;
	[sflag:s30] =	ssyncadd.s32 $0xFFFFE700  }
0x163: {  	[spmem:s1] =	stream.indirect.scatter.add.f32 [tilespmem:s24], [sflag:$0x6], $0x50, s10, s20, $0xb8;
	[tilespmem:$0x1E3C0] =	vst v63  }
0x164: {  	_ =	swait.ge [sflag:s17], $0x1900  }
0x165: {  	[sflag:s17] =	ssyncset.done $0x0  }
0x166: {  	[sflag:s17] =	ssyncadd.s32 $0xFFFFE700  }
0x167: {  	_ =	swait.ge [sflag:s31], $0x1900  }
.Ltmp6:
0x168: {  	[sflag:s31] =	ssyncset.done $0x0;
	(pc) =	sbr.rel @p1 .LBB2_18-.Ltmp6, $4  }
0x169: {  	s10 =	sadd.s32 $0x4F60, s15;
	[sflag:s31] =	ssyncadd.s32 $0xFFFFE700  }
0x16a: {  	[spmem:s1] =	stream.indirect.scatter.add.f32 [tilespmem:s25], [sflag:$0x6], $0x50, s10, s20, $0xb8;
	[tilespmem:$0x1E3C0] =	vst v63  }
0x16b: {  	_ =	swait.ge [sflag:s17], $0x1900  }
0x16c: {  	s10 =	smov.u32 s9;
	[sflag:s17] =	ssyncset.done $0x0  }
.Ltmp7:
0x16d: {  	_ = 	snop;
	(pc) =	sbr.rel .LBB2_19-.Ltmp7, $1  }
0x16e: {  	_ =	sdelay $0x3  }
.LBB2_2:
0x16f: {  	[spmem:s9] =	stream.linear.scatter [tilespmem:s19], [sflag:$0x6], $0x280, $0x38;
	[tilespmem:$0x1E3C0] =	vst v63  }
0x170: {  	s9 =	sadd.s32 $0xA00, s3;
	_ =	swait.ge [sflag:s17], $0x280  }
.LBB2_3:
0x171: {  	s10 =	sshra.s32 s9, $0x2;
	[sflag:s17] =	ssyncset.done $0x0;
	p1 =	sne.s32 s9, $0x31600  }
.Ltmp8:
0x172: {  	s10 =	sadd.s32 s10, s14;
	[sflag:s17] =	ssyncadd.s32 $0xFFFFFD80;
	(pc) =	sbr.rel @p1 .LBB2_3-.Ltmp8, $3  }
0x173: {  	[spmem:s10] =	stream.linear.scatter [tilespmem:s19], [sflag:$0x6], $0x280, $0x38;
	[tilespmem:$0x1E3C0] =	vst v63  }
0x174: {  	s9 =	sadd.s32 $0xA00, s9;
	_ =	sdelay $0x1  }
0x175: {  	_ =	swait.ge [sflag:s17], $0x280  }
0x176: {  	[sflag:s17] =	ssyncset.done $0x0  }
0x177: {  	[sflag:s17] =	ssyncadd.s32 $0xFFFFFD80  }
0x178: {  	s9 =	simm.s32 $0x0;
	[bflag:$0x0] =	sbarrier.arrive $0xFFFF  }
0x179: {  	[tilespmem:s21], [sflag:$0x1] =	stream.indirect.gather [hbm4b:s4+s20], $0x50, s9, s20, $0xb8;
	[tilespmem:$0x1E3C0] =	vst v63  }
0x17a: {  	s18 =	simm.s32 $0x50  }
0x17b: {  	[tilespmem:s22], [sflag:$0x2] =	stream.indirect.gather [hbm4b:s4+s20], $0x50, s18, s20, $0xb8;
	[tilespmem:$0x1E3C0] =	vst v63  }
0x17c: {  	s10 =	simm.s32 $0xA0  }
0x17d: {  	[tilespmem:s23], [sflag:$0x3] =	stream.indirect.gather [hbm4b:s4+s20], $0x50, s10, s20, $0xb8;
	[tilespmem:$0x1E3C0] =	vst v63  }
0x17e: {  	s13 =	simm.s32 $0xF0  }
0x17f: {  	[tilespmem:s24], [sflag:$0x4] =	stream.indirect.gather [hbm4b:s4+s20], $0x50, s13, s20, $0xb8;
	[tilespmem:$0x1E3C0] =	vst v63  }
0x180: {  	s15 =	simm.s32 $0x140  }
0x181: {  	[tilespmem:s25], [sflag:$0x5] =	stream.indirect.gather [hbm4b:s4+s20], $0x50, s15, s20, $0xb8;
	[tilespmem:$0x1E3C0] =	vst v63  }
0x182: {  	_ =	swait.ge [sflag:s26], $0x1900  }
0x183: {  	[sflag:s26] =	ssyncset.done $0x0  }
0x184: {  	s18 =	simm.s32 $0x4E20;
	[sflag:s26] =	ssyncadd.s32 $0xFFFFE700  }
0x185: {  	[spmem:s1] =	stream.indirect.scatter.add.f32 [tilespmem:s21], [sflag:$0x6], $0x50, s18, s20, $0xb8;
	[tilespmem:$0x1E3C0] =	vst v63  }
0x186: {  	_ =	swait.ge [sflag:s17], $0x1900  }
0x187: {  	[sflag:s17] =	ssyncset.done $0x0  }
0x188: {  	[sflag:s17] =	ssyncadd.s32 $0xFFFFE700  }
0x189: {  	_ =	swait.ge [sflag:s28], $0x1900  }
0x18a: {  	[sflag:s28] =	ssyncset.done $0x0  }
0x18b: {  	s10 =	simm.s32 $0x4E70;
	[sflag:s28] =	ssyncadd.s32 $0xFFFFE700  }
0x18c: {  	[spmem:s1] =	stream.indirect.scatter.add.f32 [tilespmem:s22], [sflag:$0x6], $0x50, s10, s20, $0xb8;
	[tilespmem:$0x1E3C0] =	vst v63  }
0x18d: {  	_ =	swait.ge [sflag:s17], $0x1900  }
0x18e: {  	[sflag:s17] =	ssyncset.done $0x0  }
0x18f: {  	[sflag:s17] =	ssyncadd.s32 $0xFFFFE700  }
0x190: {  	_ =	swait.ge [sflag:s29], $0x1900  }
0x191: {  	[sflag:s29] =	ssyncset.done $0x0  }
0x192: {  	s13 =	simm.s32 $0x4EC0;
	[sflag:s29] =	ssyncadd.s32 $0xFFFFE700  }
0x193: {  	[spmem:s1] =	stream.indirect.scatter.add.f32 [tilespmem:s23], [sflag:$0x6], $0x50, s13, s20, $0xb8;
	[tilespmem:$0x1E3C0] =	vst v63  }
0x194: {  	_ =	swait.ge [sflag:s17], $0x1900  }
0x195: {  	[sflag:s17] =	ssyncset.done $0x0  }
0x196: {  	[sflag:s17] =	ssyncadd.s32 $0xFFFFE700  }
0x197: {  	_ =	swait.ge [sflag:s30], $0x1900  }
0x198: {  	[sflag:s30] =	ssyncset.done $0x0  }
0x199: {  	s15 =	simm.s32 $0x4F10;
	[sflag:s30] =	ssyncadd.s32 $0xFFFFE700  }
0x19a: {  	[spmem:s1] =	stream.indirect.scatter.add.f32 [tilespmem:s24], [sflag:$0x6], $0x50, s15, s20, $0xb8;
	[tilespmem:$0x1E3C0] =	vst v63  }
0x19b: {  	_ =	swait.ge [sflag:s17], $0x1900  }
0x19c: {  	[sflag:s17] =	ssyncset.done $0x0  }
0x19d: {  	[sflag:s17] =	ssyncadd.s32 $0xFFFFE700  }
0x19e: {  	_ =	swait.ge [sflag:s31], $0x1900  }
0x19f: {  	[sflag:s31] =	ssyncset.done $0x0  }
0x1a0: {  	s18 =	simm.s32 $0x4F60;
	[sflag:s31] =	ssyncadd.s32 $0xFFFFE700  }
0x1a1: {  	[spmem:s1] =	stream.indirect.scatter.add.f32 [tilespmem:s25], [sflag:$0x6], $0x50, s18, s20, $0xb8;
	[tilespmem:$0x1E3C0] =	vst v63  }
0x1a2: {  	_ =	swait.ge [sflag:s17], $0x1900  }
0x1a3: {  	s15 =	simm.s32 $0xC80;
	s18 =	simm.s32 $0x640;
	[sflag:s17] =	ssyncset.done $0x0  }
.LBB2_5:
0x1a4: {  	s9 =	sshra.s32 s18, $0x2  }
0x1a5: {  	[sflag:s17] =	ssyncadd.s32 $0xFFFFE700;
	s18 =	smov.u32 s15;
	s13 =	sadd.s32 $0x640, s15  }
0x1a6: {  	[tilespmem:s21], [sflag:$0x1] =	stream.indirect.gather [hbm4b:s4+s20], $0x50, s9, s20, $0xb8;
	[tilespmem:$0x1E3C0] =	vst v63  }
0x1a7: {  	p1 =	sne.s32 s15, $0x13240;
	s10 =	sadd.s32 $0x50, s9  }
0x1a8: {  	[tilespmem:s22], [sflag:$0x2] =	stream.indirect.gather [hbm4b:s4+s20], $0x50, s10, s20, $0xb8;
	[tilespmem:$0x1E3C0] =	vst v63  }
0x1a9: {  	s10 =	sadd.s32 $0xA0, s9  }
0x1aa: {  	[tilespmem:s23], [sflag:$0x3] =	stream.indirect.gather [hbm4b:s4+s20], $0x50, s10, s20, $0xb8;
	[tilespmem:$0x1E3C0] =	vst v63  }
0x1ab: {  	s10 =	sadd.s32 $0xF0, s9  }
0x1ac: {  	[tilespmem:s24], [sflag:$0x4] =	stream.indirect.gather [hbm4b:s4+s20], $0x50, s10, s20, $0xb8;
	[tilespmem:$0x1E3C0] =	vst v63  }
0x1ad: {  	s10 =	sadd.s32 $0x140, s9  }
0x1ae: {  	[tilespmem:s25], [sflag:$0x5] =	stream.indirect.gather [hbm4b:s4+s20], $0x50, s10, s20, $0xb8;
	[tilespmem:$0x1E3C0] =	vst v63  }
0x1af: {  	_ =	swait.ge [sflag:s26], $0x1900  }
0x1b0: {  	[sflag:s26] =	ssyncset.done $0x0  }
0x1b1: {  	s10 =	sadd.s32 $0x4E20, s9;
	[sflag:s26] =	ssyncadd.s32 $0xFFFFE700  }
0x1b2: {  	[spmem:s1] =	stream.indirect.scatter.add.f32 [tilespmem:s21], [sflag:$0x6], $0x50, s10, s20, $0xb8;
	[tilespmem:$0x1E3C0] =	vst v63  }
0x1b3: {  	_ =	swait.ge [sflag:s17], $0x1900  }
0x1b4: {  	[sflag:s17] =	ssyncset.done $0x0  }
0x1b5: {  	[sflag:s17] =	ssyncadd.s32 $0xFFFFE700  }
0x1b6: {  	_ =	swait.ge [sflag:s28], $0x1900  }
0x1b7: {  	[sflag:s28] =	ssyncset.done $0x0  }
0x1b8: {  	s10 =	sadd.s32 $0x4E70, s9;
	[sflag:s28] =	ssyncadd.s32 $0xFFFFE700  }
0x1b9: {  	[spmem:s1] =	stream.indirect.scatter.add.f32 [tilespmem:s22], [sflag:$0x6], $0x50, s10, s20, $0xb8;
	[tilespmem:$0x1E3C0] =	vst v63  }
0x1ba: {  	_ =	swait.ge [sflag:s17], $0x1900  }
0x1bb: {  	[sflag:s17] =	ssyncset.done $0x0  }
0x1bc: {  	[sflag:s17] =	ssyncadd.s32 $0xFFFFE700  }
0x1bd: {  	_ =	swait.ge [sflag:s29], $0x1900  }
0x1be: {  	[sflag:s29] =	ssyncset.done $0x0  }
0x1bf: {  	s10 =	sadd.s32 $0x4EC0, s9;
	[sflag:s29] =	ssyncadd.s32 $0xFFFFE700  }
0x1c0: {  	[spmem:s1] =	stream.indirect.scatter.add.f32 [tilespmem:s23], [sflag:$0x6], $0x50, s10, s20, $0xb8;
	[tilespmem:$0x1E3C0] =	vst v63  }
0x1c1: {  	_ =	swait.ge [sflag:s17], $0x1900  }
0x1c2: {  	[sflag:s17] =	ssyncset.done $0x0  }
0x1c3: {  	[sflag:s17] =	ssyncadd.s32 $0xFFFFE700  }
0x1c4: {  	_ =	swait.ge [sflag:s30], $0x1900  }
0x1c5: {  	[sflag:s30] =	ssyncset.done $0x0  }
0x1c6: {  	s10 =	sadd.s32 $0x4F10, s9;
	[sflag:s30] =	ssyncadd.s32 $0xFFFFE700  }
0x1c7: {  	[spmem:s1] =	stream.indirect.scatter.add.f32 [tilespmem:s24], [sflag:$0x6], $0x50, s10, s20, $0xb8;
	[tilespmem:$0x1E3C0] =	vst v63  }
0x1c8: {  	_ =	swait.ge [sflag:s17], $0x1900  }
0x1c9: {  	[sflag:s17] =	ssyncset.done $0x0  }
0x1ca: {  	[sflag:s17] =	ssyncadd.s32 $0xFFFFE700  }
0x1cb: {  	_ =	swait.ge [sflag:s31], $0x1900  }
.Ltmp9:
0x1cc: {  	[sflag:s31] =	ssyncset.done $0x0;
	(pc) =	sbr.rel @p1 .LBB2_5-.Ltmp9, $4  }
0x1cd: {  	s9 =	sadd.s32 $0x4F60, s9;
	[sflag:s31] =	ssyncadd.s32 $0xFFFFE700  }
0x1ce: {  	[spmem:s1] =	stream.indirect.scatter.add.f32 [tilespmem:s25], [sflag:$0x6], $0x50, s9, s20, $0xb8;
	[tilespmem:$0x1E3C0] =	vst v63  }
0x1cf: {  	_ =	swait.ge [sflag:s17], $0x1900  }
0x1d0: {  	s15 =	smov.u32 s13;
	[sflag:s17] =	ssyncset.done $0x0  }
0x1d1: {  	s9 =	sshra.s32 s18, $0x2;
	[sflag:s17] =	ssyncadd.s32 $0xFFFFE700  }
0x1d2: {  	[tilespmem:s21], [sflag:$0x1] =	stream.indirect.gather [hbm4b:s4+s20], $0x50, s9, s20, $0xb8;
	[tilespmem:$0x1E3C0] =	vst v63  }
0x1d3: {  	s10 =	sadd.s32 $0x50, s9  }
0x1d4: {  	[tilespmem:s22], [sflag:$0x2] =	stream.indirect.gather [hbm4b:s4+s20], $0x50, s10, s20, $0xb8;
	[tilespmem:$0x1E3C0] =	vst v63  }
0x1d5: {  	s15 =	sadd.s32 $0xA0, s9  }
0x1d6: {  	[tilespmem:s23], [sflag:$0x3] =	stream.indirect.gather [hbm4b:s4+s20], $0x50, s15, s20, $0xb8;
	[tilespmem:$0x1E3C0] =	vst v63  }
0x1d7: {  	s18 =	sadd.s32 $0xF0, s9  }
0x1d8: {  	[tilespmem:s24], [sflag:$0x4] =	stream.indirect.gather [hbm4b:s4+s20], $0x50, s18, s20, $0xb8;
	[tilespmem:$0x1E3C0] =	vst v63  }
0x1d9: {  	s13 =	sadd.s32 $0x140, s9  }
0x1da: {  	[tilespmem:s25], [sflag:$0x5] =	stream.indirect.gather [hbm4b:s4+s20], $0x50, s13, s20, $0xb8;
	[tilespmem:$0x1E3C0] =	vst v63  }
0x1db: {  	_ =	swait.ge [sflag:s26], $0x1900  }
0x1dc: {  	[sflag:s26] =	ssyncset.done $0x0  }
0x1dd: {  	s15 =	sadd.s32 $0x4E20, s9;
	[sflag:s26] =	ssyncadd.s32 $0xFFFFE700  }
0x1de: {  	[spmem:s1] =	stream.indirect.scatter.add.f32 [tilespmem:s21], [sflag:$0x6], $0x50, s15, s20, $0xb8;
	[tilespmem:$0x1E3C0] =	vst v63  }
0x1df: {  	_ =	swait.ge [sflag:s17], $0x1900  }
0x1e0: {  	[sflag:s17] =	ssyncset.done $0x0  }
0x1e1: {  	[sflag:s17] =	ssyncadd.s32 $0xFFFFE700  }
0x1e2: {  	_ =	swait.ge [sflag:s28], $0x1900  }
0x1e3: {  	[sflag:s28] =	ssyncset.done $0x0  }
0x1e4: {  	s18 =	sadd.s32 $0x4E70, s9;
	[sflag:s28] =	ssyncadd.s32 $0xFFFFE700  }
0x1e5: {  	[spmem:s1] =	stream.indirect.scatter.add.f32 [tilespmem:s22], [sflag:$0x6], $0x50, s18, s20, $0xb8;
	[tilespmem:$0x1E3C0] =	vst v63  }
0x1e6: {  	_ =	swait.ge [sflag:s17], $0x1900  }
0x1e7: {  	[sflag:s17] =	ssyncset.done $0x0  }
0x1e8: {  	[sflag:s17] =	ssyncadd.s32 $0xFFFFE700  }
0x1e9: {  	_ =	swait.ge [sflag:s29], $0x1900  }
0x1ea: {  	[sflag:s29] =	ssyncset.done $0x0  }
0x1eb: {  	s13 =	sadd.s32 $0x4EC0, s9;
	[sflag:s29] =	ssyncadd.s32 $0xFFFFE700  }
0x1ec: {  	[spmem:s1] =	stream.indirect.scatter.add.f32 [tilespmem:s23], [sflag:$0x6], $0x50, s13, s20, $0xb8;
	[tilespmem:$0x1E3C0] =	vst v63  }
0x1ed: {  	_ =	swait.ge [sflag:s17], $0x1900  }
0x1ee: {  	[sflag:s17] =	ssyncset.done $0x0  }
0x1ef: {  	[sflag:s17] =	ssyncadd.s32 $0xFFFFE700  }
0x1f0: {  	_ =	swait.ge [sflag:s30], $0x1900  }
0x1f1: {  	[sflag:s30] =	ssyncset.done $0x0  }
0x1f2: {  	s15 =	sadd.s32 $0x4F10, s9;
	[sflag:s30] =	ssyncadd.s32 $0xFFFFE700  }
0x1f3: {  	[spmem:s1] =	stream.indirect.scatter.add.f32 [tilespmem:s24], [sflag:$0x6], $0x50, s15, s20, $0xb8;
	[tilespmem:$0x1E3C0] =	vst v63  }
0x1f4: {  	_ =	swait.ge [sflag:s17], $0x1900  }
0x1f5: {  	[sflag:s17] =	ssyncset.done $0x0  }
0x1f6: {  	[sflag:s17] =	ssyncadd.s32 $0xFFFFE700  }
0x1f7: {  	_ =	swait.ge [sflag:s31], $0x1900  }
0x1f8: {  	[sflag:s31] =	ssyncset.done $0x0  }
0x1f9: {  	s9 =	sadd.s32 $0x4F60, s9;
	[sflag:s31] =	ssyncadd.s32 $0xFFFFE700  }
0x1fa: {  	[spmem:s1] =	stream.indirect.scatter.add.f32 [tilespmem:s25], [sflag:$0x6], $0x50, s9, s20, $0xb8;
	[tilespmem:$0x1E3C0] =	vst v63  }
0x1fb: {  	_ =	swait.ge [sflag:s17], $0x1900  }
0x1fc: {  	[sflag:s17] =	ssyncset.done $0x0  }
0x1fd: {  	[sflag:s17] =	ssyncadd.s32 $0xFFFFE700  }
0x1fe: {  	s18 =	sshll.u32 s2, $0x6;
	[bflag:$0x0] =	sbarrier.arrive $0xFFFF  }
0x1ff: {  	s10 =	sshrl.u32 s14, $0x3;
	s18 =	sor.u32 $0x1C06, s18;
	s13 =	rddreg [dreg:$0x5]  }
0x200: {  	[hbm:s13], [sflag:s18] =	dma.local [spmem:s10], $0x1900  }
0x201: {  	_ =	swait.ge [sflag:s17], $0x1900  }
0x202: {  	[sflag:s17] =	ssyncset.done $0x0  }
0x203: {  	s15 =	sadd.s32 $0x0, s14;
	[sflag:s17] =	ssyncadd.s32 $0xFFFFE700  }
0x204: {  	[spmem:s15] =	stream.linear.scatter [tilespmem:s19], [sflag:$0x6], $0x280, $0x38;
	[tilespmem:$0x1E3C0] =	vst v63  }
0x205: {  	s9 =	simm.s32 $0xA00;
	_ =	swait.ge [sflag:s17], $0x280  }
.LBB2_7:
0x206: {  	s10 =	sshra.s32 s9, $0x2;
	[sflag:s17] =	ssyncset.done $0x0;
	p1 =	sne.s32 s9, $0x31600  }
.Ltmp10:
0x207: {  	s10 =	sadd.s32 s10, s14;
	[sflag:s17] =	ssyncadd.s32 $0xFFFFFD80;
	(pc) =	sbr.rel @p1 .LBB2_7-.Ltmp10, $3  }
0x208: {  	[spmem:s10] =	stream.linear.scatter [tilespmem:s19], [sflag:$0x6], $0x280, $0x38;
	[tilespmem:$0x1E3C0] =	vst v63  }
0x209: {  	s9 =	sadd.s32 $0xA00, s9;
	_ =	sdelay $0x1  }
0x20a: {  	_ =	swait.ge [sflag:s17], $0x280  }
0x20b: {  	[sflag:s17] =	ssyncset.done $0x0  }
0x20c: {  	[sflag:s17] =	ssyncadd.s32 $0xFFFFFD80  }
0x20d: {  	s9 =	simm.s32 $0x0;
	[bflag:$0x0] =	sbarrier.arrive $0xFFFF  }
0x20e: {  	[tilespmem:s21], [sflag:$0x1] =	stream.indirect.gather [hbm4b:s5+s20], $0x50, s9, s20, $0xb8;
	[tilespmem:$0x1E3C0] =	vst v63  }
0x20f: {  	s10 =	simm.s32 $0x50  }
0x210: {  	[tilespmem:s22], [sflag:$0x2] =	stream.indirect.gather [hbm4b:s5+s20], $0x50, s10, s20, $0xb8;
	[tilespmem:$0x1E3C0] =	vst v63  }
0x211: {  	s13 =	simm.s32 $0xA0  }
0x212: {  	[tilespmem:s23], [sflag:$0x3] =	stream.indirect.gather [hbm4b:s5+s20], $0x50, s13, s20, $0xb8;
	[tilespmem:$0x1E3C0] =	vst v63  }
0x213: {  	s15 =	simm.s32 $0xF0  }
0x214: {  	[tilespmem:s24], [sflag:$0x4] =	stream.indirect.gather [hbm4b:s5+s20], $0x50, s15, s20, $0xb8;
	[tilespmem:$0x1E3C0] =	vst v63  }
0x215: {  	s10 =	simm.s32 $0x140  }
0x216: {  	[tilespmem:s25], [sflag:$0x5] =	stream.indirect.gather [hbm4b:s5+s20], $0x50, s10, s20, $0xb8;
	[tilespmem:$0x1E3C0] =	vst v63  }
0x217: {  	_ =	swait.ge [sflag:s26], $0x1900  }
0x218: {  	[sflag:s26] =	ssyncset.done $0x0  }
0x219: {  	s13 =	simm.s32 $0x4E20;
	[sflag:s26] =	ssyncadd.s32 $0xFFFFE700  }
0x21a: {  	[spmem:s1] =	stream.indirect.scatter.add.f32 [tilespmem:s21], [sflag:$0x6], $0x50, s13, s20, $0xb8;
	[tilespmem:$0x1E3C0] =	vst v63  }
0x21b: {  	_ =	swait.ge [sflag:s17], $0x1900  }
0x21c: {  	[sflag:s17] =	ssyncset.done $0x0  }
0x21d: {  	[sflag:s17] =	ssyncadd.s32 $0xFFFFE700  }
0x21e: {  	_ =	swait.ge [sflag:s28], $0x1900  }
0x21f: {  	[sflag:s28] =	ssyncset.done $0x0  }
0x220: {  	s15 =	simm.s32 $0x4E70;
	[sflag:s28] =	ssyncadd.s32 $0xFFFFE700  }
0x221: {  	[spmem:s1] =	stream.indirect.scatter.add.f32 [tilespmem:s22], [sflag:$0x6], $0x50, s15, s20, $0xb8;
	[tilespmem:$0x1E3C0] =	vst v63  }
0x222: {  	_ =	swait.ge [sflag:s17], $0x1900  }
0x223: {  	[sflag:s17] =	ssyncset.done $0x0  }
0x224: {  	[sflag:s17] =	ssyncadd.s32 $0xFFFFE700  }
0x225: {  	_ =	swait.ge [sflag:s29], $0x1900  }
0x226: {  	[sflag:s29] =	ssyncset.done $0x0  }
0x227: {  	s10 =	simm.s32 $0x4EC0;
	[sflag:s29] =	ssyncadd.s32 $0xFFFFE700  }
0x228: {  	[spmem:s1] =	stream.indirect.scatter.add.f32 [tilespmem:s23], [sflag:$0x6], $0x50, s10, s20, $0xb8;
	[tilespmem:$0x1E3C0] =	vst v63  }
0x229: {  	_ =	swait.ge [sflag:s17], $0x1900  }
0x22a: {  	[sflag:s17] =	ssyncset.done $0x0  }
0x22b: {  	[sflag:s17] =	ssyncadd.s32 $0xFFFFE700  }
0x22c: {  	_ =	swait.ge [sflag:s30], $0x1900  }
0x22d: {  	[sflag:s30] =	ssyncset.done $0x0  }
0x22e: {  	s13 =	simm.s32 $0x4F10;
	[sflag:s30] =	ssyncadd.s32 $0xFFFFE700  }
0x22f: {  	[spmem:s1] =	stream.indirect.scatter.add.f32 [tilespmem:s24], [sflag:$0x6], $0x50, s13, s20, $0xb8;
	[tilespmem:$0x1E3C0] =	vst v63  }
0x230: {  	_ =	swait.ge [sflag:s17], $0x1900  }
0x231: {  	[sflag:s17] =	ssyncset.done $0x0  }
0x232: {  	[sflag:s17] =	ssyncadd.s32 $0xFFFFE700  }
0x233: {  	_ =	swait.ge [sflag:s31], $0x1900  }
0x234: {  	[sflag:s31] =	ssyncset.done $0x0  }
0x235: {  	s15 =	simm.s32 $0x4F60;
	[sflag:s31] =	ssyncadd.s32 $0xFFFFE700  }
0x236: {  	[spmem:s1] =	stream.indirect.scatter.add.f32 [tilespmem:s25], [sflag:$0x6], $0x50, s15, s20, $0xb8;
	[tilespmem:$0x1E3C0] =	vst v63  }
0x237: {  	_ =	swait.ge [sflag:s17], $0x1900  }
0x238: {  	s9 =	simm.s32 $0xC80;
	s13 =	simm.s32 $0x640;
	[sflag:s17] =	ssyncset.done $0x0  }
.LBB2_9:
0x239: {  	s15 =	sshra.s32 s13, $0x2  }
0x23a: {  	[sflag:s17] =	ssyncadd.s32 $0xFFFFE700;
	s13 =	smov.u32 s9;
	s10 =	sadd.s32 $0x640, s9  }
0x23b: {  	[tilespmem:s21], [sflag:$0x1] =	stream.indirect.gather [hbm4b:s5+s20], $0x50, s15, s20, $0xb8;
	[tilespmem:$0x1E3C0] =	vst v63  }
0x23c: {  	p1 =	seq.s32 s9, $0x13240;
	s9 =	sadd.s32 $0x50, s15  }
0x23d: {  	[tilespmem:s22], [sflag:$0x2] =	stream.indirect.gather [hbm4b:s5+s20], $0x50, s9, s20, $0xb8;
	[tilespmem:$0x1E3C0] =	vst v63  }
0x23e: {  	s9 =	sadd.s32 $0xA0, s15  }
0x23f: {  	[tilespmem:s23], [sflag:$0x3] =	stream.indirect.gather [hbm4b:s5+s20], $0x50, s9, s20, $0xb8;
	[tilespmem:$0x1E3C0] =	vst v63  }
0x240: {  	s9 =	sadd.s32 $0xF0, s15  }
0x241: {  	[tilespmem:s24], [sflag:$0x4] =	stream.indirect.gather [hbm4b:s5+s20], $0x50, s9, s20, $0xb8;
	[tilespmem:$0x1E3C0] =	vst v63  }
0x242: {  	s9 =	sadd.s32 $0x140, s15  }
0x243: {  	[tilespmem:s25], [sflag:$0x5] =	stream.indirect.gather [hbm4b:s5+s20], $0x50, s9, s20, $0xb8;
	[tilespmem:$0x1E3C0] =	vst v63  }
0x244: {  	_ =	swait.ge [sflag:s26], $0x1900  }
0x245: {  	[sflag:s26] =	ssyncset.done $0x0  }
0x246: {  	s9 =	sadd.s32 $0x4E20, s15;
	[sflag:s26] =	ssyncadd.s32 $0xFFFFE700  }
0x247: {  	[spmem:s1] =	stream.indirect.scatter.add.f32 [tilespmem:s21], [sflag:$0x6], $0x50, s9, s20, $0xb8;
	[tilespmem:$0x1E3C0] =	vst v63  }
0x248: {  	_ =	swait.ge [sflag:s17], $0x1900  }
0x249: {  	[sflag:s17] =	ssyncset.done $0x0  }
0x24a: {  	[sflag:s17] =	ssyncadd.s32 $0xFFFFE700  }
0x24b: {  	_ =	swait.ge [sflag:s28], $0x1900  }
0x24c: {  	[sflag:s28] =	ssyncset.done $0x0  }
0x24d: {  	s9 =	sadd.s32 $0x4E70, s15;
	[sflag:s28] =	ssyncadd.s32 $0xFFFFE700  }
0x24e: {  	[spmem:s1] =	stream.indirect.scatter.add.f32 [tilespmem:s22], [sflag:$0x6], $0x50, s9, s20, $0xb8;
	[tilespmem:$0x1E3C0] =	vst v63  }
0x24f: {  	_ =	swait.ge [sflag:s17], $0x1900  }
0x250: {  	[sflag:s17] =	ssyncset.done $0x0  }
0x251: {  	[sflag:s17] =	ssyncadd.s32 $0xFFFFE700  }
0x252: {  	_ =	swait.ge [sflag:s29], $0x1900  }
0x253: {  	[sflag:s29] =	ssyncset.done $0x0  }
0x254: {  	s9 =	sadd.s32 $0x4EC0, s15;
	[sflag:s29] =	ssyncadd.s32 $0xFFFFE700  }
0x255: {  	[spmem:s1] =	stream.indirect.scatter.add.f32 [tilespmem:s23], [sflag:$0x6], $0x50, s9, s20, $0xb8;
	[tilespmem:$0x1E3C0] =	vst v63  }
0x256: {  	_ =	swait.ge [sflag:s17], $0x1900  }
0x257: {  	[sflag:s17] =	ssyncset.done $0x0  }
0x258: {  	[sflag:s17] =	ssyncadd.s32 $0xFFFFE700  }
0x259: {  	_ =	swait.ge [sflag:s30], $0x1900  }
0x25a: {  	[sflag:s30] =	ssyncset.done $0x0  }
0x25b: {  	s9 =	sadd.s32 $0x4F10, s15;
	[sflag:s30] =	ssyncadd.s32 $0xFFFFE700  }
0x25c: {  	[spmem:s1] =	stream.indirect.scatter.add.f32 [tilespmem:s24], [sflag:$0x6], $0x50, s9, s20, $0xb8;
	[tilespmem:$0x1E3C0] =	vst v63  }
0x25d: {  	_ =	swait.ge [sflag:s17], $0x1900  }
0x25e: {  	[sflag:s17] =	ssyncset.done $0x0  }
0x25f: {  	[sflag:s17] =	ssyncadd.s32 $0xFFFFE700  }
0x260: {  	_ =	swait.ge [sflag:s31], $0x1900  }
.Ltmp11:
0x261: {  	[sflag:s31] =	ssyncset.done $0x0;
	(pc) =	sbr.rel @!p1 .LBB2_9-.Ltmp11, $4  }
0x262: {  	s9 =	sadd.s32 $0x4F60, s15;
	[sflag:s31] =	ssyncadd.s32 $0xFFFFE700  }
0x263: {  	[spmem:s1] =	stream.indirect.scatter.add.f32 [tilespmem:s25], [sflag:$0x6], $0x50, s9, s20, $0xb8;
	[tilespmem:$0x1E3C0] =	vst v63  }
0x264: {  	_ =	swait.ge [sflag:s17], $0x1900  }
0x265: {  	s9 =	smov.u32 s10;
	[sflag:s17] =	ssyncset.done $0x0  }
0x266: {  	s9 =	sshra.s32 s13, $0x2;
	[sflag:s17] =	ssyncadd.s32 $0xFFFFE700  }
0x267: {  	[tilespmem:s21], [sflag:$0x1] =	stream.indirect.gather [hbm4b:s5+s20], $0x50, s9, s20, $0xb8;
	[tilespmem:$0x1E3C0] =	vst v63  }
0x268: {  	s10 =	sadd.s32 $0x50, s9  }
0x269: {  	[tilespmem:s22], [sflag:$0x2] =	stream.indirect.gather [hbm4b:s5+s20], $0x50, s10, s20, $0xb8;
	[tilespmem:$0x1E3C0] =	vst v63  }
0x26a: {  	s15 =	sadd.s32 $0xA0, s9  }
0x26b: {  	[tilespmem:s23], [sflag:$0x3] =	stream.indirect.gather [hbm4b:s5+s20], $0x50, s15, s20, $0xb8;
	[tilespmem:$0x1E3C0] =	vst v63  }
0x26c: {  	s13 =	sadd.s32 $0xF0, s9  }
0x26d: {  	[tilespmem:s24], [sflag:$0x4] =	stream.indirect.gather [hbm4b:s5+s20], $0x50, s13, s20, $0xb8;
	[tilespmem:$0x1E3C0] =	vst v63  }
0x26e: {  	s15 =	sadd.s32 $0x140, s9  }
0x26f: {  	[tilespmem:s25], [sflag:$0x5] =	stream.indirect.gather [hbm4b:s5+s20], $0x50, s15, s20, $0xb8;
	[tilespmem:$0x1E3C0] =	vst v63  }
0x270: {  	_ =	swait.ge [sflag:s26], $0x1900  }
0x271: {  	[sflag:s26] =	ssyncset.done $0x0  }
0x272: {  	s13 =	sadd.s32 $0x4E20, s9;
	[sflag:s26] =	ssyncadd.s32 $0xFFFFE700  }
0x273: {  	[spmem:s1] =	stream.indirect.scatter.add.f32 [tilespmem:s21], [sflag:$0x6], $0x50, s13, s20, $0xb8;
	[tilespmem:$0x1E3C0] =	vst v63  }
0x274: {  	_ =	swait.ge [sflag:s17], $0x1900  }
0x275: {  	[sflag:s17] =	ssyncset.done $0x0  }
0x276: {  	[sflag:s17] =	ssyncadd.s32 $0xFFFFE700  }
0x277: {  	_ =	swait.ge [sflag:s28], $0x1900  }
0x278: {  	[sflag:s28] =	ssyncset.done $0x0  }
0x279: {  	s15 =	sadd.s32 $0x4E70, s9;
	[sflag:s28] =	ssyncadd.s32 $0xFFFFE700  }
0x27a: {  	[spmem:s1] =	stream.indirect.scatter.add.f32 [tilespmem:s22], [sflag:$0x6], $0x50, s15, s20, $0xb8;
	[tilespmem:$0x1E3C0] =	vst v63  }
0x27b: {  	_ =	swait.ge [sflag:s17], $0x1900  }
0x27c: {  	[sflag:s17] =	ssyncset.done $0x0  }
0x27d: {  	[sflag:s17] =	ssyncadd.s32 $0xFFFFE700  }
0x27e: {  	_ =	swait.ge [sflag:s29], $0x1900  }
0x27f: {  	[sflag:s29] =	ssyncset.done $0x0  }
0x280: {  	s13 =	sadd.s32 $0x4EC0, s9;
	[sflag:s29] =	ssyncadd.s32 $0xFFFFE700  }
0x281: {  	[spmem:s1] =	stream.indirect.scatter.add.f32 [tilespmem:s23], [sflag:$0x6], $0x50, s13, s20, $0xb8;
	[tilespmem:$0x1E3C0] =	vst v63  }
0x282: {  	_ =	swait.ge [sflag:s17], $0x1900  }
0x283: {  	[sflag:s17] =	ssyncset.done $0x0  }
0x284: {  	[sflag:s17] =	ssyncadd.s32 $0xFFFFE700  }
0x285: {  	_ =	swait.ge [sflag:s30], $0x1900  }
0x286: {  	[sflag:s30] =	ssyncset.done $0x0  }
0x287: {  	s15 =	sadd.s32 $0x4F10, s9;
	[sflag:s30] =	ssyncadd.s32 $0xFFFFE700  }
0x288: {  	[spmem:s1] =	stream.indirect.scatter.add.f32 [tilespmem:s24], [sflag:$0x6], $0x50, s15, s20, $0xb8;
	[tilespmem:$0x1E3C0] =	vst v63  }
0x289: {  	_ =	swait.ge [sflag:s17], $0x1900  }
0x28a: {  	[sflag:s17] =	ssyncset.done $0x0  }
0x28b: {  	[sflag:s17] =	ssyncadd.s32 $0xFFFFE700  }
0x28c: {  	_ =	swait.ge [sflag:s31], $0x1900  }
0x28d: {  	[sflag:s31] =	ssyncset.done $0x0  }
.Ltmp12:
0x28e: {  	s9 =	sadd.s32 $0x4F60, s9;
	[sflag:s31] =	ssyncadd.s32 $0xFFFFE700;
	(pc) =	sbr.rel .LBB2_20-.Ltmp12, $4  }
0x28f: {  	[spmem:s1] =	stream.indirect.scatter.add.f32 [tilespmem:s25], [sflag:$0x6], $0x50, s9, s20, $0xb8;
	[tilespmem:$0x1E3C0] =	vst v63  }
0x290: {  	_ =	swait.ge [sflag:s17], $0x1900  }
0x291: {  	[sflag:s17] =	ssyncset.done $0x0  }
0x292: {  	s9 =	rddreg [dreg:$0x3];
	[sflag:s17] =	ssyncadd.s32 $0xFFFFE700  }
.LBB2_21:
0x293: {  	_ =	sfence.sel $0x180000  }
0x294: {  	[bflag:$0x0] =	sbarrier.arrive $0xFFFF  }
0x295: {  	_ =	strace $0x90000047  }
0x296: {  	[bflag:$0x2] =	sbarrier.arrive $0xFFFF  }
0x297: {  	p0 =	sne.s32 s2, $0x0;
	s0 =	rddreg [dreg:$0x2]  }
0x298: {  	s0 =	sadd.s32 @!p0 $0x100000, s0  }
0x299: {  	[sflag:s0] =	ssyncadd.tile.s32 @!p0 $0x1;
	_ =	shalt  }
.Lfunc_end2:
_tile_overlayer_lowered:
.L_overlay_start_2:
0x29a: {  	(tag) =	ssettag $0x2  }
0x29b: {  	s0 =	rddreg [dreg:$0x0];
	s2 =	stileid.u32  }
0x29c: {  	s1 =	rddreg [dreg:$0x1];
	p0 =	sne.s32 s2, $0x0  }
0x29d: {  	s3 =	rddreg [dreg:$0x2];
	[bflag:$0x3] =	sbarrier.arrive $0xFFFF;
	s2 =	simm.s32 @!p0 $0x1C06  }
0x29e: {  	[timem:s3], [sflag:s2] =	dma.local @!p0 [hbm:s0], s1  }
0x29f: {  	s0 =	simm.s32 @!p0 $0x6  }
0x2a0: {  	_ =	swait.ge @!p0 [sflag:s0], s1  }
0x2a1: {  	s1 =	ssub.s32 @!p0 $0x0, s1;
	[sflag:s0] =	ssyncset.done @!p0 $0x0  }
0x2a2: {  	[sflag:s0] =	ssyncadd.s32 @!p0 s1  }
0x2a3: {  	[bflag:$0x3] =	sbarrier.arrive $0xFFFF  }
0x2a4: {  	_ =	shalt  }

</sc_bundles>
